<compile_context>
chip_gen: v7x
topology: tpu7x:2x2x1
jax: 0.10.2.dev20260603
libtpu: 0.0.44.dev20260713+nightly
codegen_flags: <defaults>
</compile_context>

<pallas_src>
import functools

import jax
import jax.numpy as jnp
import numpy as np
from jax import lax
from jax.experimental import pallas as pl
from jax.experimental.pallas import tpu as pltpu
from jax.experimental.pallas import tpu_sc as plsc

NUM_CLASSES = 80
ROI = 7
STRIDE = 8
SCORE_THR = 0.05
IOU_THR = 0.5
MAX_PER_IMG = 100
PRE_NMS = 1000
H = 80
W = 80
C = 128
N = 5000
RB = 512
NPAD = 5120
NBLK = NPAD // RB
MAX_RATIO = float(np.abs(np.log(1000.0 / 16.0)))



def _head_body(props_ref, ftx_ref, yexp_ref, wcls_ref, bcls_ref, wdx_ref,
               wdy_ref, wdw_ref, wdh_ref, breg_ref, scores_ref,
               bx1_ref, by1_ref, bx2_ref, by2_ref):
    props = props_ref[...]
    x1p = props[:, 0:1]
    y1p = props[:, 1:2]
    x2p = props[:, 2:3]
    y2p = props[:, 3:4]
    scale = 1.0 / STRIDE
    x1 = x1p * scale
    y1 = y1p * scale
    x2 = x2p * scale
    y2 = y2p * scale
    bw = jnp.maximum(x2 - x1, 1e-3) * (1.0 / ROI)
    bh = jnp.maximum(y2 - y1, 1e-3) * (1.0 / ROI)

    def samp_weights(lo, bsz):
        grid = jax.lax.broadcasted_iota(jnp.int32, (RB, W), 1).astype(jnp.float32)
        acc = jnp.zeros((RB, W), jnp.float32)
        for j in range(ROI):
            s = lo + (j + 0.5) * bsz
            f = jnp.floor(s)
            frac = s - f
            i0 = jnp.clip(f, 0.0, W - 1.0)
            i1 = jnp.clip(f + 1.0, 0.0, W - 1.0)
            acc = acc + jnp.where(grid == i0, 1.0 - frac, 0.0) \
                      + jnp.where(grid == i1, frac, 0.0)
        return acc * (1.0 / ROI)

    wx = samp_weights(x1, bw)
    wy = samp_weights(y1, bh)

    t = jax.lax.dot_general(wx, ftx_ref[...], (((1,), (0,)), ((), ())),
                            preferred_element_type=jnp.float32)
    wy_exp = jax.lax.dot_general(wy, yexp_ref[...], (((1,), (0,)), ((), ())),
                                 preferred_element_type=jnp.float32)
    prod = t * wy_exp
    parts = [prod[:, y * C:(y + 1) * C] for y in range(H)]
    while len(parts) > 1:
        nxt = [a + b for a, b in zip(parts[0::2], parts[1::2])]
        if len(parts) % 2:
            nxt[-1] = nxt[-1] + parts[-1]
        parts = nxt
    pooled = parts[0]

    logits = jax.lax.dot_general(pooled, wcls_ref[...], (((1,), (0,)), ((), ())),
                                 preferred_element_type=jnp.float32)
    logits = logits + bcls_ref[...]
    lane = jax.lax.broadcasted_iota(jnp.int32, (RB, 128), 1)
    logits = jnp.where(lane < NUM_CLASSES + 1, logits, -1e30)
    m = jnp.max(logits, axis=1, keepdims=True)
    e = jnp.exp(logits - m)
    ssum = jnp.sum(e, axis=1, keepdims=True)
    scores = e / ssum
    gid = pl.program_id(0)
    row = gid * RB + jax.lax.broadcasted_iota(jnp.int32, (RB, 1), 0)
    scores = jnp.where(row < N, scores, 0.0)
    scores_ref[...] = scores[:, :NUM_CLASSES]

    def reg_head(w_ref, b_ref, std):
        d = jax.lax.dot_general(pooled, w_ref[...], (((1,), (0,)), ((), ())),
                                preferred_element_type=jnp.float32)
        return (d + b_ref[...]) * std

    dx = reg_head(wdx_ref, breg_ref.at[0:1], 0.1)
    dy = reg_head(wdy_ref, breg_ref.at[1:2], 0.1)
    dw = reg_head(wdw_ref, breg_ref.at[2:3], 0.2)
    dh = reg_head(wdh_ref, breg_ref.at[3:4], 0.2)
    dw = jnp.clip(dw, -MAX_RATIO, MAX_RATIO)
    dh = jnp.clip(dh, -MAX_RATIO, MAX_RATIO)

    px = (x1p + x2p) * 0.5
    py = (y1p + y2p) * 0.5
    pw = x2p - x1p
    ph = y2p - y1p
    gx = px + pw * dx
    gy = py + ph * dy
    gw = pw * jnp.exp(dw)
    gh = ph * jnp.exp(dh)
    bx1_ref[...] = gx - gw * 0.5
    by1_ref[...] = gy - gh * 0.5
    bx2_ref[...] = gx + gw * 0.5
    by2_ref[...] = gy + gh * 0.5


_YEXP = np.repeat(np.eye(H, dtype=np.float32), C, axis=1)


def _run_head(props_pad, ftx, wcls_pad, bcls_pad, wdx, wdy, wdw, wdh, breg4):
    full = lambda shape: pl.BlockSpec(shape, lambda i: tuple(0 for _ in shape))
    planar_out = pl.BlockSpec((RB, NUM_CLASSES), lambda i: (i, 0))
    return pl.pallas_call(
        _head_body,
        grid=(NBLK,),
        in_specs=[
            pl.BlockSpec((RB, 4), lambda i: (i, 0)),
            full((W, H * C)),
            full((H, H * C)),
            full((C, 128)),
            full((1, 128)),
            full((C, NUM_CLASSES)),
            full((C, NUM_CLASSES)),
            full((C, NUM_CLASSES)),
            full((C, NUM_CLASSES)),
            full((4, NUM_CLASSES)),
        ],
        out_specs=[
            planar_out,
            planar_out, planar_out, planar_out, planar_out,
        ],
        out_shape=[
            jax.ShapeDtypeStruct((NPAD, NUM_CLASSES), jnp.float32),
            jax.ShapeDtypeStruct((NPAD, NUM_CLASSES), jnp.float32),
            jax.ShapeDtypeStruct((NPAD, NUM_CLASSES), jnp.float32),
            jax.ShapeDtypeStruct((NPAD, NUM_CLASSES), jnp.float32),
            jax.ShapeDtypeStruct((NPAD, NUM_CLASSES), jnp.float32),
        ],
        compiler_params=pltpu.CompilerParams(
            dimension_semantics=("arbitrary",)),
    )(props_pad, ftx, jnp.asarray(_YEXP), wcls_pad, bcls_pad,
      wdx, wdy, wdw, wdh, breg4)


NT = 32
TPT = NPAD // NT
CCAP = 3072
LCAP = 1024
EMPTY_IDX = 500000.0
INVAL_IDX = 600000.0


def _tocol(row):
    return jnp.reshape(row, (row.shape[1], 1))


def _merge_into(L_ref, chunk):
    allv = jnp.concatenate([L_ref[...], chunk], axis=1)
    sc_row = allv[0:1, :]
    idx_row = allv[1:2, :]
    sc_col = _tocol(sc_row)
    idx_col = _tocol(idx_row)
    rank_col = jnp.zeros((2 * LCAP, 1), jnp.float32)
    for s in range(4):
        scs = sc_row[:, s * 512:(s + 1) * 512]
        idxs = idx_row[:, s * 512:(s + 1) * 512]
        before = ((scs > sc_col) |
                  ((scs == sc_col) & (idxs < idx_col))).astype(jnp.float32)
        rank_col = rank_col + jnp.sum(before, axis=1, keepdims=True)
    lane = jax.lax.broadcasted_iota(jnp.int32, (1, LCAP), 1).astype(jnp.float32)
    w = (rank_col == lane).astype(jnp.float32)
    L_ref[...] = jax.lax.dot_general(allv, w, (((1,), (0,)), ((), ())),
                                     preferred_element_type=jnp.float32)


def _nms_body(cnt_ref, sc_ref, idx_ref, x1_ref, y1_ref, x2_ref, y2_ref,
              dets_ref, num_ref, L_ref, iou_ref,
              vsc_ref, vidx_ref, vx1_ref, vy1_ref, vx2_ref, vy2_ref, sem):
    lane = jax.lax.broadcasted_iota(jnp.int32, (1, LCAP), 1)
    lane_f = lane.astype(jnp.float32)

    L_ref[...] = jnp.concatenate(
        [jnp.zeros((1, LCAP), jnp.float32),
         EMPTY_IDX + lane_f,
         jnp.zeros((6, LCAP), jnp.float32)], axis=0)

    def region_body(wr, carry):
        cntw = cnt_ref[wr, 0]

        @pl.when(cntw > 0)
        def _do_region():
            pairs = [(sc_ref, vsc_ref), (idx_ref, vidx_ref),
                     (x1_ref, vx1_ref), (y1_ref, vy1_ref),
                     (x2_ref, vx2_ref), (y2_ref, vy2_ref)]
            copies = [pltpu.make_async_copy(src.at[pl.ds(wr, 1)], dst, sem)
                      for src, dst in pairs]
            for cp in copies:
                cp.start()
            for cp in copies:
                cp.wait()
            for c in range(CCAP // LCAP):
                @pl.when(cntw > c * LCAP)
                def _do_merge(c=c):
                    rem = cntw - c * LCAP
                    lm = lane < rem
                    raw_sc = vsc_ref[:, pl.ds(c * LCAP, LCAP)]
                    raw_idx = vidx_ref[:, pl.ds(c * LCAP, LCAP)].astype(
                        jnp.float32)
                    csc = jnp.where(lm, raw_sc, -1.0)
                    cidx = jnp.where(lm, raw_idx,
                                     INVAL_IDX + c * LCAP + lane_f)
                    cx1 = jnp.where(lm, vx1_ref[:, pl.ds(c * LCAP, LCAP)], 0.0)
                    cy1 = jnp.where(lm, vy1_ref[:, pl.ds(c * LCAP, LCAP)], 0.0)
                    cx2 = jnp.where(lm, vx2_ref[:, pl.ds(c * LCAP, LCAP)], 0.0)
                    cy2 = jnp.where(lm, vy2_ref[:, pl.ds(c * LCAP, LCAP)], 0.0)
                    chunk = jnp.concatenate(
                        [csc, cidx, cx1, cy1, cx2, cy2,
                         jnp.zeros((2, LCAP), jnp.float32)], axis=0)
                    _merge_into(L_ref, chunk)

        return carry

    jax.lax.fori_loop(0, NT, region_body, jnp.int32(0))

    def _final():
        L = L_ref[...]
        lsc = jnp.where(lane < PRE_NMS, L[0:1, :], 0.0)
        lidx = L[1:2, :]
        x1r = L[2:3, :]
        y1r = L[3:4, :]
        x2r = L[4:5, :]
        y2r = L[5:6, :]
        cls = lidx - jnp.floor(lidx * (1.0 / NUM_CLASSES)) * NUM_CLASSES
        off = cls * 4096.0
        ox1 = x1r + off
        oy1 = y1r + off
        ox2 = x2r + off
        oy2 = y2r + off
        ox1c = _tocol(ox1)
        oy1c = _tocol(oy1)
        ox2c = _tocol(ox2)
        oy2c = _tocol(oy2)
        area_r = jnp.maximum(ox2 - ox1, 0.0) * jnp.maximum(oy2 - oy1, 0.0)
        area_c = jnp.maximum(ox2c - ox1c, 0.0) * jnp.maximum(oy2c - oy1c, 0.0)
        ix1 = jnp.maximum(ox1c, ox1)
        iy1 = jnp.maximum(oy1c, oy1)
        ix2 = jnp.minimum(ox2c, ox2)
        iy2 = jnp.minimum(oy2c, oy2)
        inter = jnp.maximum(ix2 - ix1, 0.0) * jnp.maximum(iy2 - iy1, 0.0)
        iou_ref[...] = inter / (area_c + area_r - inter + 1e-6)

        npos = jnp.sum(jnp.where(lsc > 0.0, 1, 0))

        def body(i, keep):
            row = iou_ref[pl.ds(i, 1), :]
            ki = jnp.sum(jnp.where(lane == i, keep, 0.0))
            sup = (row > IOU_THR) & (lane > i) & (ki > 0.0)
            return jnp.where(sup, 0.0, keep)

        keep0 = jnp.where(lsc > 0.0, 1.0, 0.0)
        kept = jax.lax.fori_loop(0, npos, body, keep0)

        sub2d = jax.lax.broadcasted_iota(jnp.int32, (LCAP, LCAP), 0)
        lane2d = jax.lax.broadcasted_iota(jnp.int32, (LCAP, LCAP), 1)
        m3 = jnp.where(lane2d < sub2d, kept, 0.0)
        pr_col = jnp.sum(m3, axis=1, keepdims=True)
        lane128 = jax.lax.broadcasted_iota(
            jnp.int32, (1, 128), 1).astype(jnp.float32)
        wd = (pr_col == lane128).astype(jnp.float32)
        dmat = jnp.concatenate(
            [lsc, cls, x1r, y1r, x2r, y2r,
             jnp.zeros((2, LCAP), jnp.float32)], axis=0) * kept
        dets_ref[...] = jax.lax.dot_general(
            dmat, wd, (((1,), (0,)), ((), ())),
            preferred_element_type=jnp.float32)
        nk = jnp.sum(kept).astype(jnp.int32)
        num_ref[0, 0] = jnp.minimum(nk, MAX_PER_IMG)

    _final()


def _run_nms(cnt2d, csc, cidx, cx1, cy1, cx2, cy2):
    hbm_spec = pl.BlockSpec(memory_space=pl.ANY)
    return pl.pallas_call(
        _nms_body,
        in_specs=[
            pl.BlockSpec(memory_space=pltpu.SMEM),
            hbm_spec, hbm_spec, hbm_spec, hbm_spec, hbm_spec, hbm_spec,
        ],
        out_specs=[
            pl.BlockSpec((8, 128), lambda: (0, 0)),
            pl.BlockSpec(memory_space=pltpu.SMEM),
        ],
        out_shape=[
            jax.ShapeDtypeStruct((8, 128), jnp.float32),
            jax.ShapeDtypeStruct((1, 1), jnp.int32),
        ],
        scratch_shapes=[
            pltpu.VMEM((8, LCAP), jnp.float32),
            pltpu.VMEM((LCAP, LCAP), jnp.float32),
            pltpu.VMEM((1, CCAP), jnp.float32),
            pltpu.VMEM((1, CCAP), jnp.int32),
            pltpu.VMEM((1, CCAP), jnp.float32),
            pltpu.VMEM((1, CCAP), jnp.float32),
            pltpu.VMEM((1, CCAP), jnp.float32),
            pltpu.VMEM((1, CCAP), jnp.float32),
            pltpu.SemaphoreType.DMA,
        ],
    )(cnt2d, csc, cidx, cx1, cy1, cx2, cy2)


def _sc_compact_body(scores_hbm, bx1_hbm, by1_hbm, bx2_hbm, by2_hbm,
                     cnt_out, sc_out, idx_out, x1_out, y1_out, x2_out, y2_out,
                     sc_v, bx1_v, by1_v, bx2_v, by2_v,
                     csc_v, cidx_v, cx1_v, cy1_v, cx2_v, cy2_v,
                     cnt_v, cnt_s):
    nc = 2
    wid = lax.axis_index("s") * nc + lax.axis_index("c")
    base = wid * TPT
    pltpu.sync_copy(scores_hbm.at[pl.ds(base, TPT)], sc_v)
    pltpu.sync_copy(bx1_hbm.at[pl.ds(base, TPT)], bx1_v)
    pltpu.sync_copy(by1_hbm.at[pl.ds(base, TPT)], by1_v)
    pltpu.sync_copy(bx2_hbm.at[pl.ds(base, TPT)], bx2_v)
    pltpu.sync_copy(by2_hbm.at[pl.ds(base, TPT)], by2_v)
    lane16 = lax.broadcasted_iota(jnp.int32, (16,), 0)
    cnt_s[0] = 0

    def _prefix_inclusive(x):
        for d in (1, 2, 4, 8):
            src = jnp.maximum(lane16 - d, 0)
            y = x.at[src].get(mode="promise_in_bounds")
            x = x + jnp.where(lane16 >= d, y, 0.0)
        return x

    def row_body(r, carry):
        svals = [sc_v[r, pl.ds(v * 16, 16)] for v in range(NUM_CLASSES // 16)]
        masks = [s > SCORE_THR for s in svals]
        many = (masks[0] | masks[1]) | (masks[2] | masks[3]) | masks[4]
        npos_any = plsc.all_reduce_population_count(many)[0]

        @pl.when(npos_any > 0)
        def _process_row():
            cnt = jnp.full((16,), cnt_s[0], jnp.int32)
            for v in range(NUM_CLASSES // 16):
                s = svals[v]
                m = masks[v]
                mf = jnp.where(m, 1.0, 0.0)
                csum = _prefix_inclusive(mf).astype(jnp.int32)
                pos = (cnt + csum) - 1
                gidx = (base + r) * NUM_CLASSES + v * 16 + lane16
                plsc.store_scatter(csc_v, [pos], s, mask=m)
                plsc.store_scatter(cidx_v, [pos], gidx, mask=m)
                plsc.store_scatter(cx1_v, [pos], bx1_v[r, pl.ds(v * 16, 16)],
                                   mask=m)
                plsc.store_scatter(cy1_v, [pos], by1_v[r, pl.ds(v * 16, 16)],
                                   mask=m)
                plsc.store_scatter(cx2_v, [pos], bx2_v[r, pl.ds(v * 16, 16)],
                                   mask=m)
                plsc.store_scatter(cy2_v, [pos], by2_v[r, pl.ds(v * 16, 16)],
                                   mask=m)
                last = csum.at[jnp.full((16,), 15, jnp.int32)].get(
                    mode="promise_in_bounds")
                cnt = cnt + last
            cnt_s[0] = cnt[0]

        return carry

    lax.fori_loop(0, TPT, row_body, jnp.int32(0))
    cnt_v[...] = jnp.full((16,), cnt_s[0], jnp.int32)
    pltpu.sync_copy(cnt_v, cnt_out.at[pl.ds(wid * 16, 16)])
    pltpu.sync_copy(csc_v, sc_out.at[wid])
    pltpu.sync_copy(cidx_v, idx_out.at[wid])
    pltpu.sync_copy(cx1_v, x1_out.at[wid])
    pltpu.sync_copy(cy1_v, y1_out.at[wid])
    pltpu.sync_copy(cx2_v, x2_out.at[wid])
    pltpu.sync_copy(cy2_v, y2_out.at[wid])


def _run_sc_compact(scores_pad, bx1, by1, bx2, by2):
    f32 = jnp.float32
    i32 = jnp.int32
    mesh = plsc.VectorSubcoreMesh(core_axis_name="c", subcore_axis_name="s")
    k = functools.partial(
        pl.kernel,
        mesh=mesh,
        out_type=[
            jax.ShapeDtypeStruct((NT * 16,), i32),
            jax.ShapeDtypeStruct((NT, CCAP), f32),
            jax.ShapeDtypeStruct((NT, CCAP), i32),
            jax.ShapeDtypeStruct((NT, CCAP), f32),
            jax.ShapeDtypeStruct((NT, CCAP), f32),
            jax.ShapeDtypeStruct((NT, CCAP), f32),
            jax.ShapeDtypeStruct((NT, CCAP), f32),
        ],
        scratch_types=[
            pltpu.VMEM((TPT, NUM_CLASSES), f32),
            pltpu.VMEM((TPT, NUM_CLASSES), f32),
            pltpu.VMEM((TPT, NUM_CLASSES), f32),
            pltpu.VMEM((TPT, NUM_CLASSES), f32),
            pltpu.VMEM((TPT, NUM_CLASSES), f32),
            pltpu.VMEM((CCAP,), f32),
            pltpu.VMEM((CCAP,), i32),
            pltpu.VMEM((CCAP,), f32),
            pltpu.VMEM((CCAP,), f32),
            pltpu.VMEM((CCAP,), f32),
            pltpu.VMEM((CCAP,), f32),
            pltpu.VMEM((16,), i32),
            pltpu.SMEM((1,), i32),
        ],
        compiler_params=pltpu.CompilerParams(needs_layout_passes=False),
    )(_sc_compact_body)
    return k(scores_pad, bx1, by1, bx2, by2)


def kernel(feat, proposals, W_cls, b_cls, W_reg, b_reg):
    ftx = jnp.transpose(feat[0], (2, 1, 0)).reshape(W, H * C)
    props_pad = jnp.pad(proposals[0], ((0, NPAD - N), (0, 0)))
    wcls_pad = jnp.pad(W_cls, ((0, 0), (0, 128 - (NUM_CLASSES + 1))))
    bcls_pad = jnp.pad(b_cls, (0, 128 - (NUM_CLASSES + 1))).reshape(1, 128)
    breg4 = jnp.transpose(b_reg.reshape(NUM_CLASSES, 4))
    wdx = W_reg[:, 0::4]
    wdy = W_reg[:, 1::4]
    wdw = W_reg[:, 2::4]
    wdh = W_reg[:, 3::4]

    scores_pad, bx1, by1, bx2, by2 = _run_head(
        props_pad, ftx, wcls_pad, bcls_pad, wdx, wdy, wdw, wdh, breg4)
    cntv, csc, cidx, cx1, cy1, cx2, cy2 = _run_sc_compact(
        scores_pad, bx1, by1, bx2, by2)
    cnt2d = cntv.reshape(NT, 16)
    dets, num = _run_nms(cnt2d, csc, cidx, cx1, cy1, cx2, cy2)
    det_sc = dets[0, :MAX_PER_IMG]
    det_cls = jnp.where(det_sc > 0.0,
                        dets[1, :MAX_PER_IMG].astype(jnp.int32), -1)
    det_bx = jnp.transpose(dets[2:6, :MAX_PER_IMG])
    num_s = num[0, 0]
    return (num_s[None], det_bx[None], det_sc[None], det_cls[None])

# --- scband reference (transcript-rebuilt; emitter-appended) ---
"""Pipeline reference for scband-standard-ro-ihead-warper-60541859004651 (READ-ONLY COPY).

The authoritative reference and input builder live on the scoring server;
editing this copy changes nothing except your own understanding.
"""

import jax, jax.numpy as jnp
import numpy as np

NUM_CLASSES = 80
ROI = 7
STRIDE = 8
SCORE_THR = 0.05
IOU_THR = 0.5
MAX_PER_IMG = 100
PRE_NMS = 1000
MEANS = np.array([0.0, 0.0, 0.0, 0.0], dtype=np.float32)
STDS = np.array([0.1, 0.1, 0.2, 0.2], dtype=np.float32)


def setup_inputs(seed: int = 0):
    key = jax.random.key(seed)
    ks = jax.random.split(key, 6)
    B, N, C, H, W = 1, 5000, 128, 80, 80
    feat = jax.random.normal(ks[0], (B, C, H, W), dtype=jnp.float32)
    cxy = jax.random.uniform(ks[1], (B, N, 2), minval=16.0, maxval=624.0)
    wh = jax.random.uniform(ks[2], (B, N, 2), minval=16.0, maxval=160.0)
    x1y1 = jnp.clip(cxy - wh * 0.5, 0.0, 640.0)
    x2y2 = jnp.clip(cxy + wh * 0.5, 0.0, 640.0)
    proposals = jnp.concatenate([x1y1, x2y2], axis=-1)
    W_cls = jax.random.normal(ks[3], (C, NUM_CLASSES + 1), dtype=jnp.float32) * 0.02
    b_cls = jnp.zeros((NUM_CLASSES + 1,), dtype=jnp.float32)
    W_reg = jax.random.normal(ks[4], (C, NUM_CLASSES * 4), dtype=jnp.float32) * 0.02
    b_reg = jnp.zeros((NUM_CLASSES * 4,), dtype=jnp.float32)
    return {"feat": feat, "proposals": proposals, "W_cls": W_cls, "b_cls": b_cls, "W_reg": W_reg, "b_reg": b_reg}


def _roi_align(feat_b, rois):
    C, H, W = feat_b.shape
    R = rois.shape[0]
    scale = 1.0 / STRIDE
    x1 = rois[:, 0] * scale
    y1 = rois[:, 1] * scale
    x2 = rois[:, 2] * scale
    y2 = rois[:, 3] * scale
    bw = jnp.maximum(x2 - x1, 1e-3) / ROI
    bh = jnp.maximum(y2 - y1, 1e-3) / ROI
    c = jnp.arange(ROI, dtype=jnp.float32) + 0.5
    sx = x1[:, None] + c[None, :] * bw[:, None]
    sy = y1[:, None] + c[None, :] * bh[:, None]
    xx = jnp.broadcast_to(sx[:, None, :], (R, ROI, ROI))
    yy = jnp.broadcast_to(sy[:, :, None], (R, ROI, ROI))
    x0f = jnp.floor(xx)
    y0f = jnp.floor(yy)
    wx = (xx - x0f)[..., None]
    wy = (yy - y0f)[..., None]
    x0 = jnp.clip(x0f.astype(jnp.int32), 0, W - 1)
    x1i = jnp.clip(x0 + 1, 0, W - 1)
    y0 = jnp.clip(y0f.astype(jnp.int32), 0, H - 1)
    y1i = jnp.clip(y0 + 1, 0, H - 1)
    ft = jnp.transpose(feat_b, (1, 2, 0))
    v00 = ft[y0, x0]
    v01 = ft[y0, x1i]
    v10 = ft[y1i, x0]
    v11 = ft[y1i, x1i]
    val = v00 * (1 - wx) * (1 - wy) + v01 * wx * (1 - wy) + v10 * (1 - wx) * wy + v11 * wx * wy
    return val.mean(axis=(1, 2))


def _delta2bbox(props, deltas):
    R = props.shape[0]
    d = deltas.reshape(R, NUM_CLASSES, 4) * jnp.asarray(STDS) + jnp.asarray(MEANS)
    px = (props[:, 0] + props[:, 2]) * 0.5
    py = (props[:, 1] + props[:, 3]) * 0.5
    pw = props[:, 2] - props[:, 0]
    ph = props[:, 3] - props[:, 1]
    max_ratio = float(np.abs(np.log(1000.0 / 16.0)))
    dx = d[..., 0]
    dy = d[..., 1]
    dw = jnp.clip(d[..., 2], -max_ratio, max_ratio)
    dh = jnp.clip(d[..., 3], -max_ratio, max_ratio)
    gx = px[:, None] + pw[:, None] * dx
    gy = py[:, None] + ph[:, None] * dy
    gw = pw[:, None] * jnp.exp(dw)
    gh = ph[:, None] * jnp.exp(dh)
    return jnp.stack([gx - gw * 0.5, gy - gh * 0.5, gx + gw * 0.5, gy + gh * 0.5], axis=-1)


def _pairwise_iou(b):
    x1 = b[:, 0]
    y1 = b[:, 1]
    x2 = b[:, 2]
    y2 = b[:, 3]
    area = jnp.maximum(x2 - x1, 0.0) * jnp.maximum(y2 - y1, 0.0)
    ix1 = jnp.maximum(x1[:, None], x1[None, :])
    iy1 = jnp.maximum(y1[:, None], y1[None, :])
    ix2 = jnp.minimum(x2[:, None], x2[None, :])
    iy2 = jnp.minimum(y2[:, None], y2[None, :])
    inter = jnp.maximum(ix2 - ix1, 0.0) * jnp.maximum(iy2 - iy1, 0.0)
    return inter / (area[:, None] + area[None, :] - inter + 1e-6)


def _batched_nms(scores, boxes):
    N = scores.shape[0]
    sc = scores[:, :NUM_CLASSES].reshape(-1)
    bx = boxes[:, :NUM_CLASSES, :].reshape(-1, 4)
    cls = jnp.tile(jnp.arange(NUM_CLASSES, dtype=jnp.int32), N)
    sc = jnp.where(sc > SCORE_THR, sc, 0.0)
    top_sc, top_idx = jax.lax.top_k(sc, PRE_NMS)
    top_bx = bx[top_idx]
    top_cls = cls[top_idx]
    off = top_cls.astype(jnp.float32) * 4096.0
    iou = jax.lax.stop_gradient(_pairwise_iou(top_bx + off[:, None]))
    valid0 = top_sc > 0.0
    idxs = jnp.arange(PRE_NMS)

    def body(i, keep):
        sup = (iou[i] > IOU_THR) & (idxs > i) & keep[i]
        return keep & (~sup)

    keep = jax.lax.fori_loop(0, PRE_NMS, body, valid0)
    final_sc = jnp.where(keep, top_sc, 0.0)
    det_sc, det_i = jax.lax.top_k(final_sc, MAX_PER_IMG)
    det_bx = top_bx[det_i]
    det_cls = top_cls[det_i]
    pos = det_sc > 0.0
    det_bx = jnp.where(pos[:, None], det_bx, 0.0)
    det_cls = jnp.where(pos, det_cls, -1)
    num = jnp.sum(pos.astype(jnp.int32))
    return num, det_bx, det_sc, det_cls


def _forward(feat, proposals, W_cls, b_cls, W_reg, b_reg):
    B, N = proposals.shape[0], proposals.shape[1]
    nums, dbs, dss, dcs = [], [], [], []
    for b in range(B):
        props = proposals[b]
        pooled = _roi_align(feat[b], props)
        cls_score = pooled @ W_cls + b_cls
        bbox_pred = pooled @ W_reg + b_reg
        scores = jax.nn.softmax(cls_score, axis=1)
        bboxes = _delta2bbox(props, bbox_pred)
        bboxes = jnp.concatenate([bboxes, jnp.zeros((N, 1, 4), dtype=bboxes.dtype)], axis=1)
        num, db, ds, dc = _batched_nms(scores, bboxes)
        nums.append(num)
        dbs.append(db)
        dss.append(ds)
        dcs.append(dc)
    return (jnp.stack(nums), jnp.stack(dbs), jnp.stack(dss), jnp.stack(dcs))


def reference(feat, proposals, W_cls, b_cls, W_reg, b_reg):
    return _forward(feat, proposals, W_cls, b_cls, W_reg, b_reg)

if __name__ == "__main__":
    import jax
    _d = setup_inputs()
    print(jax.jit(kernel)(*tuple(_d.values())))

</pallas_src>

<mosaic_0001>
#map = affine_map<(d0, d1) -> (0, 0)>
#map1 = affine_map<(d0, d1) -> (0)>
module attributes {stable_mosaic.version = 14 : i64} {
  func.func @_sc_compact_body(%arg0: i32, %arg1: i32, %arg2: memref<5120x80xf32, #tpu.memory_space<hbm>>, %arg3: memref<5120x80xf32, #tpu.memory_space<hbm>>, %arg4: memref<5120x80xf32, #tpu.memory_space<hbm>>, %arg5: memref<5120x80xf32, #tpu.memory_space<hbm>>, %arg6: memref<5120x80xf32, #tpu.memory_space<hbm>>, %arg7: memref<512xi32, #tpu.memory_space<hbm>>, %arg8: memref<32x3072xf32, #tpu.memory_space<hbm>>, %arg9: memref<32x3072xi32, #tpu.memory_space<hbm>>, %arg10: memref<32x3072xf32, #tpu.memory_space<hbm>>, %arg11: memref<32x3072xf32, #tpu.memory_space<hbm>>, %arg12: memref<32x3072xf32, #tpu.memory_space<hbm>>, %arg13: memref<32x3072xf32, #tpu.memory_space<hbm>>, %arg14: memref<160x80xf32, #tpu.memory_space<vmem>>, %arg15: memref<160x80xf32, #tpu.memory_space<vmem>>, %arg16: memref<160x80xf32, #tpu.memory_space<vmem>>, %arg17: memref<160x80xf32, #tpu.memory_space<vmem>>, %arg18: memref<160x80xf32, #tpu.memory_space<vmem>>, %arg19: memref<3072xf32, #tpu.memory_space<vmem>>, %arg20: memref<3072xi32, #tpu.memory_space<vmem>>, %arg21: memref<3072xf32, #tpu.memory_space<vmem>>, %arg22: memref<3072xf32, #tpu.memory_space<vmem>>, %arg23: memref<3072xf32, #tpu.memory_space<vmem>>, %arg24: memref<3072xf32, #tpu.memory_space<vmem>>, %arg25: memref<16xi32, #tpu.memory_space<vmem>>, %arg26: memref<1xi32, #tpu.memory_space<smem>>) attributes {dimension_semantics = [#tpu.dimension_semantics<core_parallel>, #tpu.dimension_semantics<subcore_parallel>], iteration_bounds = array<i64: 2, 16>, scalar_prefetch = 0 : i64, scratch_operands = 13 : i64, tpu.core_type = #tpu.core_type<sc_vector_subcore>, window_params = [{transform_indices = #map}, {transform_indices = #map}, {transform_indices = #map}, {transform_indices = #map}, {transform_indices = #map}, {transform_indices = #map1}, {transform_indices = #map}, {transform_indices = #map}, {transform_indices = #map}, {transform_indices = #map}, {transform_indices = #map}, {transform_indices = #map}]} {
    %mul3A = arith.constant 2 : i32
    %mul3A_0 = arith.muli %arg1, %mul3A : i32
    %add3A = arith.addi %mul3A_0, %arg0 : i32
    %mul3A_1 = arith.constant 160 : i32
    %mul3A_2 = arith.muli %add3A, %mul3A_1 : i32
    "tpu.region"() ({
      %run_scoped3A = tpu.sem_alloc : memref<!tpu.dma_semaphore, #tpu.memory_space<semaphore_mem>>
      %dma_start3A = arith.constant 0 : i32
      %dma_start3A_17 = tpu.memref_slice %arg2[%mul3A_2, %dma_start3A] : memref<5120x80xf32, #tpu.memory_space<hbm>> -> memref<160x80xf32, #tpu.memory_space<hbm>>
      %dma_start3A_18 = arith.constant 0 : i32
      %dma_start3A_19 = tpu.memref_slice %arg2[%mul3A_2, %dma_start3A_18] : memref<5120x80xf32, #tpu.memory_space<hbm>> -> memref<160x80xf32, #tpu.memory_space<hbm>>
      tpu.enqueue_dma source(%dma_start3A_19 : memref<160x80xf32, #tpu.memory_space<hbm>>) target(%arg14 : memref<160x80xf32, #tpu.memory_space<vmem>>) target_semaphore(%run_scoped3A : memref<!tpu.dma_semaphore, #tpu.memory_space<semaphore_mem>>)
      %dma_wait3A = arith.constant 0 : i32
      %dma_wait3A_20 = tpu.memref_slice %arg2[%mul3A_2, %dma_wait3A] : memref<5120x80xf32, #tpu.memory_space<hbm>> -> memref<160x80xf32, #tpu.memory_space<hbm>>
      %dma_wait3A_21 = arith.constant 0 : i32
      %dma_wait3A_22 = tpu.memref_slice %arg2[%mul3A_2, %dma_wait3A_21] : memref<5120x80xf32, #tpu.memory_space<hbm>> -> memref<160x80xf32, #tpu.memory_space<hbm>>
      tpu.wait_dma2 semaphore(%run_scoped3A : memref<!tpu.dma_semaphore, #tpu.memory_space<semaphore_mem>>) src(%dma_wait3A_22 : memref<160x80xf32, #tpu.memory_space<hbm>>) dst(%arg14 : memref<160x80xf32, #tpu.memory_space<vmem>>)
      tpu.yield
    }) : () -> ()
    "tpu.region"() ({
      %run_scoped3A = tpu.sem_alloc : memref<!tpu.dma_semaphore, #tpu.memory_space<semaphore_mem>>
      %dma_start3A = arith.constant 0 : i32
      %dma_start3A_17 = tpu.memref_slice %arg3[%mul3A_2, %dma_start3A] : memref<5120x80xf32, #tpu.memory_space<hbm>> -> memref<160x80xf32, #tpu.memory_space<hbm>>
      %dma_start3A_18 = arith.constant 0 : i32
      %dma_start3A_19 = tpu.memref_slice %arg3[%mul3A_2, %dma_start3A_18] : memref<5120x80xf32, #tpu.memory_space<hbm>> -> memref<160x80xf32, #tpu.memory_space<hbm>>
      tpu.enqueue_dma source(%dma_start3A_19 : memref<160x80xf32, #tpu.memory_space<hbm>>) target(%arg15 : memref<160x80xf32, #tpu.memory_space<vmem>>) target_semaphore(%run_scoped3A : memref<!tpu.dma_semaphore, #tpu.memory_space<semaphore_mem>>)
      %dma_wait3A = arith.constant 0 : i32
      %dma_wait3A_20 = tpu.memref_slice %arg3[%mul3A_2, %dma_wait3A] : memref<5120x80xf32, #tpu.memory_space<hbm>> -> memref<160x80xf32, #tpu.memory_space<hbm>>
      %dma_wait3A_21 = arith.constant 0 : i32
      %dma_wait3A_22 = tpu.memref_slice %arg3[%mul3A_2, %dma_wait3A_21] : memref<5120x80xf32, #tpu.memory_space<hbm>> -> memref<160x80xf32, #tpu.memory_space<hbm>>
      tpu.wait_dma2 semaphore(%run_scoped3A : memref<!tpu.dma_semaphore, #tpu.memory_space<semaphore_mem>>) src(%dma_wait3A_22 : memref<160x80xf32, #tpu.memory_space<hbm>>) dst(%arg15 : memref<160x80xf32, #tpu.memory_space<vmem>>)
      tpu.yield
    }) : () -> ()
    "tpu.region"() ({
      %run_scoped3A = tpu.sem_alloc : memref<!tpu.dma_semaphore, #tpu.memory_space<semaphore_mem>>
      %dma_start3A = arith.constant 0 : i32
      %dma_start3A_17 = tpu.memref_slice %arg4[%mul3A_2, %dma_start3A] : memref<5120x80xf32, #tpu.memory_space<hbm>> -> memref<160x80xf32, #tpu.memory_space<hbm>>
      %dma_start3A_18 = arith.constant 0 : i32
      %dma_start3A_19 = tpu.memref_slice %arg4[%mul3A_2, %dma_start3A_18] : memref<5120x80xf32, #tpu.memory_space<hbm>> -> memref<160x80xf32, #tpu.memory_space<hbm>>
      tpu.enqueue_dma source(%dma_start3A_19 : memref<160x80xf32, #tpu.memory_space<hbm>>) target(%arg16 : memref<160x80xf32, #tpu.memory_space<vmem>>) target_semaphore(%run_scoped3A : memref<!tpu.dma_semaphore, #tpu.memory_space<semaphore_mem>>)
      %dma_wait3A = arith.constant 0 : i32
      %dma_wait3A_20 = tpu.memref_slice %arg4[%mul3A_2, %dma_wait3A] : memref<5120x80xf32, #tpu.memory_space<hbm>> -> memref<160x80xf32, #tpu.memory_space<hbm>>
      %dma_wait3A_21 = arith.constant 0 : i32
      %dma_wait3A_22 = tpu.memref_slice %arg4[%mul3A_2, %dma_wait3A_21] : memref<5120x80xf32, #tpu.memory_space<hbm>> -> memref<160x80xf32, #tpu.memory_space<hbm>>
      tpu.wait_dma2 semaphore(%run_scoped3A : memref<!tpu.dma_semaphore, #tpu.memory_space<semaphore_mem>>) src(%dma_wait3A_22 : memref<160x80xf32, #tpu.memory_space<hbm>>) dst(%arg16 : memref<160x80xf32, #tpu.memory_space<vmem>>)
      tpu.yield
    }) : () -> ()
    "tpu.region"() ({
      %run_scoped3A = tpu.sem_alloc : memref<!tpu.dma_semaphore, #tpu.memory_space<semaphore_mem>>
      %dma_start3A = arith.constant 0 : i32
      %dma_start3A_17 = tpu.memref_slice %arg5[%mul3A_2, %dma_start3A] : memref<5120x80xf32, #tpu.memory_space<hbm>> -> memref<160x80xf32, #tpu.memory_space<hbm>>
      %dma_start3A_18 = arith.constant 0 : i32
      %dma_start3A_19 = tpu.memref_slice %arg5[%mul3A_2, %dma_start3A_18] : memref<5120x80xf32, #tpu.memory_space<hbm>> -> memref<160x80xf32, #tpu.memory_space<hbm>>
      tpu.enqueue_dma source(%dma_start3A_19 : memref<160x80xf32, #tpu.memory_space<hbm>>) target(%arg17 : memref<160x80xf32, #tpu.memory_space<vmem>>) target_semaphore(%run_scoped3A : memref<!tpu.dma_semaphore, #tpu.memory_space<semaphore_mem>>)
      %dma_wait3A = arith.constant 0 : i32
      %dma_wait3A_20 = tpu.memref_slice %arg5[%mul3A_2, %dma_wait3A] : memref<5120x80xf32, #tpu.memory_space<hbm>> -> memref<160x80xf32, #tpu.memory_space<hbm>>
      %dma_wait3A_21 = arith.constant 0 : i32
      %dma_wait3A_22 = tpu.memref_slice %arg5[%mul3A_2, %dma_wait3A_21] : memref<5120x80xf32, #tpu.memory_space<hbm>> -> memref<160x80xf32, #tpu.memory_space<hbm>>
      tpu.wait_dma2 semaphore(%run_scoped3A : memref<!tpu.dma_semaphore, #tpu.memory_space<semaphore_mem>>) src(%dma_wait3A_22 : memref<160x80xf32, #tpu.memory_space<hbm>>) dst(%arg17 : memref<160x80xf32, #tpu.memory_space<vmem>>)
      tpu.yield
    }) : () -> ()
    "tpu.region"() ({
      %run_scoped3A = tpu.sem_alloc : memref<!tpu.dma_semaphore, #tpu.memory_space<semaphore_mem>>
      %dma_start3A = arith.constant 0 : i32
      %dma_start3A_17 = tpu.memref_slice %arg6[%mul3A_2, %dma_start3A] : memref<5120x80xf32, #tpu.memory_space<hbm>> -> memref<160x80xf32, #tpu.memory_space<hbm>>
      %dma_start3A_18 = arith.constant 0 : i32
      %dma_start3A_19 = tpu.memref_slice %arg6[%mul3A_2, %dma_start3A_18] : memref<5120x80xf32, #tpu.memory_space<hbm>> -> memref<160x80xf32, #tpu.memory_space<hbm>>
      tpu.enqueue_dma source(%dma_start3A_19 : memref<160x80xf32, #tpu.memory_space<hbm>>) target(%arg18 : memref<160x80xf32, #tpu.memory_space<vmem>>) target_semaphore(%run_scoped3A : memref<!tpu.dma_semaphore, #tpu.memory_space<semaphore_mem>>)
      %dma_wait3A = arith.constant 0 : i32
      %dma_wait3A_20 = tpu.memref_slice %arg6[%mul3A_2, %dma_wait3A] : memref<5120x80xf32, #tpu.memory_space<hbm>> -> memref<160x80xf32, #tpu.memory_space<hbm>>
      %dma_wait3A_21 = arith.constant 0 : i32
      %dma_wait3A_22 = tpu.memref_slice %arg6[%mul3A_2, %dma_wait3A_21] : memref<5120x80xf32, #tpu.memory_space<hbm>> -> memref<160x80xf32, #tpu.memory_space<hbm>>
      tpu.wait_dma2 semaphore(%run_scoped3A : memref<!tpu.dma_semaphore, #tpu.memory_space<semaphore_mem>>) src(%dma_wait3A_22 : memref<160x80xf32, #tpu.memory_space<hbm>>) dst(%arg18 : memref<160x80xf32, #tpu.memory_space<vmem>>)
      tpu.yield
    }) : () -> ()
    %iota3A = tpu.iota {dimensions = array<i32: 0>} : vector<16xi32>
    %swap3A = arith.constant 0 : i32
    %swap3A_3 = arith.constant 0 : i32
    %swap3A_4 = arith.index_cast %swap3A_3 : i32 to index
    %swap3A_5 = memref.load %arg26[%swap3A_4] : memref<1xi32, #tpu.memory_space<smem>>
    memref.store %swap3A, %arg26[%swap3A_4] : memref<1xi32, #tpu.memory_space<smem>>
    %scan3A = arith.constant 0 : i32
    %scan3A_6 = arith.constant 0 : i32
    %scan3A_7 = arith.constant 160 : i32
    %scan3A_8 = arith.addi %scan3A_6, %scan3A_7 : i32
    %scan3A_9 = arith.constant 1 : i32
    scf.for %scan3A_17 = %scan3A_6 to %scan3A_8 step %scan3A_9  : i32 {
      %get3A_18 = arith.index_cast %scan3A_17 : i32 to index
      %get3A_19 = arith.constant 0 : index
      %get3A_20 = tpu.vector_load %arg14[%get3A_18, %get3A_19] {strides = array<i32>} : memref<160x80xf32, #tpu.memory_space<vmem>>, vector<16xf32>,
      %get3A_21 = arith.index_cast %scan3A_17 : i32 to index
      %get3A_22 = arith.constant 16 : index
      %get3A_23 = tpu.vector_load %arg14[%get3A_21, %get3A_22] {strides = array<i32>} : memref<160x80xf32, #tpu.memory_space<vmem>>, vector<16xf32>,
      %get3A_24 = arith.index_cast %scan3A_17 : i32 to index
      %get3A_25 = arith.constant 32 : index
      %get3A_26 = tpu.vector_load %arg14[%get3A_24, %get3A_25] {strides = array<i32>} : memref<160x80xf32, #tpu.memory_space<vmem>>, vector<16xf32>,
      %get3A_27 = arith.index_cast %scan3A_17 : i32 to index
      %get3A_28 = arith.constant 48 : index
      %get3A_29 = tpu.vector_load %arg14[%get3A_27, %get3A_28] {strides = array<i32>} : memref<160x80xf32, #tpu.memory_space<vmem>>, vector<16xf32>,
      %get3A_30 = arith.index_cast %scan3A_17 : i32 to index
      %get3A_31 = arith.constant 64 : index
      %get3A_32 = tpu.vector_load %arg14[%get3A_30, %get3A_31] {strides = array<i32>} : memref<160x80xf32, #tpu.memory_space<vmem>>, vector<16xf32>,
      %gt3A = arith.constant 5.000000e-02 : f32
      %gt3A_33 = vector.broadcast %gt3A : f32 to vector<16xf32>
      %gt3A_34 = arith.cmpf ogt, %get3A_20, %gt3A_33 : vector<16xf32>
      %gt3A_35 = arith.constant 5.000000e-02 : f32
      %gt3A_36 = vector.broadcast %gt3A_35 : f32 to vector<16xf32>
      %gt3A_37 = arith.cmpf ogt, %get3A_23, %gt3A_36 : vector<16xf32>
      %gt3A_38 = arith.constant 5.000000e-02 : f32
      %gt3A_39 = vector.broadcast %gt3A_38 : f32 to vector<16xf32>
      %gt3A_40 = arith.cmpf ogt, %get3A_26, %gt3A_39 : vector<16xf32>
      %gt3A_41 = arith.constant 5.000000e-02 : f32
      %gt3A_42 = vector.broadcast %gt3A_41 : f32 to vector<16xf32>
      %gt3A_43 = arith.cmpf ogt, %get3A_29, %gt3A_42 : vector<16xf32>
      %gt3A_44 = arith.constant 5.000000e-02 : f32
      %gt3A_45 = vector.broadcast %gt3A_44 : f32 to vector<16xf32>
      %gt3A_46 = arith.cmpf ogt, %get3A_32, %gt3A_45 : vector<16xf32>
      %or3A = arith.ori %gt3A_34, %gt3A_37 : vector<16xi1>
      %or3A_47 = arith.ori %gt3A_40, %gt3A_43 : vector<16xi1>
      %or3A_48 = arith.ori %or3A, %or3A_47 : vector<16xi1>
      %or3A_49 = arith.ori %or3A_48, %gt3A_46 : vector<16xi1>
      %all_reduce_population_count3A = tpu.all_reduce %or3A_49 {dim = 0 : i64, kind = #tpu.reduction_kind<sum>} : vector<16xi1> -> vector<16xi32>
      %slice3A = vector.extract_strided_slice %all_reduce_population_count3A {offsets = [0], sizes = [1], strides = [1]} : vector<16xi32> to vector<1xi32>
      %squeeze3A = vector.extract %slice3A[0] : i32 from vector<1xi32>
      %gt3A_50 = arith.constant 0 : i32
      %gt3A_51 = arith.cmpi sgt, %squeeze3A, %gt3A_50 : i32
      %convert_element_type3A = arith.extui %gt3A_51 : i1 to i32
      %cond3A = arith.constant 0 : i32
      %cond3A_52 = arith.cmpi ne, %convert_element_type3A, %cond3A : i32
      scf.if %cond3A_52 {
        %get3A_53 = arith.constant 0 : i32
        %get3A_54 = arith.index_cast %get3A_53 : i32 to index
        %get3A_55 = memref.load %arg26[%get3A_54] : memref<1xi32, #tpu.memory_space<smem>>
        %broadcast_in_dim3A_56 = vector.broadcast %get3A_55 : i32 to vector<16xi32>
        %jit3A = arith.constant 1.000000e+00 : f32
        %jit3A_57 = arith.constant 0.000000e+00 : f32
        %broadcast_in_dim3A_58 = vector.broadcast %jit3A : f32 to vector<16xf32>
        %broadcast_in_dim3A_59 = vector.broadcast %jit3A_57 : f32 to vector<16xf32>
        %select_n3A = arith.select %gt3A_34, %broadcast_in_dim3A_58, %broadcast_in_dim3A_59 : vector<16xi1>, vector<16xf32>
        %sub3A = arith.constant 1 : i32
        %sub3A_60 = vector.broadcast %sub3A : i32 to vector<16xi32>
        %sub3A_61 = arith.subi %iota3A, %sub3A_60 : vector<16xi32>
        %max3A = arith.constant 0 : i32
        %max3A_62 = vector.broadcast %max3A : i32 to vector<16xi32>
        %max3A_63 = arith.maxsi %sub3A_61, %max3A_62 : vector<16xi32>
        %lt3A = arith.constant 0 : i32
        %lt3A_64 = vector.broadcast %lt3A : i32 to vector<16xi32>
        %lt3A_65 = arith.cmpi slt, %max3A_63, %lt3A_64 : vector<16xi32>
        %add3A_66 = arith.constant 16 : i32
        %add3A_67 = vector.broadcast %add3A_66 : i32 to vector<16xi32>
        %add3A_68 = arith.addi %max3A_63, %add3A_67 : vector<16xi32>
        %select_n3A_69 = arith.select %lt3A_65, %add3A_68, %max3A_63 : vector<16xi1>, vector<16xi32>
        %broadcast_in_dim3A_70 = vector.shape_cast %select_n3A_69 : vector<16xi32> to vector<16x1xi32>
        %gather3A = vector.shape_cast %broadcast_in_dim3A_70 : vector<16x1xi32> to vector<16xi32>
        %gather3A_71 = tpu.dynamic_gather %select_n3A[%gather3A] in [0] : vector<16xf32>, vector<16xi32> -> vector<16xf32>
        %ge3A = arith.constant 1 : i32
        %ge3A_72 = vector.broadcast %ge3A : i32 to vector<16xi32>
        %ge3A_73 = arith.cmpi sge, %iota3A, %ge3A_72 : vector<16xi32>
        %jit3A_74 = arith.constant 0.000000e+00 : f32
        %broadcast_in_dim3A_75 = vector.broadcast %jit3A_74 : f32 to vector<16xf32>
        %select_n3A_76 = arith.select %ge3A_73, %gather3A_71, %broadcast_in_dim3A_75 : vector<16xi1>, vector<16xf32>
        %add3A_77 = arith.addf %select_n3A, %select_n3A_76 : vector<16xf32>
        %sub3A_78 = arith.constant 2 : i32
        %sub3A_79 = vector.broadcast %sub3A_78 : i32 to vector<16xi32>
        %sub3A_80 = arith.subi %iota3A, %sub3A_79 : vector<16xi32>
        %max3A_81 = arith.constant 0 : i32
        %max3A_82 = vector.broadcast %max3A_81 : i32 to vector<16xi32>
        %max3A_83 = arith.maxsi %sub3A_80, %max3A_82 : vector<16xi32>
        %lt3A_84 = arith.constant 0 : i32
        %lt3A_85 = vector.broadcast %lt3A_84 : i32 to vector<16xi32>
        %lt3A_86 = arith.cmpi slt, %max3A_83, %lt3A_85 : vector<16xi32>
        %add3A_87 = arith.constant 16 : i32
        %add3A_88 = vector.broadcast %add3A_87 : i32 to vector<16xi32>
        %add3A_89 = arith.addi %max3A_83, %add3A_88 : vector<16xi32>
        %select_n3A_90 = arith.select %lt3A_86, %add3A_89, %max3A_83 : vector<16xi1>, vector<16xi32>
        %broadcast_in_dim3A_91 = vector.shape_cast %select_n3A_90 : vector<16xi32> to vector<16x1xi32>
        %gather3A_92 = vector.shape_cast %broadcast_in_dim3A_91 : vector<16x1xi32> to vector<16xi32>
        %gather3A_93 = tpu.dynamic_gather %add3A_77[%gather3A_92] in [0] : vector<16xf32>, vector<16xi32> -> vector<16xf32>
        %ge3A_94 = arith.constant 2 : i32
        %ge3A_95 = vector.broadcast %ge3A_94 : i32 to vector<16xi32>
        %ge3A_96 = arith.cmpi sge, %iota3A, %ge3A_95 : vector<16xi32>
        %jit3A_97 = arith.constant 0.000000e+00 : f32
        %broadcast_in_dim3A_98 = vector.broadcast %jit3A_97 : f32 to vector<16xf32>
        %select_n3A_99 = arith.select %ge3A_96, %gather3A_93, %broadcast_in_dim3A_98 : vector<16xi1>, vector<16xf32>
        %add3A_100 = arith.addf %add3A_77, %select_n3A_99 : vector<16xf32>
        %sub3A_101 = arith.constant 4 : i32
        %sub3A_102 = vector.broadcast %sub3A_101 : i32 to vector<16xi32>
        %sub3A_103 = arith.subi %iota3A, %sub3A_102 : vector<16xi32>
        %max3A_104 = arith.constant 0 : i32
        %max3A_105 = vector.broadcast %max3A_104 : i32 to vector<16xi32>
        %max3A_106 = arith.maxsi %sub3A_103, %max3A_105 : vector<16xi32>
        %lt3A_107 = arith.constant 0 : i32
        %lt3A_108 = vector.broadcast %lt3A_107 : i32 to vector<16xi32>
        %lt3A_109 = arith.cmpi slt, %max3A_106, %lt3A_108 : vector<16xi32>
        %add3A_110 = arith.constant 16 : i32
        %add3A_111 = vector.broadcast %add3A_110 : i32 to vector<16xi32>
        %add3A_112 = arith.addi %max3A_106, %add3A_111 : vector<16xi32>
        %select_n3A_113 = arith.select %lt3A_109, %add3A_112, %max3A_106 : vector<16xi1>, vector<16xi32>
        %broadcast_in_dim3A_114 = vector.shape_cast %select_n3A_113 : vector<16xi32> to vector<16x1xi32>
        %gather3A_115 = vector.shape_cast %broadcast_in_dim3A_114 : vector<16x1xi32> to vector<16xi32>
        %gather3A_116 = tpu.dynamic_gather %add3A_100[%gather3A_115] in [0] : vector<16xf32>, vector<16xi32> -> vector<16xf32>
        %ge3A_117 = arith.constant 4 : i32
        %ge3A_118 = vector.broadcast %ge3A_117 : i32 to vector<16xi32>
        %ge3A_119 = arith.cmpi sge, %iota3A, %ge3A_118 : vector<16xi32>
        %jit3A_120 = arith.constant 0.000000e+00 : f32
        %broadcast_in_dim3A_121 = vector.broadcast %jit3A_120 : f32 to vector<16xf32>
        %select_n3A_122 = arith.select %ge3A_119, %gather3A_116, %broadcast_in_dim3A_121 : vector<16xi1>, vector<16xf32>
        %add3A_123 = arith.addf %add3A_100, %select_n3A_122 : vector<16xf32>
        %sub3A_124 = arith.constant 8 : i32
        %sub3A_125 = vector.broadcast %sub3A_124 : i32 to vector<16xi32>
        %sub3A_126 = arith.subi %iota3A, %sub3A_125 : vector<16xi32>
        %max3A_127 = arith.constant 0 : i32
        %max3A_128 = vector.broadcast %max3A_127 : i32 to vector<16xi32>
        %max3A_129 = arith.maxsi %sub3A_126, %max3A_128 : vector<16xi32>
        %lt3A_130 = arith.constant 0 : i32
        %lt3A_131 = vector.broadcast %lt3A_130 : i32 to vector<16xi32>
        %lt3A_132 = arith.cmpi slt, %max3A_129, %lt3A_131 : vector<16xi32>
        %add3A_133 = arith.constant 16 : i32
        %add3A_134 = vector.broadcast %add3A_133 : i32 to vector<16xi32>
        %add3A_135 = arith.addi %max3A_129, %add3A_134 : vector<16xi32>
        %select_n3A_136 = arith.select %lt3A_132, %add3A_135, %max3A_129 : vector<16xi1>, vector<16xi32>
        %broadcast_in_dim3A_137 = vector.shape_cast %select_n3A_136 : vector<16xi32> to vector<16x1xi32>
        %gather3A_138 = vector.shape_cast %broadcast_in_dim3A_137 : vector<16x1xi32> to vector<16xi32>
        %gather3A_139 = tpu.dynamic_gather %add3A_123[%gather3A_138] in [0] : vector<16xf32>, vector<16xi32> -> vector<16xf32>
        %ge3A_140 = arith.constant 8 : i32
        %ge3A_141 = vector.broadcast %ge3A_140 : i32 to vector<16xi32>
        %ge3A_142 = arith.cmpi sge, %iota3A, %ge3A_141 : vector<16xi32>
        %jit3A_143 = arith.constant 0.000000e+00 : f32
        %broadcast_in_dim3A_144 = vector.broadcast %jit3A_143 : f32 to vector<16xf32>
        %select_n3A_145 = arith.select %ge3A_142, %gather3A_139, %broadcast_in_dim3A_144 : vector<16xi1>, vector<16xf32>
        %add3A_146 = arith.addf %add3A_123, %select_n3A_145 : vector<16xf32>
        %convert_element_type3A_147 = arith.fptosi %add3A_146 : vector<16xf32> to vector<16xi32>
        %add3A_148 = arith.addi %broadcast_in_dim3A_56, %convert_element_type3A_147 : vector<16xi32>
        %sub3A_149 = arith.constant 1 : i32
        %sub3A_150 = vector.broadcast %sub3A_149 : i32 to vector<16xi32>
        %sub3A_151 = arith.subi %add3A_148, %sub3A_150 : vector<16xi32>
        %add3A_152 = arith.addi %mul3A_2, %scan3A_17 : i32
        %mul3A_153 = arith.constant 80 : i32
        %mul3A_154 = arith.muli %add3A_152, %mul3A_153 : i32
        %add3A_155 = arith.constant 0 : i32
        %add3A_156 = arith.addi %mul3A_154, %add3A_155 : i32
        %add3A_157 = vector.broadcast %add3A_156 : i32 to vector<16xi32>
        %add3A_158 = arith.addi %add3A_157, %iota3A : vector<16xi32>
        tpu.vector_store_idx %arg19[%sub3A_151], %get3A_20 masked %gt3A_34 : memref<3072xf32, #tpu.memory_space<vmem>>[vector<16xi32>], vector<16xf32>, vector<16xi1>
        tpu.vector_store_idx %arg20[%sub3A_151], %add3A_158 masked %gt3A_34 : memref<3072xi32, #tpu.memory_space<vmem>>[vector<16xi32>], vector<16xi32>, vector<16xi1>
        %get3A_159 = arith.index_cast %scan3A_17 : i32 to index
        %get3A_160 = arith.constant 0 : index
        %get3A_161 = tpu.vector_load %arg15[%get3A_159, %get3A_160] {strides = array<i32>} : memref<160x80xf32, #tpu.memory_space<vmem>>, vector<16xf32>,
        tpu.vector_store_idx %arg21[%sub3A_151], %get3A_161 masked %gt3A_34 : memref<3072xf32, #tpu.memory_space<vmem>>[vector<16xi32>], vector<16xf32>, vector<16xi1>
        %get3A_162 = arith.index_cast %scan3A_17 : i32 to index
        %get3A_163 = arith.constant 0 : index
        %get3A_164 = tpu.vector_load %arg16[%get3A_162, %get3A_163] {strides = array<i32>} : memref<160x80xf32, #tpu.memory_space<vmem>>, vector<16xf32>,
        tpu.vector_store_idx %arg22[%sub3A_151], %get3A_164 masked %gt3A_34 : memref<3072xf32, #tpu.memory_space<vmem>>[vector<16xi32>], vector<16xf32>, vector<16xi1>
        %get3A_165 = arith.index_cast %scan3A_17 : i32 to index
        %get3A_166 = arith.constant 0 : index
        %get3A_167 = tpu.vector_load %arg17[%get3A_165, %get3A_166] {strides = array<i32>} : memref<160x80xf32, #tpu.memory_space<vmem>>, vector<16xf32>,
        tpu.vector_store_idx %arg23[%sub3A_151], %get3A_167 masked %gt3A_34 : memref<3072xf32, #tpu.memory_space<vmem>>[vector<16xi32>], vector<16xf32>, vector<16xi1>
        %get3A_168 = arith.index_cast %scan3A_17 : i32 to index
        %get3A_169 = arith.constant 0 : index
        %get3A_170 = tpu.vector_load %arg18[%get3A_168, %get3A_169] {strides = array<i32>} : memref<160x80xf32, #tpu.memory_space<vmem>>, vector<16xf32>,
        tpu.vector_store_idx %arg24[%sub3A_151], %get3A_170 masked %gt3A_34 : memref<3072xf32, #tpu.memory_space<vmem>>[vector<16xi32>], vector<16xf32>, vector<16xi1>
        %broadcast_in_dim3A_171 = arith.constant 15 : i32
        %broadcast_in_dim3A_172 = vector.broadcast %broadcast_in_dim3A_171 : i32 to vector<16xi32>
        %lt3A_173 = arith.constant 0 : i32
        %lt3A_174 = vector.broadcast %lt3A_173 : i32 to vector<16xi32>
        %lt3A_175 = arith.cmpi slt, %broadcast_in_dim3A_172, %lt3A_174 : vector<16xi32>
        %add3A_176 = arith.constant 16 : i32
        %add3A_177 = vector.broadcast %add3A_176 : i32 to vector<16xi32>
        %add3A_178 = arith.addi %broadcast_in_dim3A_172, %add3A_177 : vector<16xi32>
        %select_n3A_179 = arith.select %lt3A_175, %add3A_178, %broadcast_in_dim3A_172 : vector<16xi1>, vector<16xi32>
        %broadcast_in_dim3A_180 = vector.shape_cast %select_n3A_179 : vector<16xi32> to vector<16x1xi32>
        %gather3A_181 = vector.shape_cast %broadcast_in_dim3A_180 : vector<16x1xi32> to vector<16xi32>
        %gather3A_182 = tpu.dynamic_gather %convert_element_type3A_147[%gather3A_181] in [0] : vector<16xi32>, vector<16xi32> -> vector<16xi32>
        %add3A_183 = arith.addi %broadcast_in_dim3A_56, %gather3A_182 : vector<16xi32>
        %jit3A_184 = arith.constant 1.000000e+00 : f32
        %jit3A_185 = arith.constant 0.000000e+00 : f32
        %broadcast_in_dim3A_186 = vector.broadcast %jit3A_184 : f32 to vector<16xf32>
        %broadcast_in_dim3A_187 = vector.broadcast %jit3A_185 : f32 to vector<16xf32>
        %select_n3A_188 = arith.select %gt3A_37, %broadcast_in_dim3A_186, %broadcast_in_dim3A_187 : vector<16xi1>, vector<16xf32>
        %sub3A_189 = arith.constant 1 : i32
        %sub3A_190 = vector.broadcast %sub3A_189 : i32 to vector<16xi32>
        %sub3A_191 = arith.subi %iota3A, %sub3A_190 : vector<16xi32>
        %max3A_192 = arith.constant 0 : i32
        %max3A_193 = vector.broadcast %max3A_192 : i32 to vector<16xi32>
        %max3A_194 = arith.maxsi %sub3A_191, %max3A_193 : vector<16xi32>
        %lt3A_195 = arith.constant 0 : i32
        %lt3A_196 = vector.broadcast %lt3A_195 : i32 to vector<16xi32>
        %lt3A_197 = arith.cmpi slt, %max3A_194, %lt3A_196 : vector<16xi32>
        %add3A_198 = arith.constant 16 : i32
        %add3A_199 = vector.broadcast %add3A_198 : i32 to vector<16xi32>
        %add3A_200 = arith.addi %max3A_194, %add3A_199 : vector<16xi32>
        %select_n3A_201 = arith.select %lt3A_197, %add3A_200, %max3A_194 : vector<16xi1>, vector<16xi32>
        %broadcast_in_dim3A_202 = vector.shape_cast %select_n3A_201 : vector<16xi32> to vector<16x1xi32>
        %gather3A_203 = vector.shape_cast %broadcast_in_dim3A_202 : vector<16x1xi32> to vector<16xi32>
        %gather3A_204 = tpu.dynamic_gather %select_n3A_188[%gather3A_203] in [0] : vector<16xf32>, vector<16xi32> -> vector<16xf32>
        %ge3A_205 = arith.constant 1 : i32
        %ge3A_206 = vector.broadcast %ge3A_205 : i32 to vector<16xi32>
        %ge3A_207 = arith.cmpi sge, %iota3A, %ge3A_206 : vector<16xi32>
        %jit3A_208 = arith.constant 0.000000e+00 : f32
        %broadcast_in_dim3A_209 = vector.broadcast %jit3A_208 : f32 to vector<16xf32>
        %select_n3A_210 = arith.select %ge3A_207, %gather3A_204, %broadcast_in_dim3A_209 : vector<16xi1>, vector<16xf32>
        %add3A_211 = arith.addf %select_n3A_188, %select_n3A_210 : vector<16xf32>
        %sub3A_212 = arith.constant 2 : i32
        %sub3A_213 = vector.broadcast %sub3A_212 : i32 to vector<16xi32>
        %sub3A_214 = arith.subi %iota3A, %sub3A_213 : vector<16xi32>
        %max3A_215 = arith.constant 0 : i32
        %max3A_216 = vector.broadcast %max3A_215 : i32 to vector<16xi32>
        %max3A_217 = arith.maxsi %sub3A_214, %max3A_216 : vector<16xi32>
        %lt3A_218 = arith.constant 0 : i32
        %lt3A_219 = vector.broadcast %lt3A_218 : i32 to vector<16xi32>
        %lt3A_220 = arith.cmpi slt, %max3A_217, %lt3A_219 : vector<16xi32>
        %add3A_221 = arith.constant 16 : i32
        %add3A_222 = vector.broadcast %add3A_221 : i32 to vector<16xi32>
        %add3A_223 = arith.addi %max3A_217, %add3A_222 : vector<16xi32>
        %select_n3A_224 = arith.select %lt3A_220, %add3A_223, %max3A_217 : vector<16xi1>, vector<16xi32>
        %broadcast_in_dim3A_225 = vector.shape_cast %select_n3A_224 : vector<16xi32> to vector<16x1xi32>
        %gather3A_226 = vector.shape_cast %broadcast_in_dim3A_225 : vector<16x1xi32> to vector<16xi32>
        %gather3A_227 = tpu.dynamic_gather %add3A_211[%gather3A_226] in [0] : vector<16xf32>, vector<16xi32> -> vector<16xf32>
        %ge3A_228 = arith.constant 2 : i32
        %ge3A_229 = vector.broadcast %ge3A_228 : i32 to vector<16xi32>
        %ge3A_230 = arith.cmpi sge, %iota3A, %ge3A_229 : vector<16xi32>
        %jit3A_231 = arith.constant 0.000000e+00 : f32
        %broadcast_in_dim3A_232 = vector.broadcast %jit3A_231 : f32 to vector<16xf32>
        %select_n3A_233 = arith.select %ge3A_230, %gather3A_227, %broadcast_in_dim3A_232 : vector<16xi1>, vector<16xf32>
        %add3A_234 = arith.addf %add3A_211, %select_n3A_233 : vector<16xf32>
        %sub3A_235 = arith.constant 4 : i32
        %sub3A_236 = vector.broadcast %sub3A_235 : i32 to vector<16xi32>
        %sub3A_237 = arith.subi %iota3A, %sub3A_236 : vector<16xi32>
        %max3A_238 = arith.constant 0 : i32
        %max3A_239 = vector.broadcast %max3A_238 : i32 to vector<16xi32>
        %max3A_240 = arith.maxsi %sub3A_237, %max3A_239 : vector<16xi32>
        %lt3A_241 = arith.constant 0 : i32
        %lt3A_242 = vector.broadcast %lt3A_241 : i32 to vector<16xi32>
        %lt3A_243 = arith.cmpi slt, %max3A_240, %lt3A_242 : vector<16xi32>
        %add3A_244 = arith.constant 16 : i32
        %add3A_245 = vector.broadcast %add3A_244 : i32 to vector<16xi32>
        %add3A_246 = arith.addi %max3A_240, %add3A_245 : vector<16xi32>
        %select_n3A_247 = arith.select %lt3A_243, %add3A_246, %max3A_240 : vector<16xi1>, vector<16xi32>
        %broadcast_in_dim3A_248 = vector.shape_cast %select_n3A_247 : vector<16xi32> to vector<16x1xi32>
        %gather3A_249 = vector.shape_cast %broadcast_in_dim3A_248 : vector<16x1xi32> to vector<16xi32>
        %gather3A_250 = tpu.dynamic_gather %add3A_234[%gather3A_249] in [0] : vector<16xf32>, vector<16xi32> -> vector<16xf32>
        %ge3A_251 = arith.constant 4 : i32
        %ge3A_252 = vector.broadcast %ge3A_251 : i32 to vector<16xi32>
        %ge3A_253 = arith.cmpi sge, %iota3A, %ge3A_252 : vector<16xi32>
        %jit3A_254 = arith.constant 0.000000e+00 : f32
        %broadcast_in_dim3A_255 = vector.broadcast %jit3A_254 : f32 to vector<16xf32>
        %select_n3A_256 = arith.select %ge3A_253, %gather3A_250, %broadcast_in_dim3A_255 : vector<16xi1>, vector<16xf32>
        %add3A_257 = arith.addf %add3A_234, %select_n3A_256 : vector<16xf32>
        %sub3A_258 = arith.constant 8 : i32
        %sub3A_259 = vector.broadcast %sub3A_258 : i32 to vector<16xi32>
        %sub3A_260 = arith.subi %iota3A, %sub3A_259 : vector<16xi32>
        %max3A_261 = arith.constant 0 : i32
        %max3A_262 = vector.broadcast %max3A_261 : i32 to vector<16xi32>
        %max3A_263 = arith.maxsi %sub3A_260, %max3A_262 : vector<16xi32>
        %lt3A_264 = arith.constant 0 : i32
        %lt3A_265 = vector.broadcast %lt3A_264 : i32 to vector<16xi32>
        %lt3A_266 = arith.cmpi slt, %max3A_263, %lt3A_265 : vector<16xi32>
        %add3A_267 = arith.constant 16 : i32
        %add3A_268 = vector.broadcast %add3A_267 : i32 to vector<16xi32>
        %add3A_269 = arith.addi %max3A_263, %add3A_268 : vector<16xi32>
        %select_n3A_270 = arith.select %lt3A_266, %add3A_269, %max3A_263 : vector<16xi1>, vector<16xi32>
        %broadcast_in_dim3A_271 = vector.shape_cast %select_n3A_270 : vector<16xi32> to vector<16x1xi32>
        %gather3A_272 = vector.shape_cast %broadcast_in_dim3A_271 : vector<16x1xi32> to vector<16xi32>
        %gather3A_273 = tpu.dynamic_gather %add3A_257[%gather3A_272] in [0] : vector<16xf32>, vector<16xi32> -> vector<16xf32>
        %ge3A_274 = arith.constant 8 : i32
        %ge3A_275 = vector.broadcast %ge3A_274 : i32 to vector<16xi32>
        %ge3A_276 = arith.cmpi sge, %iota3A, %ge3A_275 : vector<16xi32>
        %jit3A_277 = arith.constant 0.000000e+00 : f32
        %broadcast_in_dim3A_278 = vector.broadcast %jit3A_277 : f32 to vector<16xf32>
        %select_n3A_279 = arith.select %ge3A_276, %gather3A_273, %broadcast_in_dim3A_278 : vector<16xi1>, vector<16xf32>
        %add3A_280 = arith.addf %add3A_257, %select_n3A_279 : vector<16xf32>
        %convert_element_type3A_281 = arith.fptosi %add3A_280 : vector<16xf32> to vector<16xi32>
        %add3A_282 = arith.addi %add3A_183, %convert_element_type3A_281 : vector<16xi32>
        %sub3A_283 = arith.constant 1 : i32
        %sub3A_284 = vector.broadcast %sub3A_283 : i32 to vector<16xi32>
        %sub3A_285 = arith.subi %add3A_282, %sub3A_284 : vector<16xi32>
        %add3A_286 = arith.addi %mul3A_2, %scan3A_17 : i32
        %mul3A_287 = arith.constant 80 : i32
        %mul3A_288 = arith.muli %add3A_286, %mul3A_287 : i32
        %add3A_289 = arith.constant 16 : i32
        %add3A_290 = arith.addi %mul3A_288, %add3A_289 : i32
        %add3A_291 = vector.broadcast %add3A_290 : i32 to vector<16xi32>
        %add3A_292 = arith.addi %add3A_291, %iota3A : vector<16xi32>
        tpu.vector_store_idx %arg19[%sub3A_285], %get3A_23 masked %gt3A_37 : memref<3072xf32, #tpu.memory_space<vmem>>[vector<16xi32>], vector<16xf32>, vector<16xi1>
        tpu.vector_store_idx %arg20[%sub3A_285], %add3A_292 masked %gt3A_37 : memref<3072xi32, #tpu.memory_space<vmem>>[vector<16xi32>], vector<16xi32>, vector<16xi1>
        %get3A_293 = arith.index_cast %scan3A_17 : i32 to index
        %get3A_294 = arith.constant 16 : index
        %get3A_295 = tpu.vector_load %arg15[%get3A_293, %get3A_294] {strides = array<i32>} : memref<160x80xf32, #tpu.memory_space<vmem>>, vector<16xf32>,
        tpu.vector_store_idx %arg21[%sub3A_285], %get3A_295 masked %gt3A_37 : memref<3072xf32, #tpu.memory_space<vmem>>[vector<16xi32>], vector<16xf32>, vector<16xi1>
        %get3A_296 = arith.index_cast %scan3A_17 : i32 to index
        %get3A_297 = arith.constant 16 : index
        %get3A_298 = tpu.vector_load %arg16[%get3A_296, %get3A_297] {strides = array<i32>} : memref<160x80xf32, #tpu.memory_space<vmem>>, vector<16xf32>,
        tpu.vector_store_idx %arg22[%sub3A_285], %get3A_298 masked %gt3A_37 : memref<3072xf32, #tpu.memory_space<vmem>>[vector<16xi32>], vector<16xf32>, vector<16xi1>
        %get3A_299 = arith.index_cast %scan3A_17 : i32 to index
        %get3A_300 = arith.constant 16 : index
        %get3A_301 = tpu.vector_load %arg17[%get3A_299, %get3A_300] {strides = array<i32>} : memref<160x80xf32, #tpu.memory_space<vmem>>, vector<16xf32>,
        tpu.vector_store_idx %arg23[%sub3A_285], %get3A_301 masked %gt3A_37 : memref<3072xf32, #tpu.memory_space<vmem>>[vector<16xi32>], vector<16xf32>, vector<16xi1>
        %get3A_302 = arith.index_cast %scan3A_17 : i32 to index
        %get3A_303 = arith.constant 16 : index
        %get3A_304 = tpu.vector_load %arg18[%get3A_302, %get3A_303] {strides = array<i32>} : memref<160x80xf32, #tpu.memory_space<vmem>>, vector<16xf32>,
        tpu.vector_store_idx %arg24[%sub3A_285], %get3A_304 masked %gt3A_37 : memref<3072xf32, #tpu.memory_space<vmem>>[vector<16xi32>], vector<16xf32>, vector<16xi1>
        %broadcast_in_dim3A_305 = arith.constant 15 : i32
        %broadcast_in_dim3A_306 = vector.broadcast %broadcast_in_dim3A_305 : i32 to vector<16xi32>
        %lt3A_307 = arith.constant 0 : i32
        %lt3A_308 = vector.broadcast %lt3A_307 : i32 to vector<16xi32>
        %lt3A_309 = arith.cmpi slt, %broadcast_in_dim3A_306, %lt3A_308 : vector<16xi32>
        %add3A_310 = arith.constant 16 : i32
        %add3A_311 = vector.broadcast %add3A_310 : i32 to vector<16xi32>
        %add3A_312 = arith.addi %broadcast_in_dim3A_306, %add3A_311 : vector<16xi32>
        %select_n3A_313 = arith.select %lt3A_309, %add3A_312, %broadcast_in_dim3A_306 : vector<16xi1>, vector<16xi32>
        %broadcast_in_dim3A_314 = vector.shape_cast %select_n3A_313 : vector<16xi32> to vector<16x1xi32>
        %gather3A_315 = vector.shape_cast %broadcast_in_dim3A_314 : vector<16x1xi32> to vector<16xi32>
        %gather3A_316 = tpu.dynamic_gather %convert_element_type3A_281[%gather3A_315] in [0] : vector<16xi32>, vector<16xi32> -> vector<16xi32>
        %add3A_317 = arith.addi %add3A_183, %gather3A_316 : vector<16xi32>
        %jit3A_318 = arith.constant 1.000000e+00 : f32
        %jit3A_319 = arith.constant 0.000000e+00 : f32
        %broadcast_in_dim3A_320 = vector.broadcast %jit3A_318 : f32 to vector<16xf32>
        %broadcast_in_dim3A_321 = vector.broadcast %jit3A_319 : f32 to vector<16xf32>
        %select_n3A_322 = arith.select %gt3A_40, %broadcast_in_dim3A_320, %broadcast_in_dim3A_321 : vector<16xi1>, vector<16xf32>
        %sub3A_323 = arith.constant 1 : i32
        %sub3A_324 = vector.broadcast %sub3A_323 : i32 to vector<16xi32>
        %sub3A_325 = arith.subi %iota3A, %sub3A_324 : vector<16xi32>
        %max3A_326 = arith.constant 0 : i32
        %max3A_327 = vector.broadcast %max3A_326 : i32 to vector<16xi32>
        %max3A_328 = arith.maxsi %sub3A_325, %max3A_327 : vector<16xi32>
        %lt3A_329 = arith.constant 0 : i32
        %lt3A_330 = vector.broadcast %lt3A_329 : i32 to vector<16xi32>
        %lt3A_331 = arith.cmpi slt, %max3A_328, %lt3A_330 : vector<16xi32>
        %add3A_332 = arith.constant 16 : i32
        %add3A_333 = vector.broadcast %add3A_332 : i32 to vector<16xi32>
        %add3A_334 = arith.addi %max3A_328, %add3A_333 : vector<16xi32>
        %select_n3A_335 = arith.select %lt3A_331, %add3A_334, %max3A_328 : vector<16xi1>, vector<16xi32>
        %broadcast_in_dim3A_336 = vector.shape_cast %select_n3A_335 : vector<16xi32> to vector<16x1xi32>
        %gather3A_337 = vector.shape_cast %broadcast_in_dim3A_336 : vector<16x1xi32> to vector<16xi32>
        %gather3A_338 = tpu.dynamic_gather %select_n3A_322[%gather3A_337] in [0] : vector<16xf32>, vector<16xi32> -> vector<16xf32>
        %ge3A_339 = arith.constant 1 : i32
        %ge3A_340 = vector.broadcast %ge3A_339 : i32 to vector<16xi32>
        %ge3A_341 = arith.cmpi sge, %iota3A, %ge3A_340 : vector<16xi32>
        %jit3A_342 = arith.constant 0.000000e+00 : f32
        %broadcast_in_dim3A_343 = vector.broadcast %jit3A_342 : f32 to vector<16xf32>
        %select_n3A_344 = arith.select %ge3A_341, %gather3A_338, %broadcast_in_dim3A_343 : vector<16xi1>, vector<16xf32>
        %add3A_345 = arith.addf %select_n3A_322, %select_n3A_344 : vector<16xf32>
        %sub3A_346 = arith.constant 2 : i32
        %sub3A_347 = vector.broadcast %sub3A_346 : i32 to vector<16xi32>
        %sub3A_348 = arith.subi %iota3A, %sub3A_347 : vector<16xi32>
        %max3A_349 = arith.constant 0 : i32
        %max3A_350 = vector.broadcast %max3A_349 : i32 to vector<16xi32>
        %max3A_351 = arith.maxsi %sub3A_348, %max3A_350 : vector<16xi32>
        %lt3A_352 = arith.constant 0 : i32
        %lt3A_353 = vector.broadcast %lt3A_352 : i32 to vector<16xi32>
        %lt3A_354 = arith.cmpi slt, %max3A_351, %lt3A_353 : vector<16xi32>
        %add3A_355 = arith.constant 16 : i32
        %add3A_356 = vector.broadcast %add3A_355 : i32 to vector<16xi32>
        %add3A_357 = arith.addi %max3A_351, %add3A_356 : vector<16xi32>
        %select_n3A_358 = arith.select %lt3A_354, %add3A_357, %max3A_351 : vector<16xi1>, vector<16xi32>
        %broadcast_in_dim3A_359 = vector.shape_cast %select_n3A_358 : vector<16xi32> to vector<16x1xi32>
        %gather3A_360 = vector.shape_cast %broadcast_in_dim3A_359 : vector<16x1xi32> to vector<16xi32>
        %gather3A_361 = tpu.dynamic_gather %add3A_345[%gather3A_360] in [0] : vector<16xf32>, vector<16xi32> -> vector<16xf32>
        %ge3A_362 = arith.constant 2 : i32
        %ge3A_363 = vector.broadcast %ge3A_362 : i32 to vector<16xi32>
        %ge3A_364 = arith.cmpi sge, %iota3A, %ge3A_363 : vector<16xi32>
        %jit3A_365 = arith.constant 0.000000e+00 : f32
        %broadcast_in_dim3A_366 = vector.broadcast %jit3A_365 : f32 to vector<16xf32>
        %select_n3A_367 = arith.select %ge3A_364, %gather3A_361, %broadcast_in_dim3A_366 : vector<16xi1>, vector<16xf32>
        %add3A_368 = arith.addf %add3A_345, %select_n3A_367 : vector<16xf32>
        %sub3A_369 = arith.constant 4 : i32
        %sub3A_370 = vector.broadcast %sub3A_369 : i32 to vector<16xi32>
        %sub3A_371 = arith.subi %iota3A, %sub3A_370 : vector<16xi32>
        %max3A_372 = arith.constant 0 : i32
        %max3A_373 = vector.broadcast %max3A_372 : i32 to vector<16xi32>
        %max3A_374 = arith.maxsi %sub3A_371, %max3A_373 : vector<16xi32>
        %lt3A_375 = arith.constant 0 : i32
        %lt3A_376 = vector.broadcast %lt3A_375 : i32 to vector<16xi32>
        %lt3A_377 = arith.cmpi slt, %max3A_374, %lt3A_376 : vector<16xi32>
        %add3A_378 = arith.constant 16 : i32
        %add3A_379 = vector.broadcast %add3A_378 : i32 to vector<16xi32>
        %add3A_380 = arith.addi %max3A_374, %add3A_379 : vector<16xi32>
        %select_n3A_381 = arith.select %lt3A_377, %add3A_380, %max3A_374 : vector<16xi1>, vector<16xi32>
        %broadcast_in_dim3A_382 = vector.shape_cast %select_n3A_381 : vector<16xi32> to vector<16x1xi32>
        %gather3A_383 = vector.shape_cast %broadcast_in_dim3A_382 : vector<16x1xi32> to vector<16xi32>
        %gather3A_384 = tpu.dynamic_gather %add3A_368[%gather3A_383] in [0] : vector<16xf32>, vector<16xi32> -> vector<16xf32>
        %ge3A_385 = arith.constant 4 : i32
        %ge3A_386 = vector.broadcast %ge3A_385 : i32 to vector<16xi32>
        %ge3A_387 = arith.cmpi sge, %iota3A, %ge3A_386 : vector<16xi32>
        %jit3A_388 = arith.constant 0.000000e+00 : f32
        %broadcast_in_dim3A_389 = vector.broadcast %jit3A_388 : f32 to vector<16xf32>
        %select_n3A_390 = arith.select %ge3A_387, %gather3A_384, %broadcast_in_dim3A_389 : vector<16xi1>, vector<16xf32>
        %add3A_391 = arith.addf %add3A_368, %select_n3A_390 : vector<16xf32>
        %sub3A_392 = arith.constant 8 : i32
        %sub3A_393 = vector.broadcast %sub3A_392 : i32 to vector<16xi32>
        %sub3A_394 = arith.subi %iota3A, %sub3A_393 : vector<16xi32>
        %max3A_395 = arith.constant 0 : i32
        %max3A_396 = vector.broadcast %max3A_395 : i32 to vector<16xi32>
        %max3A_397 = arith.maxsi %sub3A_394, %max3A_396 : vector<16xi32>
        %lt3A_398 = arith.constant 0 : i32
        %lt3A_399 = vector.broadcast %lt3A_398 : i32 to vector<16xi32>
        %lt3A_400 = arith.cmpi slt, %max3A_397, %lt3A_399 : vector<16xi32>
        %add3A_401 = arith.constant 16 : i32
        %add3A_402 = vector.broadcast %add3A_401 : i32 to vector<16xi32>
        %add3A_403 = arith.addi %max3A_397, %add3A_402 : vector<16xi32>
        %select_n3A_404 = arith.select %lt3A_400, %add3A_403, %max3A_397 : vector<16xi1>, vector<16xi32>
        %broadcast_in_dim3A_405 = vector.shape_cast %select_n3A_404 : vector<16xi32> to vector<16x1xi32>
        %gather3A_406 = vector.shape_cast %broadcast_in_dim3A_405 : vector<16x1xi32> to vector<16xi32>
        %gather3A_407 = tpu.dynamic_gather %add3A_391[%gather3A_406] in [0] : vector<16xf32>, vector<16xi32> -> vector<16xf32>
        %ge3A_408 = arith.constant 8 : i32
        %ge3A_409 = vector.broadcast %ge3A_408 : i32 to vector<16xi32>
        %ge3A_410 = arith.cmpi sge, %iota3A, %ge3A_409 : vector<16xi32>
        %jit3A_411 = arith.constant 0.000000e+00 : f32
        %broadcast_in_dim3A_412 = vector.broadcast %jit3A_411 : f32 to vector<16xf32>
        %select_n3A_413 = arith.select %ge3A_410, %gather3A_407, %broadcast_in_dim3A_412 : vector<16xi1>, vector<16xf32>
        %add3A_414 = arith.addf %add3A_391, %select_n3A_413 : vector<16xf32>
        %convert_element_type3A_415 = arith.fptosi %add3A_414 : vector<16xf32> to vector<16xi32>
        %add3A_416 = arith.addi %add3A_317, %convert_element_type3A_415 : vector<16xi32>
        %sub3A_417 = arith.constant 1 : i32
        %sub3A_418 = vector.broadcast %sub3A_417 : i32 to vector<16xi32>
        %sub3A_419 = arith.subi %add3A_416, %sub3A_418 : vector<16xi32>
        %add3A_420 = arith.addi %mul3A_2, %scan3A_17 : i32
        %mul3A_421 = arith.constant 80 : i32
        %mul3A_422 = arith.muli %add3A_420, %mul3A_421 : i32
        %add3A_423 = arith.constant 32 : i32
        %add3A_424 = arith.addi %mul3A_422, %add3A_423 : i32
        %add3A_425 = vector.broadcast %add3A_424 : i32 to vector<16xi32>
        %add3A_426 = arith.addi %add3A_425, %iota3A : vector<16xi32>
        tpu.vector_store_idx %arg19[%sub3A_419], %get3A_26 masked %gt3A_40 : memref<3072xf32, #tpu.memory_space<vmem>>[vector<16xi32>], vector<16xf32>, vector<16xi1>
        tpu.vector_store_idx %arg20[%sub3A_419], %add3A_426 masked %gt3A_40 : memref<3072xi32, #tpu.memory_space<vmem>>[vector<16xi32>], vector<16xi32>, vector<16xi1>
        %get3A_427 = arith.index_cast %scan3A_17 : i32 to index
        %get3A_428 = arith.constant 32 : index
        %get3A_429 = tpu.vector_load %arg15[%get3A_427, %get3A_428] {strides = array<i32>} : memref<160x80xf32, #tpu.memory_space<vmem>>, vector<16xf32>,
        tpu.vector_store_idx %arg21[%sub3A_419], %get3A_429 masked %gt3A_40 : memref<3072xf32, #tpu.memory_space<vmem>>[vector<16xi32>], vector<16xf32>, vector<16xi1>
        %get3A_430 = arith.index_cast %scan3A_17 : i32 to index
        %get3A_431 = arith.constant 32 : index
        %get3A_432 = tpu.vector_load %arg16[%get3A_430, %get3A_431] {strides = array<i32>} : memref<160x80xf32, #tpu.memory_space<vmem>>, vector<16xf32>,
        tpu.vector_store_idx %arg22[%sub3A_419], %get3A_432 masked %gt3A_40 : memref<3072xf32, #tpu.memory_space<vmem>>[vector<16xi32>], vector<16xf32>, vector<16xi1>
        %get3A_433 = arith.index_cast %scan3A_17 : i32 to index
        %get3A_434 = arith.constant 32 : index
        %get3A_435 = tpu.vector_load %arg17[%get3A_433, %get3A_434] {strides = array<i32>} : memref<160x80xf32, #tpu.memory_space<vmem>>, vector<16xf32>,
        tpu.vector_store_idx %arg23[%sub3A_419], %get3A_435 masked %gt3A_40 : memref<3072xf32, #tpu.memory_space<vmem>>[vector<16xi32>], vector<16xf32>, vector<16xi1>
        %get3A_436 = arith.index_cast %scan3A_17 : i32 to index
        %get3A_437 = arith.constant 32 : index
        %get3A_438 = tpu.vector_load %arg18[%get3A_436, %get3A_437] {strides = array<i32>} : memref<160x80xf32, #tpu.memory_space<vmem>>, vector<16xf32>,
        tpu.vector_store_idx %arg24[%sub3A_419], %get3A_438 masked %gt3A_40 : memref<3072xf32, #tpu.memory_space<vmem>>[vector<16xi32>], vector<16xf32>, vector<16xi1>
        %broadcast_in_dim3A_439 = arith.constant 15 : i32
        %broadcast_in_dim3A_440 = vector.broadcast %broadcast_in_dim3A_439 : i32 to vector<16xi32>
        %lt3A_441 = arith.constant 0 : i32
        %lt3A_442 = vector.broadcast %lt3A_441 : i32 to vector<16xi32>
        %lt3A_443 = arith.cmpi slt, %broadcast_in_dim3A_440, %lt3A_442 : vector<16xi32>
        %add3A_444 = arith.constant 16 : i32
        %add3A_445 = vector.broadcast %add3A_444 : i32 to vector<16xi32>
        %add3A_446 = arith.addi %broadcast_in_dim3A_440, %add3A_445 : vector<16xi32>
        %select_n3A_447 = arith.select %lt3A_443, %add3A_446, %broadcast_in_dim3A_440 : vector<16xi1>, vector<16xi32>
        %broadcast_in_dim3A_448 = vector.shape_cast %select_n3A_447 : vector<16xi32> to vector<16x1xi32>
        %gather3A_449 = vector.shape_cast %broadcast_in_dim3A_448 : vector<16x1xi32> to vector<16xi32>
        %gather3A_450 = tpu.dynamic_gather %convert_element_type3A_415[%gather3A_449] in [0] : vector<16xi32>, vector<16xi32> -> vector<16xi32>
        %add3A_451 = arith.addi %add3A_317, %gather3A_450 : vector<16xi32>
        %jit3A_452 = arith.constant 1.000000e+00 : f32
        %jit3A_453 = arith.constant 0.000000e+00 : f32
        %broadcast_in_dim3A_454 = vector.broadcast %jit3A_452 : f32 to vector<16xf32>
        %broadcast_in_dim3A_455 = vector.broadcast %jit3A_453 : f32 to vector<16xf32>
        %select_n3A_456 = arith.select %gt3A_43, %broadcast_in_dim3A_454, %broadcast_in_dim3A_455 : vector<16xi1>, vector<16xf32>
        %sub3A_457 = arith.constant 1 : i32
        %sub3A_458 = vector.broadcast %sub3A_457 : i32 to vector<16xi32>
        %sub3A_459 = arith.subi %iota3A, %sub3A_458 : vector<16xi32>
        %max3A_460 = arith.constant 0 : i32
        %max3A_461 = vector.broadcast %max3A_460 : i32 to vector<16xi32>
        %max3A_462 = arith.maxsi %sub3A_459, %max3A_461 : vector<16xi32>
        %lt3A_463 = arith.constant 0 : i32
        %lt3A_464 = vector.broadcast %lt3A_463 : i32 to vector<16xi32>
        %lt3A_465 = arith.cmpi slt, %max3A_462, %lt3A_464 : vector<16xi32>
        %add3A_466 = arith.constant 16 : i32
        %add3A_467 = vector.broadcast %add3A_466 : i32 to vector<16xi32>
        %add3A_468 = arith.addi %max3A_462, %add3A_467 : vector<16xi32>
        %select_n3A_469 = arith.select %lt3A_465, %add3A_468, %max3A_462 : vector<16xi1>, vector<16xi32>
        %broadcast_in_dim3A_470 = vector.shape_cast %select_n3A_469 : vector<16xi32> to vector<16x1xi32>
        %gather3A_471 = vector.shape_cast %broadcast_in_dim3A_470 : vector<16x1xi32> to vector<16xi32>
        %gather3A_472 = tpu.dynamic_gather %select_n3A_456[%gather3A_471] in [0] : vector<16xf32>, vector<16xi32> -> vector<16xf32>
        %ge3A_473 = arith.constant 1 : i32
        %ge3A_474 = vector.broadcast %ge3A_473 : i32 to vector<16xi32>
        %ge3A_475 = arith.cmpi sge, %iota3A, %ge3A_474 : vector<16xi32>
        %jit3A_476 = arith.constant 0.000000e+00 : f32
        %broadcast_in_dim3A_477 = vector.broadcast %jit3A_476 : f32 to vector<16xf32>
        %select_n3A_478 = arith.select %ge3A_475, %gather3A_472, %broadcast_in_dim3A_477 : vector<16xi1>, vector<16xf32>
        %add3A_479 = arith.addf %select_n3A_456, %select_n3A_478 : vector<16xf32>
        %sub3A_480 = arith.constant 2 : i32
        %sub3A_481 = vector.broadcast %sub3A_480 : i32 to vector<16xi32>
        %sub3A_482 = arith.subi %iota3A, %sub3A_481 : vector<16xi32>
        %max3A_483 = arith.constant 0 : i32
        %max3A_484 = vector.broadcast %max3A_483 : i32 to vector<16xi32>
        %max3A_485 = arith.maxsi %sub3A_482, %max3A_484 : vector<16xi32>
        %lt3A_486 = arith.constant 0 : i32
        %lt3A_487 = vector.broadcast %lt3A_486 : i32 to vector<16xi32>
        %lt3A_488 = arith.cmpi slt, %max3A_485, %lt3A_487 : vector<16xi32>
        %add3A_489 = arith.constant 16 : i32
        %add3A_490 = vector.broadcast %add3A_489 : i32 to vector<16xi32>
        %add3A_491 = arith.addi %max3A_485, %add3A_490 : vector<16xi32>
        %select_n3A_492 = arith.select %lt3A_488, %add3A_491, %max3A_485 : vector<16xi1>, vector<16xi32>
        %broadcast_in_dim3A_493 = vector.shape_cast %select_n3A_492 : vector<16xi32> to vector<16x1xi32>
        %gather3A_494 = vector.shape_cast %broadcast_in_dim3A_493 : vector<16x1xi32> to vector<16xi32>
        %gather3A_495 = tpu.dynamic_gather %add3A_479[%gather3A_494] in [0] : vector<16xf32>, vector<16xi32> -> vector<16xf32>
        %ge3A_496 = arith.constant 2 : i32
        %ge3A_497 = vector.broadcast %ge3A_496 : i32 to vector<16xi32>
        %ge3A_498 = arith.cmpi sge, %iota3A, %ge3A_497 : vector<16xi32>
        %jit3A_499 = arith.constant 0.000000e+00 : f32
        %broadcast_in_dim3A_500 = vector.broadcast %jit3A_499 : f32 to vector<16xf32>
        %select_n3A_501 = arith.select %ge3A_498, %gather3A_495, %broadcast_in_dim3A_500 : vector<16xi1>, vector<16xf32>
        %add3A_502 = arith.addf %add3A_479, %select_n3A_501 : vector<16xf32>
        %sub3A_503 = arith.constant 4 : i32
        %sub3A_504 = vector.broadcast %sub3A_503 : i32 to vector<16xi32>
        %sub3A_505 = arith.subi %iota3A, %sub3A_504 : vector<16xi32>
        %max3A_506 = arith.constant 0 : i32
        %max3A_507 = vector.broadcast %max3A_506 : i32 to vector<16xi32>
        %max3A_508 = arith.maxsi %sub3A_505, %max3A_507 : vector<16xi32>
        %lt3A_509 = arith.constant 0 : i32
        %lt3A_510 = vector.broadcast %lt3A_509 : i32 to vector<16xi32>
        %lt3A_511 = arith.cmpi slt, %max3A_508, %lt3A_510 : vector<16xi32>
        %add3A_512 = arith.constant 16 : i32
        %add3A_513 = vector.broadcast %add3A_512 : i32 to vector<16xi32>
        %add3A_514 = arith.addi %max3A_508, %add3A_513 : vector<16xi32>
        %select_n3A_515 = arith.select %lt3A_511, %add3A_514, %max3A_508 : vector<16xi1>, vector<16xi32>
        %broadcast_in_dim3A_516 = vector.shape_cast %select_n3A_515 : vector<16xi32> to vector<16x1xi32>
        %gather3A_517 = vector.shape_cast %broadcast_in_dim3A_516 : vector<16x1xi32> to vector<16xi32>
        %gather3A_518 = tpu.dynamic_gather %add3A_502[%gather3A_517] in [0] : vector<16xf32>, vector<16xi32> -> vector<16xf32>
        %ge3A_519 = arith.constant 4 : i32
        %ge3A_520 = vector.broadcast %ge3A_519 : i32 to vector<16xi32>
        %ge3A_521 = arith.cmpi sge, %iota3A, %ge3A_520 : vector<16xi32>
        %jit3A_522 = arith.constant 0.000000e+00 : f32
        %broadcast_in_dim3A_523 = vector.broadcast %jit3A_522 : f32 to vector<16xf32>
        %select_n3A_524 = arith.select %ge3A_521, %gather3A_518, %broadcast_in_dim3A_523 : vector<16xi1>, vector<16xf32>
        %add3A_525 = arith.addf %add3A_502, %select_n3A_524 : vector<16xf32>
        %sub3A_526 = arith.constant 8 : i32
        %sub3A_527 = vector.broadcast %sub3A_526 : i32 to vector<16xi32>
        %sub3A_528 = arith.subi %iota3A, %sub3A_527 : vector<16xi32>
        %max3A_529 = arith.constant 0 : i32
        %max3A_530 = vector.broadcast %max3A_529 : i32 to vector<16xi32>
        %max3A_531 = arith.maxsi %sub3A_528, %max3A_530 : vector<16xi32>
        %lt3A_532 = arith.constant 0 : i32
        %lt3A_533 = vector.broadcast %lt3A_532 : i32 to vector<16xi32>
        %lt3A_534 = arith.cmpi slt, %max3A_531, %lt3A_533 : vector<16xi32>
        %add3A_535 = arith.constant 16 : i32
        %add3A_536 = vector.broadcast %add3A_535 : i32 to vector<16xi32>
        %add3A_537 = arith.addi %max3A_531, %add3A_536 : vector<16xi32>
        %select_n3A_538 = arith.select %lt3A_534, %add3A_537, %max3A_531 : vector<16xi1>, vector<16xi32>
        %broadcast_in_dim3A_539 = vector.shape_cast %select_n3A_538 : vector<16xi32> to vector<16x1xi32>
        %gather3A_540 = vector.shape_cast %broadcast_in_dim3A_539 : vector<16x1xi32> to vector<16xi32>
        %gather3A_541 = tpu.dynamic_gather %add3A_525[%gather3A_540] in [0] : vector<16xf32>, vector<16xi32> -> vector<16xf32>
        %ge3A_542 = arith.constant 8 : i32
        %ge3A_543 = vector.broadcast %ge3A_542 : i32 to vector<16xi32>
        %ge3A_544 = arith.cmpi sge, %iota3A, %ge3A_543 : vector<16xi32>
        %jit3A_545 = arith.constant 0.000000e+00 : f32
        %broadcast_in_dim3A_546 = vector.broadcast %jit3A_545 : f32 to vector<16xf32>
        %select_n3A_547 = arith.select %ge3A_544, %gather3A_541, %broadcast_in_dim3A_546 : vector<16xi1>, vector<16xf32>
        %add3A_548 = arith.addf %add3A_525, %select_n3A_547 : vector<16xf32>
        %convert_element_type3A_549 = arith.fptosi %add3A_548 : vector<16xf32> to vector<16xi32>
        %add3A_550 = arith.addi %add3A_451, %convert_element_type3A_549 : vector<16xi32>
        %sub3A_551 = arith.constant 1 : i32
        %sub3A_552 = vector.broadcast %sub3A_551 : i32 to vector<16xi32>
        %sub3A_553 = arith.subi %add3A_550, %sub3A_552 : vector<16xi32>
        %add3A_554 = arith.addi %mul3A_2, %scan3A_17 : i32
        %mul3A_555 = arith.constant 80 : i32
        %mul3A_556 = arith.muli %add3A_554, %mul3A_555 : i32
        %add3A_557 = arith.constant 48 : i32
        %add3A_558 = arith.addi %mul3A_556, %add3A_557 : i32
        %add3A_559 = vector.broadcast %add3A_558 : i32 to vector<16xi32>
        %add3A_560 = arith.addi %add3A_559, %iota3A : vector<16xi32>
        tpu.vector_store_idx %arg19[%sub3A_553], %get3A_29 masked %gt3A_43 : memref<3072xf32, #tpu.memory_space<vmem>>[vector<16xi32>], vector<16xf32>, vector<16xi1>
        tpu.vector_store_idx %arg20[%sub3A_553], %add3A_560 masked %gt3A_43 : memref<3072xi32, #tpu.memory_space<vmem>>[vector<16xi32>], vector<16xi32>, vector<16xi1>
        %get3A_561 = arith.index_cast %scan3A_17 : i32 to index
        %get3A_562 = arith.constant 48 : index
        %get3A_563 = tpu.vector_load %arg15[%get3A_561, %get3A_562] {strides = array<i32>} : memref<160x80xf32, #tpu.memory_space<vmem>>, vector<16xf32>,
        tpu.vector_store_idx %arg21[%sub3A_553], %get3A_563 masked %gt3A_43 : memref<3072xf32, #tpu.memory_space<vmem>>[vector<16xi32>], vector<16xf32>, vector<16xi1>
        %get3A_564 = arith.index_cast %scan3A_17 : i32 to index
        %get3A_565 = arith.constant 48 : index
        %get3A_566 = tpu.vector_load %arg16[%get3A_564, %get3A_565] {strides = array<i32>} : memref<160x80xf32, #tpu.memory_space<vmem>>, vector<16xf32>,
        tpu.vector_store_idx %arg22[%sub3A_553], %get3A_566 masked %gt3A_43 : memref<3072xf32, #tpu.memory_space<vmem>>[vector<16xi32>], vector<16xf32>, vector<16xi1>
        %get3A_567 = arith.index_cast %scan3A_17 : i32 to index
        %get3A_568 = arith.constant 48 : index
        %get3A_569 = tpu.vector_load %arg17[%get3A_567, %get3A_568] {strides = array<i32>} : memref<160x80xf32, #tpu.memory_space<vmem>>, vector<16xf32>,
        tpu.vector_store_idx %arg23[%sub3A_553], %get3A_569 masked %gt3A_43 : memref<3072xf32, #tpu.memory_space<vmem>>[vector<16xi32>], vector<16xf32>, vector<16xi1>
        %get3A_570 = arith.index_cast %scan3A_17 : i32 to index
        %get3A_571 = arith.constant 48 : index
        %get3A_572 = tpu.vector_load %arg18[%get3A_570, %get3A_571] {strides = array<i32>} : memref<160x80xf32, #tpu.memory_space<vmem>>, vector<16xf32>,
        tpu.vector_store_idx %arg24[%sub3A_553], %get3A_572 masked %gt3A_43 : memref<3072xf32, #tpu.memory_space<vmem>>[vector<16xi32>], vector<16xf32>, vector<16xi1>
        %broadcast_in_dim3A_573 = arith.constant 15 : i32
        %broadcast_in_dim3A_574 = vector.broadcast %broadcast_in_dim3A_573 : i32 to vector<16xi32>
        %lt3A_575 = arith.constant 0 : i32
        %lt3A_576 = vector.broadcast %lt3A_575 : i32 to vector<16xi32>
        %lt3A_577 = arith.cmpi slt, %broadcast_in_dim3A_574, %lt3A_576 : vector<16xi32>
        %add3A_578 = arith.constant 16 : i32
        %add3A_579 = vector.broadcast %add3A_578 : i32 to vector<16xi32>
        %add3A_580 = arith.addi %broadcast_in_dim3A_574, %add3A_579 : vector<16xi32>
        %select_n3A_581 = arith.select %lt3A_577, %add3A_580, %broadcast_in_dim3A_574 : vector<16xi1>, vector<16xi32>
        %broadcast_in_dim3A_582 = vector.shape_cast %select_n3A_581 : vector<16xi32> to vector<16x1xi32>
        %gather3A_583 = vector.shape_cast %broadcast_in_dim3A_582 : vector<16x1xi32> to vector<16xi32>
        %gather3A_584 = tpu.dynamic_gather %convert_element_type3A_549[%gather3A_583] in [0] : vector<16xi32>, vector<16xi32> -> vector<16xi32>
        %add3A_585 = arith.addi %add3A_451, %gather3A_584 : vector<16xi32>
        %jit3A_586 = arith.constant 1.000000e+00 : f32
        %jit3A_587 = arith.constant 0.000000e+00 : f32
        %broadcast_in_dim3A_588 = vector.broadcast %jit3A_586 : f32 to vector<16xf32>
        %broadcast_in_dim3A_589 = vector.broadcast %jit3A_587 : f32 to vector<16xf32>
        %select_n3A_590 = arith.select %gt3A_46, %broadcast_in_dim3A_588, %broadcast_in_dim3A_589 : vector<16xi1>, vector<16xf32>
        %sub3A_591 = arith.constant 1 : i32
        %sub3A_592 = vector.broadcast %sub3A_591 : i32 to vector<16xi32>
        %sub3A_593 = arith.subi %iota3A, %sub3A_592 : vector<16xi32>
        %max3A_594 = arith.constant 0 : i32
        %max3A_595 = vector.broadcast %max3A_594 : i32 to vector<16xi32>
        %max3A_596 = arith.maxsi %sub3A_593, %max3A_595 : vector<16xi32>
        %lt3A_597 = arith.constant 0 : i32
        %lt3A_598 = vector.broadcast %lt3A_597 : i32 to vector<16xi32>
        %lt3A_599 = arith.cmpi slt, %max3A_596, %lt3A_598 : vector<16xi32>
        %add3A_600 = arith.constant 16 : i32
        %add3A_601 = vector.broadcast %add3A_600 : i32 to vector<16xi32>
        %add3A_602 = arith.addi %max3A_596, %add3A_601 : vector<16xi32>
        %select_n3A_603 = arith.select %lt3A_599, %add3A_602, %max3A_596 : vector<16xi1>, vector<16xi32>
        %broadcast_in_dim3A_604 = vector.shape_cast %select_n3A_603 : vector<16xi32> to vector<16x1xi32>
        %gather3A_605 = vector.shape_cast %broadcast_in_dim3A_604 : vector<16x1xi32> to vector<16xi32>
        %gather3A_606 = tpu.dynamic_gather %select_n3A_590[%gather3A_605] in [0] : vector<16xf32>, vector<16xi32> -> vector<16xf32>
        %ge3A_607 = arith.constant 1 : i32
        %ge3A_608 = vector.broadcast %ge3A_607 : i32 to vector<16xi32>
        %ge3A_609 = arith.cmpi sge, %iota3A, %ge3A_608 : vector<16xi32>
        %jit3A_610 = arith.constant 0.000000e+00 : f32
        %broadcast_in_dim3A_611 = vector.broadcast %jit3A_610 : f32 to vector<16xf32>
        %select_n3A_612 = arith.select %ge3A_609, %gather3A_606, %broadcast_in_dim3A_611 : vector<16xi1>, vector<16xf32>
        %add3A_613 = arith.addf %select_n3A_590, %select_n3A_612 : vector<16xf32>
        %sub3A_614 = arith.constant 2 : i32
        %sub3A_615 = vector.broadcast %sub3A_614 : i32 to vector<16xi32>
        %sub3A_616 = arith.subi %iota3A, %sub3A_615 : vector<16xi32>
        %max3A_617 = arith.constant 0 : i32
        %max3A_618 = vector.broadcast %max3A_617 : i32 to vector<16xi32>
        %max3A_619 = arith.maxsi %sub3A_616, %max3A_618 : vector<16xi32>
        %lt3A_620 = arith.constant 0 : i32
        %lt3A_621 = vector.broadcast %lt3A_620 : i32 to vector<16xi32>
        %lt3A_622 = arith.cmpi slt, %max3A_619, %lt3A_621 : vector<16xi32>
        %add3A_623 = arith.constant 16 : i32
        %add3A_624 = vector.broadcast %add3A_623 : i32 to vector<16xi32>
        %add3A_625 = arith.addi %max3A_619, %add3A_624 : vector<16xi32>
        %select_n3A_626 = arith.select %lt3A_622, %add3A_625, %max3A_619 : vector<16xi1>, vector<16xi32>
        %broadcast_in_dim3A_627 = vector.shape_cast %select_n3A_626 : vector<16xi32> to vector<16x1xi32>
        %gather3A_628 = vector.shape_cast %broadcast_in_dim3A_627 : vector<16x1xi32> to vector<16xi32>
        %gather3A_629 = tpu.dynamic_gather %add3A_613[%gather3A_628] in [0] : vector<16xf32>, vector<16xi32> -> vector<16xf32>
        %ge3A_630 = arith.constant 2 : i32
        %ge3A_631 = vector.broadcast %ge3A_630 : i32 to vector<16xi32>
        %ge3A_632 = arith.cmpi sge, %iota3A, %ge3A_631 : vector<16xi32>
        %jit3A_633 = arith.constant 0.000000e+00 : f32
        %broadcast_in_dim3A_634 = vector.broadcast %jit3A_633 : f32 to vector<16xf32>
        %select_n3A_635 = arith.select %ge3A_632, %gather3A_629, %broadcast_in_dim3A_634 : vector<16xi1>, vector<16xf32>
        %add3A_636 = arith.addf %add3A_613, %select_n3A_635 : vector<16xf32>
        %sub3A_637 = arith.constant 4 : i32
        %sub3A_638 = vector.broadcast %sub3A_637 : i32 to vector<16xi32>
        %sub3A_639 = arith.subi %iota3A, %sub3A_638 : vector<16xi32>
        %max3A_640 = arith.constant 0 : i32
        %max3A_641 = vector.broadcast %max3A_640 : i32 to vector<16xi32>
        %max3A_642 = arith.maxsi %sub3A_639, %max3A_641 : vector<16xi32>
        %lt3A_643 = arith.constant 0 : i32
        %lt3A_644 = vector.broadcast %lt3A_643 : i32 to vector<16xi32>
        %lt3A_645 = arith.cmpi slt, %max3A_642, %lt3A_644 : vector<16xi32>
        %add3A_646 = arith.constant 16 : i32
        %add3A_647 = vector.broadcast %add3A_646 : i32 to vector<16xi32>
        %add3A_648 = arith.addi %max3A_642, %add3A_647 : vector<16xi32>
        %select_n3A_649 = arith.select %lt3A_645, %add3A_648, %max3A_642 : vector<16xi1>, vector<16xi32>
        %broadcast_in_dim3A_650 = vector.shape_cast %select_n3A_649 : vector<16xi32> to vector<16x1xi32>
        %gather3A_651 = vector.shape_cast %broadcast_in_dim3A_650 : vector<16x1xi32> to vector<16xi32>
        %gather3A_652 = tpu.dynamic_gather %add3A_636[%gather3A_651] in [0] : vector<16xf32>, vector<16xi32> -> vector<16xf32>
        %ge3A_653 = arith.constant 4 : i32
        %ge3A_654 = vector.broadcast %ge3A_653 : i32 to vector<16xi32>
        %ge3A_655 = arith.cmpi sge, %iota3A, %ge3A_654 : vector<16xi32>
        %jit3A_656 = arith.constant 0.000000e+00 : f32
        %broadcast_in_dim3A_657 = vector.broadcast %jit3A_656 : f32 to vector<16xf32>
        %select_n3A_658 = arith.select %ge3A_655, %gather3A_652, %broadcast_in_dim3A_657 : vector<16xi1>, vector<16xf32>
        %add3A_659 = arith.addf %add3A_636, %select_n3A_658 : vector<16xf32>
        %sub3A_660 = arith.constant 8 : i32
        %sub3A_661 = vector.broadcast %sub3A_660 : i32 to vector<16xi32>
        %sub3A_662 = arith.subi %iota3A, %sub3A_661 : vector<16xi32>
        %max3A_663 = arith.constant 0 : i32
        %max3A_664 = vector.broadcast %max3A_663 : i32 to vector<16xi32>
        %max3A_665 = arith.maxsi %sub3A_662, %max3A_664 : vector<16xi32>
        %lt3A_666 = arith.constant 0 : i32
        %lt3A_667 = vector.broadcast %lt3A_666 : i32 to vector<16xi32>
        %lt3A_668 = arith.cmpi slt, %max3A_665, %lt3A_667 : vector<16xi32>
        %add3A_669 = arith.constant 16 : i32
        %add3A_670 = vector.broadcast %add3A_669 : i32 to vector<16xi32>
        %add3A_671 = arith.addi %max3A_665, %add3A_670 : vector<16xi32>
        %select_n3A_672 = arith.select %lt3A_668, %add3A_671, %max3A_665 : vector<16xi1>, vector<16xi32>
        %broadcast_in_dim3A_673 = vector.shape_cast %select_n3A_672 : vector<16xi32> to vector<16x1xi32>
        %gather3A_674 = vector.shape_cast %broadcast_in_dim3A_673 : vector<16x1xi32> to vector<16xi32>
        %gather3A_675 = tpu.dynamic_gather %add3A_659[%gather3A_674] in [0] : vector<16xf32>, vector<16xi32> -> vector<16xf32>
        %ge3A_676 = arith.constant 8 : i32
        %ge3A_677 = vector.broadcast %ge3A_676 : i32 to vector<16xi32>
        %ge3A_678 = arith.cmpi sge, %iota3A, %ge3A_677 : vector<16xi32>
        %jit3A_679 = arith.constant 0.000000e+00 : f32
        %broadcast_in_dim3A_680 = vector.broadcast %jit3A_679 : f32 to vector<16xf32>
        %select_n3A_681 = arith.select %ge3A_678, %gather3A_675, %broadcast_in_dim3A_680 : vector<16xi1>, vector<16xf32>
        %add3A_682 = arith.addf %add3A_659, %select_n3A_681 : vector<16xf32>
        %convert_element_type3A_683 = arith.fptosi %add3A_682 : vector<16xf32> to vector<16xi32>
        %add3A_684 = arith.addi %add3A_585, %convert_element_type3A_683 : vector<16xi32>
        %sub3A_685 = arith.constant 1 : i32
        %sub3A_686 = vector.broadcast %sub3A_685 : i32 to vector<16xi32>
        %sub3A_687 = arith.subi %add3A_684, %sub3A_686 : vector<16xi32>
        %add3A_688 = arith.addi %mul3A_2, %scan3A_17 : i32
        %mul3A_689 = arith.constant 80 : i32
        %mul3A_690 = arith.muli %add3A_688, %mul3A_689 : i32
        %add3A_691 = arith.constant 64 : i32
        %add3A_692 = arith.addi %mul3A_690, %add3A_691 : i32
        %add3A_693 = vector.broadcast %add3A_692 : i32 to vector<16xi32>
        %add3A_694 = arith.addi %add3A_693, %iota3A : vector<16xi32>
        tpu.vector_store_idx %arg19[%sub3A_687], %get3A_32 masked %gt3A_46 : memref<3072xf32, #tpu.memory_space<vmem>>[vector<16xi32>], vector<16xf32>, vector<16xi1>
        tpu.vector_store_idx %arg20[%sub3A_687], %add3A_694 masked %gt3A_46 : memref<3072xi32, #tpu.memory_space<vmem>>[vector<16xi32>], vector<16xi32>, vector<16xi1>
        %get3A_695 = arith.index_cast %scan3A_17 : i32 to index
        %get3A_696 = arith.constant 64 : index
        %get3A_697 = tpu.vector_load %arg15[%get3A_695, %get3A_696] {strides = array<i32>} : memref<160x80xf32, #tpu.memory_space<vmem>>, vector<16xf32>,
        tpu.vector_store_idx %arg21[%sub3A_687], %get3A_697 masked %gt3A_46 : memref<3072xf32, #tpu.memory_space<vmem>>[vector<16xi32>], vector<16xf32>, vector<16xi1>
        %get3A_698 = arith.index_cast %scan3A_17 : i32 to index
        %get3A_699 = arith.constant 64 : index
        %get3A_700 = tpu.vector_load %arg16[%get3A_698, %get3A_699] {strides = array<i32>} : memref<160x80xf32, #tpu.memory_space<vmem>>, vector<16xf32>,
        tpu.vector_store_idx %arg22[%sub3A_687], %get3A_700 masked %gt3A_46 : memref<3072xf32, #tpu.memory_space<vmem>>[vector<16xi32>], vector<16xf32>, vector<16xi1>
        %get3A_701 = arith.index_cast %scan3A_17 : i32 to index
        %get3A_702 = arith.constant 64 : index
        %get3A_703 = tpu.vector_load %arg17[%get3A_701, %get3A_702] {strides = array<i32>} : memref<160x80xf32, #tpu.memory_space<vmem>>, vector<16xf32>,
        tpu.vector_store_idx %arg23[%sub3A_687], %get3A_703 masked %gt3A_46 : memref<3072xf32, #tpu.memory_space<vmem>>[vector<16xi32>], vector<16xf32>, vector<16xi1>
        %get3A_704 = arith.index_cast %scan3A_17 : i32 to index
        %get3A_705 = arith.constant 64 : index
        %get3A_706 = tpu.vector_load %arg18[%get3A_704, %get3A_705] {strides = array<i32>} : memref<160x80xf32, #tpu.memory_space<vmem>>, vector<16xf32>,
        tpu.vector_store_idx %arg24[%sub3A_687], %get3A_706 masked %gt3A_46 : memref<3072xf32, #tpu.memory_space<vmem>>[vector<16xi32>], vector<16xf32>, vector<16xi1>
        %broadcast_in_dim3A_707 = arith.constant 15 : i32
        %broadcast_in_dim3A_708 = vector.broadcast %broadcast_in_dim3A_707 : i32 to vector<16xi32>
        %lt3A_709 = arith.constant 0 : i32
        %lt3A_710 = vector.broadcast %lt3A_709 : i32 to vector<16xi32>
        %lt3A_711 = arith.cmpi slt, %broadcast_in_dim3A_708, %lt3A_710 : vector<16xi32>
        %add3A_712 = arith.constant 16 : i32
        %add3A_713 = vector.broadcast %add3A_712 : i32 to vector<16xi32>
        %add3A_714 = arith.addi %broadcast_in_dim3A_708, %add3A_713 : vector<16xi32>
        %select_n3A_715 = arith.select %lt3A_711, %add3A_714, %broadcast_in_dim3A_708 : vector<16xi1>, vector<16xi32>
        %broadcast_in_dim3A_716 = vector.shape_cast %select_n3A_715 : vector<16xi32> to vector<16x1xi32>
        %gather3A_717 = vector.shape_cast %broadcast_in_dim3A_716 : vector<16x1xi32> to vector<16xi32>
        %gather3A_718 = tpu.dynamic_gather %convert_element_type3A_683[%gather3A_717] in [0] : vector<16xi32>, vector<16xi32> -> vector<16xi32>
        %add3A_719 = arith.addi %add3A_585, %gather3A_718 : vector<16xi32>
        %slice3A_720 = vector.extract_strided_slice %add3A_719 {offsets = [0], sizes = [1], strides = [1]} : vector<16xi32> to vector<1xi32>
        %squeeze3A_721 = vector.extract %slice3A_720[0] : i32 from vector<1xi32>
        %swap3A_722 = arith.constant 0 : i32
        %swap3A_723 = arith.index_cast %swap3A_722 : i32 to index
        %swap3A_724 = memref.load %arg26[%swap3A_723] : memref<1xi32, #tpu.memory_space<smem>>
        memref.store %squeeze3A_721, %arg26[%swap3A_723] : memref<1xi32, #tpu.memory_space<smem>>
      } else {
      }
    }
    %scan3A_10 = arith.constant 160 : i32
    %get3A = arith.constant 0 : i32
    %get3A_11 = arith.index_cast %get3A : i32 to index
    %get3A_12 = memref.load %arg26[%get3A_11] : memref<1xi32, #tpu.memory_space<smem>>
    %broadcast_in_dim3A = vector.broadcast %get3A_12 : i32 to vector<16xi32>
    %swap3A_13 = arith.constant 0 : index
    %swap3A_14 = tpu.vector_load %arg25[%swap3A_13] {strides = array<i32>} : memref<16xi32, #tpu.memory_space<vmem>>, vector<16xi32>,
    tpu.vector_store %arg25[%swap3A_13], %broadcast_in_dim3A {strides = array<i32>} : memref<16xi32, #tpu.memory_space<vmem>>, vector<16xi32>,
    %mul3A_15 = arith.constant 16 : i32
    %mul3A_16 = arith.muli %add3A, %mul3A_15 : i32
    "tpu.region"() ({
      %run_scoped3A = tpu.sem_alloc : memref<!tpu.dma_semaphore, #tpu.memory_space<semaphore_mem>>
      %dma_start3A = tpu.memref_slice %arg7[%mul3A_16] : memref<512xi32, #tpu.memory_space<hbm>> -> memref<16xi32, #tpu.memory_space<hbm>>
      %dma_start3A_17 = tpu.memref_slice %arg7[%mul3A_16] : memref<512xi32, #tpu.memory_space<hbm>> -> memref<16xi32, #tpu.memory_space<hbm>>
      tpu.enqueue_dma source(%arg25 : memref<16xi32, #tpu.memory_space<vmem>>) target(%dma_start3A_17 : memref<16xi32, #tpu.memory_space<hbm>>) target_semaphore(%run_scoped3A : memref<!tpu.dma_semaphore, #tpu.memory_space<semaphore_mem>>)
      %dma_wait3A = tpu.memref_slice %arg7[%mul3A_16] : memref<512xi32, #tpu.memory_space<hbm>> -> memref<16xi32, #tpu.memory_space<hbm>>
      %dma_wait3A_18 = tpu.memref_slice %arg7[%mul3A_16] : memref<512xi32, #tpu.memory_space<hbm>> -> memref<16xi32, #tpu.memory_space<hbm>>
      tpu.wait_dma2 semaphore(%run_scoped3A : memref<!tpu.dma_semaphore, #tpu.memory_space<semaphore_mem>>) src(%arg25 : memref<16xi32, #tpu.memory_space<vmem>>) dst(%dma_wait3A_18 : memref<16xi32, #tpu.memory_space<hbm>>)
      tpu.yield
    }) : () -> ()
    "tpu.region"() ({
      %run_scoped3A = tpu.sem_alloc : memref<!tpu.dma_semaphore, #tpu.memory_space<semaphore_mem>>
      %dma_start3A = arith.constant 0 : i32
      %dma_start3A_17 = tpu.memref_slice %arg8[%add3A, %dma_start3A] : memref<32x3072xf32, #tpu.memory_space<hbm>> -> memref<1x3072xf32, #tpu.memory_space<hbm>>
      %dma_start3A_18 = tpu.memref_squeeze %dma_start3A_17 : memref<1x3072xf32, #tpu.memory_space<hbm>> -> memref<3072xf32, #tpu.memory_space<hbm>>
      %dma_start3A_19 = arith.constant 0 : i32
      %dma_start3A_20 = tpu.memref_slice %arg8[%add3A, %dma_start3A_19] : memref<32x3072xf32, #tpu.memory_space<hbm>> -> memref<1x3072xf32, #tpu.memory_space<hbm>>
      %dma_start3A_21 = tpu.memref_squeeze %dma_start3A_20 : memref<1x3072xf32, #tpu.memory_space<hbm>> -> memref<3072xf32, #tpu.memory_space<hbm>>
      tpu.enqueue_dma source(%arg19 : memref<3072xf32, #tpu.memory_space<vmem>>) target(%dma_start3A_21 : memref<3072xf32, #tpu.memory_space<hbm>>) target_semaphore(%run_scoped3A : memref<!tpu.dma_semaphore, #tpu.memory_space<semaphore_mem>>)
      %dma_wait3A = arith.constant 0 : i32
      %dma_wait3A_22 = tpu.memref_slice %arg8[%add3A, %dma_wait3A] : memref<32x3072xf32, #tpu.memory_space<hbm>> -> memref<1x3072xf32, #tpu.memory_space<hbm>>
      %dma_wait3A_23 = tpu.memref_squeeze %dma_wait3A_22 : memref<1x3072xf32, #tpu.memory_space<hbm>> -> memref<3072xf32, #tpu.memory_space<hbm>>
      %dma_wait3A_24 = arith.constant 0 : i32
      %dma_wait3A_25 = tpu.memref_slice %arg8[%add3A, %dma_wait3A_24] : memref<32x3072xf32, #tpu.memory_space<hbm>> -> memref<1x3072xf32, #tpu.memory_space<hbm>>
      %dma_wait3A_26 = tpu.memref_squeeze %dma_wait3A_25 : memref<1x3072xf32, #tpu.memory_space<hbm>> -> memref<3072xf32, #tpu.memory_space<hbm>>
      tpu.wait_dma2 semaphore(%run_scoped3A : memref<!tpu.dma_semaphore, #tpu.memory_space<semaphore_mem>>) src(%arg19 : memref<3072xf32, #tpu.memory_space<vmem>>) dst(%dma_wait3A_26 : memref<3072xf32, #tpu.memory_space<hbm>>)
      tpu.yield
    }) : () -> ()
    "tpu.region"() ({
      %run_scoped3A = tpu.sem_alloc : memref<!tpu.dma_semaphore, #tpu.memory_space<semaphore_mem>>
      %dma_start3A = arith.constant 0 : i32
      %dma_start3A_17 = tpu.memref_slice %arg9[%add3A, %dma_start3A] : memref<32x3072xi32, #tpu.memory_space<hbm>> -> memref<1x3072xi32, #tpu.memory_space<hbm>>
      %dma_start3A_18 = tpu.memref_squeeze %dma_start3A_17 : memref<1x3072xi32, #tpu.memory_space<hbm>> -> memref<3072xi32, #tpu.memory_space<hbm>>
      %dma_start3A_19 = arith.constant 0 : i32
      %dma_start3A_20 = tpu.memref_slice %arg9[%add3A, %dma_start3A_19] : memref<32x3072xi32, #tpu.memory_space<hbm>> -> memref<1x3072xi32, #tpu.memory_space<hbm>>
      %dma_start3A_21 = tpu.memref_squeeze %dma_start3A_20 : memref<1x3072xi32, #tpu.memory_space<hbm>> -> memref<3072xi32, #tpu.memory_space<hbm>>
      tpu.enqueue_dma source(%arg20 : memref<3072xi32, #tpu.memory_space<vmem>>) target(%dma_start3A_21 : memref<3072xi32, #tpu.memory_space<hbm>>) target_semaphore(%run_scoped3A : memref<!tpu.dma_semaphore, #tpu.memory_space<semaphore_mem>>)
      %dma_wait3A = arith.constant 0 : i32
      %dma_wait3A_22 = tpu.memref_slice %arg9[%add3A, %dma_wait3A] : memref<32x3072xi32, #tpu.memory_space<hbm>> -> memref<1x3072xi32, #tpu.memory_space<hbm>>
      %dma_wait3A_23 = tpu.memref_squeeze %dma_wait3A_22 : memref<1x3072xi32, #tpu.memory_space<hbm>> -> memref<3072xi32, #tpu.memory_space<hbm>>
      %dma_wait3A_24 = arith.constant 0 : i32
      %dma_wait3A_25 = tpu.memref_slice %arg9[%add3A, %dma_wait3A_24] : memref<32x3072xi32, #tpu.memory_space<hbm>> -> memref<1x3072xi32, #tpu.memory_space<hbm>>
      %dma_wait3A_26 = tpu.memref_squeeze %dma_wait3A_25 : memref<1x3072xi32, #tpu.memory_space<hbm>> -> memref<3072xi32, #tpu.memory_space<hbm>>
      tpu.wait_dma2 semaphore(%run_scoped3A : memref<!tpu.dma_semaphore, #tpu.memory_space<semaphore_mem>>) src(%arg20 : memref<3072xi32, #tpu.memory_space<vmem>>) dst(%dma_wait3A_26 : memref<3072xi32, #tpu.memory_space<hbm>>)
      tpu.yield
    }) : () -> ()
    "tpu.region"() ({
      %run_scoped3A = tpu.sem_alloc : memref<!tpu.dma_semaphore, #tpu.memory_space<semaphore_mem>>
      %dma_start3A = arith.constant 0 : i32
      %dma_start3A_17 = tpu.memref_slice %arg10[%add3A, %dma_start3A] : memref<32x3072xf32, #tpu.memory_space<hbm>> -> memref<1x3072xf32, #tpu.memory_space<hbm>>
      %dma_start3A_18 = tpu.memref_squeeze %dma_start3A_17 : memref<1x3072xf32, #tpu.memory_space<hbm>> -> memref<3072xf32, #tpu.memory_space<hbm>>
      %dma_start3A_19 = arith.constant 0 : i32
      %dma_start3A_20 = tpu.memref_slice %arg10[%add3A, %dma_start3A_19] : memref<32x3072xf32, #tpu.memory_space<hbm>> -> memref<1x3072xf32, #tpu.memory_space<hbm>>
      %dma_start3A_21 = tpu.memref_squeeze %dma_start3A_20 : memref<1x3072xf32, #tpu.memory_space<hbm>> -> memref<3072xf32, #tpu.memory_space<hbm>>
      tpu.enqueue_dma source(%arg21 : memref<3072xf32, #tpu.memory_space<vmem>>) target(%dma_start3A_21 : memref<3072xf32, #tpu.memory_space<hbm>>) target_semaphore(%run_scoped3A : memref<!tpu.dma_semaphore, #tpu.memory_space<semaphore_mem>>)
      %dma_wait3A = arith.constant 0 : i32
      %dma_wait3A_22 = tpu.memref_slice %arg10[%add3A, %dma_wait3A] : memref<32x3072xf32, #tpu.memory_space<hbm>> -> memref<1x3072xf32, #tpu.memory_space<hbm>>
      %dma_wait3A_23 = tpu.memref_squeeze %dma_wait3A_22 : memref<1x3072xf32, #tpu.memory_space<hbm>> -> memref<3072xf32, #tpu.memory_space<hbm>>
      %dma_wait3A_24 = arith.constant 0 : i32
      %dma_wait3A_25 = tpu.memref_slice %arg10[%add3A, %dma_wait3A_24] : memref<32x3072xf32, #tpu.memory_space<hbm>> -> memref<1x3072xf32, #tpu.memory_space<hbm>>
      %dma_wait3A_26 = tpu.memref_squeeze %dma_wait3A_25 : memref<1x3072xf32, #tpu.memory_space<hbm>> -> memref<3072xf32, #tpu.memory_space<hbm>>
      tpu.wait_dma2 semaphore(%run_scoped3A : memref<!tpu.dma_semaphore, #tpu.memory_space<semaphore_mem>>) src(%arg21 : memref<3072xf32, #tpu.memory_space<vmem>>) dst(%dma_wait3A_26 : memref<3072xf32, #tpu.memory_space<hbm>>)
      tpu.yield
    }) : () -> ()
    "tpu.region"() ({
      %run_scoped3A = tpu.sem_alloc : memref<!tpu.dma_semaphore, #tpu.memory_space<semaphore_mem>>
      %dma_start3A = arith.constant 0 : i32
      %dma_start3A_17 = tpu.memref_slice %arg11[%add3A, %dma_start3A] : memref<32x3072xf32, #tpu.memory_space<hbm>> -> memref<1x3072xf32, #tpu.memory_space<hbm>>
      %dma_start3A_18 = tpu.memref_squeeze %dma_start3A_17 : memref<1x3072xf32, #tpu.memory_space<hbm>> -> memref<3072xf32, #tpu.memory_space<hbm>>
      %dma_start3A_19 = arith.constant 0 : i32
      %dma_start3A_20 = tpu.memref_slice %arg11[%add3A, %dma_start3A_19] : memref<32x3072xf32, #tpu.memory_space<hbm>> -> memref<1x3072xf32, #tpu.memory_space<hbm>>
      %dma_start3A_21 = tpu.memref_squeeze %dma_start3A_20 : memref<1x3072xf32, #tpu.memory_space<hbm>> -> memref<3072xf32, #tpu.memory_space<hbm>>
      tpu.enqueue_dma source(%arg22 : memref<3072xf32, #tpu.memory_space<vmem>>) target(%dma_start3A_21 : memref<3072xf32, #tpu.memory_space<hbm>>) target_semaphore(%run_scoped3A : memref<!tpu.dma_semaphore, #tpu.memory_space<semaphore_mem>>)
      %dma_wait3A = arith.constant 0 : i32
      %dma_wait3A_22 = tpu.memref_slice %arg11[%add3A, %dma_wait3A] : memref<32x3072xf32, #tpu.memory_space<hbm>> -> memref<1x3072xf32, #tpu.memory_space<hbm>>
      %dma_wait3A_23 = tpu.memref_squeeze %dma_wait3A_22 : memref<1x3072xf32, #tpu.memory_space<hbm>> -> memref<3072xf32, #tpu.memory_space<hbm>>
      %dma_wait3A_24 = arith.constant 0 : i32
      %dma_wait3A_25 = tpu.memref_slice %arg11[%add3A, %dma_wait3A_24] : memref<32x3072xf32, #tpu.memory_space<hbm>> -> memref<1x3072xf32, #tpu.memory_space<hbm>>
      %dma_wait3A_26 = tpu.memref_squeeze %dma_wait3A_25 : memref<1x3072xf32, #tpu.memory_space<hbm>> -> memref<3072xf32, #tpu.memory_space<hbm>>
      tpu.wait_dma2 semaphore(%run_scoped3A : memref<!tpu.dma_semaphore, #tpu.memory_space<semaphore_mem>>) src(%arg22 : memref<3072xf32, #tpu.memory_space<vmem>>) dst(%dma_wait3A_26 : memref<3072xf32, #tpu.memory_space<hbm>>)
      tpu.yield
    }) : () -> ()
    "tpu.region"() ({
      %run_scoped3A = tpu.sem_alloc : memref<!tpu.dma_semaphore, #tpu.memory_space<semaphore_mem>>
      %dma_start3A = arith.constant 0 : i32
      %dma_start3A_17 = tpu.memref_slice %arg12[%add3A, %dma_start3A] : memref<32x3072xf32, #tpu.memory_space<hbm>> -> memref<1x3072xf32, #tpu.memory_space<hbm>>
      %dma_start3A_18 = tpu.memref_squeeze %dma_start3A_17 : memref<1x3072xf32, #tpu.memory_space<hbm>> -> memref<3072xf32, #tpu.memory_space<hbm>>
      %dma_start3A_19 = arith.constant 0 : i32
      %dma_start3A_20 = tpu.memref_slice %arg12[%add3A, %dma_start3A_19] : memref<32x3072xf32, #tpu.memory_space<hbm>> -> memref<1x3072xf32, #tpu.memory_space<hbm>>
      %dma_start3A_21 = tpu.memref_squeeze %dma_start3A_20 : memref<1x3072xf32, #tpu.memory_space<hbm>> -> memref<3072xf32, #tpu.memory_space<hbm>>
      tpu.enqueue_dma source(%arg23 : memref<3072xf32, #tpu.memory_space<vmem>>) target(%dma_start3A_21 : memref<3072xf32, #tpu.memory_space<hbm>>) target_semaphore(%run_scoped3A : memref<!tpu.dma_semaphore, #tpu.memory_space<semaphore_mem>>)
      %dma_wait3A = arith.constant 0 : i32
      %dma_wait3A_22 = tpu.memref_slice %arg12[%add3A, %dma_wait3A] : memref<32x3072xf32, #tpu.memory_space<hbm>> -> memref<1x3072xf32, #tpu.memory_space<hbm>>
      %dma_wait3A_23 = tpu.memref_squeeze %dma_wait3A_22 : memref<1x3072xf32, #tpu.memory_space<hbm>> -> memref<3072xf32, #tpu.memory_space<hbm>>
      %dma_wait3A_24 = arith.constant 0 : i32
      %dma_wait3A_25 = tpu.memref_slice %arg12[%add3A, %dma_wait3A_24] : memref<32x3072xf32, #tpu.memory_space<hbm>> -> memref<1x3072xf32, #tpu.memory_space<hbm>>
      %dma_wait3A_26 = tpu.memref_squeeze %dma_wait3A_25 : memref<1x3072xf32, #tpu.memory_space<hbm>> -> memref<3072xf32, #tpu.memory_space<hbm>>
      tpu.wait_dma2 semaphore(%run_scoped3A : memref<!tpu.dma_semaphore, #tpu.memory_space<semaphore_mem>>) src(%arg23 : memref<3072xf32, #tpu.memory_space<vmem>>) dst(%dma_wait3A_26 : memref<3072xf32, #tpu.memory_space<hbm>>)
      tpu.yield
    }) : () -> ()
    "tpu.region"() ({
      %run_scoped3A = tpu.sem_alloc : memref<!tpu.dma_semaphore, #tpu.memory_space<semaphore_mem>>
      %dma_start3A = arith.constant 0 : i32
      %dma_start3A_17 = tpu.memref_slice %arg13[%add3A, %dma_start3A] : memref<32x3072xf32, #tpu.memory_space<hbm>> -> memref<1x3072xf32, #tpu.memory_space<hbm>>
      %dma_start3A_18 = tpu.memref_squeeze %dma_start3A_17 : memref<1x3072xf32, #tpu.memory_space<hbm>> -> memref<3072xf32, #tpu.memory_space<hbm>>
      %dma_start3A_19 = arith.constant 0 : i32
      %dma_start3A_20 = tpu.memref_slice %arg13[%add3A, %dma_start3A_19] : memref<32x3072xf32, #tpu.memory_space<hbm>> -> memref<1x3072xf32, #tpu.memory_space<hbm>>
      %dma_start3A_21 = tpu.memref_squeeze %dma_start3A_20 : memref<1x3072xf32, #tpu.memory_space<hbm>> -> memref<3072xf32, #tpu.memory_space<hbm>>
      tpu.enqueue_dma source(%arg24 : memref<3072xf32, #tpu.memory_space<vmem>>) target(%dma_start3A_21 : memref<3072xf32, #tpu.memory_space<hbm>>) target_semaphore(%run_scoped3A : memref<!tpu.dma_semaphore, #tpu.memory_space<semaphore_mem>>)
      %dma_wait3A = arith.constant 0 : i32
      %dma_wait3A_22 = tpu.memref_slice %arg13[%add3A, %dma_wait3A] : memref<32x3072xf32, #tpu.memory_space<hbm>> -> memref<1x3072xf32, #tpu.memory_space<hbm>>
      %dma_wait3A_23 = tpu.memref_squeeze %dma_wait3A_22 : memref<1x3072xf32, #tpu.memory_space<hbm>> -> memref<3072xf32, #tpu.memory_space<hbm>>
      %dma_wait3A_24 = arith.constant 0 : i32
      %dma_wait3A_25 = tpu.memref_slice %arg13[%add3A, %dma_wait3A_24] : memref<32x3072xf32, #tpu.memory_space<hbm>> -> memref<1x3072xf32, #tpu.memory_space<hbm>>
      %dma_wait3A_26 = tpu.memref_squeeze %dma_wait3A_25 : memref<1x3072xf32, #tpu.memory_space<hbm>> -> memref<3072xf32, #tpu.memory_space<hbm>>
      tpu.wait_dma2 semaphore(%run_scoped3A : memref<!tpu.dma_semaphore, #tpu.memory_space<semaphore_mem>>) src(%arg24 : memref<3072xf32, #tpu.memory_space<vmem>>) dst(%dma_wait3A_26 : memref<3072xf32, #tpu.memory_space<hbm>>)
      tpu.yield
    }) : () -> ()
    return
  }
}

module attributes {stable_mosaic.version = 14 : i64} {
  func.func @_head_body(%arg0: i32, %arg1: memref<512x4xf32, #tpu.memory_space<vmem>>, %arg2: memref<80x10240xf32, #tpu.memory_space<vmem>>, %arg3: memref<80x10240xf32, #tpu.memory_space<vmem>>, %arg4: memref<128x128xf32, #tpu.memory_space<vmem>>, %arg5: memref<1x128xf32, #tpu.memory_space<vmem>>, %arg6: memref<128x80xf32, #tpu.memory_space<vmem>>, %arg7: memref<128x80xf32, #tpu.memory_space<vmem>>, %arg8: memref<128x80xf32, #tpu.memory_space<vmem>>, %arg9: memref<128x80xf32, #tpu.memory_space<vmem>>, %arg10: memref<4x80xf32, #tpu.memory_space<vmem>>, %arg11: memref<512x80xf32, #tpu.memory_space<vmem>>, %arg12: memref<512x80xf32, #tpu.memory_space<vmem>>, %arg13: memref<512x80xf32, #tpu.memory_space<vmem>>, %arg14: memref<512x80xf32, #tpu.memory_space<vmem>>, %arg15: memref<512x80xf32, #tpu.memory_space<vmem>>) attributes {dimension_semantics = [#tpu.dimension_semantics<arbitrary>], iteration_bounds = array<i64: 10>, scalar_prefetch = 0 : i64, scratch_operands = 0 : i64, tpu.core_type = #tpu.core_type<tc>, window_params = [{transform_indices = @transform_0, window_bounds = array<i64: 512, 4>}, {pipeline_mode = #tpu.pipeline_mode<synchronous>, transform_indices = @transform_1, window_bounds = array<i64: 80, 10240>}, {pipeline_mode = #tpu.pipeline_mode<synchronous>, transform_indices = @transform_2, window_bounds = array<i64: 80, 10240>}, {pipeline_mode = #tpu.pipeline_mode<synchronous>, transform_indices = @transform_3, window_bounds = array<i64: 128, 128>}, {pipeline_mode = #tpu.pipeline_mode<synchronous>, transform_indices = @transform_4, window_bounds = array<i64: 1, 128>}, {pipeline_mode = #tpu.pipeline_mode<synchronous>, transform_indices = @transform_5, window_bounds = array<i64: 128, 80>}, {pipeline_mode = #tpu.pipeline_mode<synchronous>, transform_indices = @transform_6, window_bounds = array<i64: 128, 80>}, {pipeline_mode = #tpu.pipeline_mode<synchronous>, transform_indices = @transform_7, window_bounds = array<i64: 128, 80>}, {pipeline_mode = #tpu.pipeline_mode<synchronous>, transform_indices = @transform_8, window_bounds = array<i64: 128, 80>}, {pipeline_mode = #tpu.pipeline_mode<synchronous>, transform_indices = @transform_9, window_bounds = array<i64: 4, 80>}, {transform_indices = @transform_10, window_bounds = array<i64: 512, 80>}, {transform_indices = @transform_11, window_bounds = array<i64: 512, 80>}, {transform_indices = @transform_12, window_bounds = array<i64: 512, 80>}, {transform_indices = @transform_13, window_bounds = array<i64: 512, 80>}, {transform_indices = @transform_14, window_bounds = array<i64: 512, 80>}]} {
    %get3A = arith.constant 0 : index
    %get3A_0 = arith.constant 0 : index
    %get3A_1 = vector.load %arg1[%get3A, %get3A_0] : memref<512x4xf32, #tpu.memory_space<vmem>>, vector<512x4xf32>
    %slice3A = vector.extract_strided_slice %get3A_1 {offsets = [0, 0], sizes = [512, 1], strides = [1, 1]} : vector<512x4xf32> to vector<512x1xf32>
    %slice3A_2 = vector.extract_strided_slice %get3A_1 {offsets = [0, 1], sizes = [512, 1], strides = [1, 1]} : vector<512x4xf32> to vector<512x1xf32>
    %slice3A_3 = vector.extract_strided_slice %get3A_1 {offsets = [0, 2], sizes = [512, 1], strides = [1, 1]} : vector<512x4xf32> to vector<512x1xf32>
    %slice3A_4 = vector.extract_strided_slice %get3A_1 {offsets = [0, 3], sizes = [512, 1], strides = [1, 1]} : vector<512x4xf32> to vector<512x1xf32>
    %mul3A = arith.constant 1.250000e-01 : f32
    %mul3A_5 = vector.broadcast %mul3A : f32 to vector<512x1xf32>
    %mul3A_6 = arith.mulf %slice3A, %mul3A_5 : vector<512x1xf32>
    %mul3A_7 = arith.constant 1.250000e-01 : f32
    %mul3A_8 = vector.broadcast %mul3A_7 : f32 to vector<512x1xf32>
    %mul3A_9 = arith.mulf %slice3A_2, %mul3A_8 : vector<512x1xf32>
    %mul3A_10 = arith.constant 1.250000e-01 : f32
    %mul3A_11 = vector.broadcast %mul3A_10 : f32 to vector<512x1xf32>
    %mul3A_12 = arith.mulf %slice3A_3, %mul3A_11 : vector<512x1xf32>
    %mul3A_13 = arith.constant 1.250000e-01 : f32
    %mul3A_14 = vector.broadcast %mul3A_13 : f32 to vector<512x1xf32>
    %mul3A_15 = arith.mulf %slice3A_4, %mul3A_14 : vector<512x1xf32>
    %sub3A = arith.subf %mul3A_12, %mul3A_6 : vector<512x1xf32>
    %max3A = arith.constant 1.000000e-03 : f32
    %max3A_16 = vector.broadcast %max3A : f32 to vector<512x1xf32>
    %max3A_17 = arith.maximumf %sub3A, %max3A_16 : vector<512x1xf32>
    %mul3A_18 = arith.constant 0.142857149 : f32
    %mul3A_19 = vector.broadcast %mul3A_18 : f32 to vector<512x1xf32>
    %mul3A_20 = arith.mulf %max3A_17, %mul3A_19 : vector<512x1xf32>
    %sub3A_21 = arith.subf %mul3A_15, %mul3A_9 : vector<512x1xf32>
    %max3A_22 = arith.constant 1.000000e-03 : f32
    %max3A_23 = vector.broadcast %max3A_22 : f32 to vector<512x1xf32>
    %max3A_24 = arith.maximumf %sub3A_21, %max3A_23 : vector<512x1xf32>
    %mul3A_25 = arith.constant 0.142857149 : f32
    %mul3A_26 = vector.broadcast %mul3A_25 : f32 to vector<512x1xf32>
    %mul3A_27 = arith.mulf %max3A_24, %mul3A_26 : vector<512x1xf32>
    %iota3A = tpu.iota {dimensions = array<i32: 1>} : vector<512x80xi32>
    %convert_element_type3A = arith.sitofp %iota3A : vector<512x80xi32> to vector<512x80xf32>
    %broadcast_in_dim3A = arith.constant 0.000000e+00 : f32
    %broadcast_in_dim3A_28 = vector.broadcast %broadcast_in_dim3A : f32 to vector<512x80xf32>
    %mul3A_29 = arith.constant 5.000000e-01 : f32
    %mul3A_30 = vector.broadcast %mul3A_29 : f32 to vector<512x1xf32>
    %mul3A_31 = arith.mulf %mul3A_30, %mul3A_20 : vector<512x1xf32>
    %add3A = arith.addf %mul3A_6, %mul3A_31 : vector<512x1xf32>
    %floor3A = math.floor %add3A : vector<512x1xf32>
    %sub3A_32 = arith.subf %add3A, %floor3A : vector<512x1xf32>
    %jit3A = arith.constant 0.000000e+00 : f32
    %jit3A_33 = arith.constant 7.900000e+01 : f32
    %max3A_34 = vector.broadcast %jit3A : f32 to vector<512x1xf32>
    %max3A_35 = arith.maximumf %max3A_34, %floor3A : vector<512x1xf32>
    %min3A = vector.broadcast %jit3A_33 : f32 to vector<512x1xf32>
    %min3A_36 = arith.minimumf %min3A, %max3A_35 : vector<512x1xf32>
    %add3A_37 = arith.constant 1.000000e+00 : f32
    %add3A_38 = vector.broadcast %add3A_37 : f32 to vector<512x1xf32>
    %add3A_39 = arith.addf %floor3A, %add3A_38 : vector<512x1xf32>
    %jit3A_40 = arith.constant 0.000000e+00 : f32
    %jit3A_41 = arith.constant 7.900000e+01 : f32
    %max3A_42 = vector.broadcast %jit3A_40 : f32 to vector<512x1xf32>
    %max3A_43 = arith.maximumf %max3A_42, %add3A_39 : vector<512x1xf32>
    %min3A_44 = vector.broadcast %jit3A_41 : f32 to vector<512x1xf32>
    %min3A_45 = arith.minimumf %min3A_44, %max3A_43 : vector<512x1xf32>
    %eq3A = vector.broadcast %min3A_36 : vector<512x1xf32> to vector<512x80xf32>
    %eq3A_46 = arith.cmpf oeq, %convert_element_type3A, %eq3A : vector<512x80xf32>
    %sub3A_47 = arith.constant 1.000000e+00 : f32
    %sub3A_48 = vector.broadcast %sub3A_47 : f32 to vector<512x1xf32>
    %sub3A_49 = arith.subf %sub3A_48, %sub3A_32 : vector<512x1xf32>
    %jit3A_50 = arith.constant 0.000000e+00 : f32
    %broadcast_in_dim3A_51 = vector.shape_cast %sub3A_49 : vector<512x1xf32> to vector<512x1xf32>
    %broadcast_in_dim3A_52 = vector.broadcast %broadcast_in_dim3A_51 : vector<512x1xf32> to vector<512x80xf32>
    %broadcast_in_dim3A_53 = vector.broadcast %jit3A_50 : f32 to vector<512x80xf32>
    %select_n3A = arith.select %eq3A_46, %broadcast_in_dim3A_52, %broadcast_in_dim3A_53 : vector<512x80xi1>, vector<512x80xf32>
    %add3A_54 = arith.addf %broadcast_in_dim3A_28, %select_n3A : vector<512x80xf32>
    %eq3A_55 = vector.broadcast %min3A_45 : vector<512x1xf32> to vector<512x80xf32>
    %eq3A_56 = arith.cmpf oeq, %convert_element_type3A, %eq3A_55 : vector<512x80xf32>
    %jit3A_57 = arith.constant 0.000000e+00 : f32
    %broadcast_in_dim3A_58 = vector.shape_cast %sub3A_32 : vector<512x1xf32> to vector<512x1xf32>
    %broadcast_in_dim3A_59 = vector.broadcast %broadcast_in_dim3A_58 : vector<512x1xf32> to vector<512x80xf32>
    %broadcast_in_dim3A_60 = vector.broadcast %jit3A_57 : f32 to vector<512x80xf32>
    %select_n3A_61 = arith.select %eq3A_56, %broadcast_in_dim3A_59, %broadcast_in_dim3A_60 : vector<512x80xi1>, vector<512x80xf32>
    %add3A_62 = arith.addf %add3A_54, %select_n3A_61 : vector<512x80xf32>
    %mul3A_63 = arith.constant 1.500000e+00 : f32
    %mul3A_64 = vector.broadcast %mul3A_63 : f32 to vector<512x1xf32>
    %mul3A_65 = arith.mulf %mul3A_64, %mul3A_20 : vector<512x1xf32>
    %add3A_66 = arith.addf %mul3A_6, %mul3A_65 : vector<512x1xf32>
    %floor3A_67 = math.floor %add3A_66 : vector<512x1xf32>
    %sub3A_68 = arith.subf %add3A_66, %floor3A_67 : vector<512x1xf32>
    %jit3A_69 = arith.constant 0.000000e+00 : f32
    %jit3A_70 = arith.constant 7.900000e+01 : f32
    %max3A_71 = vector.broadcast %jit3A_69 : f32 to vector<512x1xf32>
    %max3A_72 = arith.maximumf %max3A_71, %floor3A_67 : vector<512x1xf32>
    %min3A_73 = vector.broadcast %jit3A_70 : f32 to vector<512x1xf32>
    %min3A_74 = arith.minimumf %min3A_73, %max3A_72 : vector<512x1xf32>
    %add3A_75 = arith.constant 1.000000e+00 : f32
    %add3A_76 = vector.broadcast %add3A_75 : f32 to vector<512x1xf32>
    %add3A_77 = arith.addf %floor3A_67, %add3A_76 : vector<512x1xf32>
    %jit3A_78 = arith.constant 0.000000e+00 : f32
    %jit3A_79 = arith.constant 7.900000e+01 : f32
    %max3A_80 = vector.broadcast %jit3A_78 : f32 to vector<512x1xf32>
    %max3A_81 = arith.maximumf %max3A_80, %add3A_77 : vector<512x1xf32>
    %min3A_82 = vector.broadcast %jit3A_79 : f32 to vector<512x1xf32>
    %min3A_83 = arith.minimumf %min3A_82, %max3A_81 : vector<512x1xf32>
    %eq3A_84 = vector.broadcast %min3A_74 : vector<512x1xf32> to vector<512x80xf32>
    %eq3A_85 = arith.cmpf oeq, %convert_element_type3A, %eq3A_84 : vector<512x80xf32>
    %sub3A_86 = arith.constant 1.000000e+00 : f32
    %sub3A_87 = vector.broadcast %sub3A_86 : f32 to vector<512x1xf32>
    %sub3A_88 = arith.subf %sub3A_87, %sub3A_68 : vector<512x1xf32>
    %jit3A_89 = arith.constant 0.000000e+00 : f32
    %broadcast_in_dim3A_90 = vector.shape_cast %sub3A_88 : vector<512x1xf32> to vector<512x1xf32>
    %broadcast_in_dim3A_91 = vector.broadcast %broadcast_in_dim3A_90 : vector<512x1xf32> to vector<512x80xf32>
    %broadcast_in_dim3A_92 = vector.broadcast %jit3A_89 : f32 to vector<512x80xf32>
    %select_n3A_93 = arith.select %eq3A_85, %broadcast_in_dim3A_91, %broadcast_in_dim3A_92 : vector<512x80xi1>, vector<512x80xf32>
    %add3A_94 = arith.addf %add3A_62, %select_n3A_93 : vector<512x80xf32>
    %eq3A_95 = vector.broadcast %min3A_83 : vector<512x1xf32> to vector<512x80xf32>
    %eq3A_96 = arith.cmpf oeq, %convert_element_type3A, %eq3A_95 : vector<512x80xf32>
    %jit3A_97 = arith.constant 0.000000e+00 : f32
    %broadcast_in_dim3A_98 = vector.shape_cast %sub3A_68 : vector<512x1xf32> to vector<512x1xf32>
    %broadcast_in_dim3A_99 = vector.broadcast %broadcast_in_dim3A_98 : vector<512x1xf32> to vector<512x80xf32>
    %broadcast_in_dim3A_100 = vector.broadcast %jit3A_97 : f32 to vector<512x80xf32>
    %select_n3A_101 = arith.select %eq3A_96, %broadcast_in_dim3A_99, %broadcast_in_dim3A_100 : vector<512x80xi1>, vector<512x80xf32>
    %add3A_102 = arith.addf %add3A_94, %select_n3A_101 : vector<512x80xf32>
    %mul3A_103 = arith.constant 2.500000e+00 : f32
    %mul3A_104 = vector.broadcast %mul3A_103 : f32 to vector<512x1xf32>
    %mul3A_105 = arith.mulf %mul3A_104, %mul3A_20 : vector<512x1xf32>
    %add3A_106 = arith.addf %mul3A_6, %mul3A_105 : vector<512x1xf32>
    %floor3A_107 = math.floor %add3A_106 : vector<512x1xf32>
    %sub3A_108 = arith.subf %add3A_106, %floor3A_107 : vector<512x1xf32>
    %jit3A_109 = arith.constant 0.000000e+00 : f32
    %jit3A_110 = arith.constant 7.900000e+01 : f32
    %max3A_111 = vector.broadcast %jit3A_109 : f32 to vector<512x1xf32>
    %max3A_112 = arith.maximumf %max3A_111, %floor3A_107 : vector<512x1xf32>
    %min3A_113 = vector.broadcast %jit3A_110 : f32 to vector<512x1xf32>
    %min3A_114 = arith.minimumf %min3A_113, %max3A_112 : vector<512x1xf32>
    %add3A_115 = arith.constant 1.000000e+00 : f32
    %add3A_116 = vector.broadcast %add3A_115 : f32 to vector<512x1xf32>
    %add3A_117 = arith.addf %floor3A_107, %add3A_116 : vector<512x1xf32>
    %jit3A_118 = arith.constant 0.000000e+00 : f32
    %jit3A_119 = arith.constant 7.900000e+01 : f32
    %max3A_120 = vector.broadcast %jit3A_118 : f32 to vector<512x1xf32>
    %max3A_121 = arith.maximumf %max3A_120, %add3A_117 : vector<512x1xf32>
    %min3A_122 = vector.broadcast %jit3A_119 : f32 to vector<512x1xf32>
    %min3A_123 = arith.minimumf %min3A_122, %max3A_121 : vector<512x1xf32>
    %eq3A_124 = vector.broadcast %min3A_114 : vector<512x1xf32> to vector<512x80xf32>
    %eq3A_125 = arith.cmpf oeq, %convert_element_type3A, %eq3A_124 : vector<512x80xf32>
    %sub3A_126 = arith.constant 1.000000e+00 : f32
    %sub3A_127 = vector.broadcast %sub3A_126 : f32 to vector<512x1xf32>
    %sub3A_128 = arith.subf %sub3A_127, %sub3A_108 : vector<512x1xf32>
    %jit3A_129 = arith.constant 0.000000e+00 : f32
    %broadcast_in_dim3A_130 = vector.shape_cast %sub3A_128 : vector<512x1xf32> to vector<512x1xf32>
    %broadcast_in_dim3A_131 = vector.broadcast %broadcast_in_dim3A_130 : vector<512x1xf32> to vector<512x80xf32>
    %broadcast_in_dim3A_132 = vector.broadcast %jit3A_129 : f32 to vector<512x80xf32>
    %select_n3A_133 = arith.select %eq3A_125, %broadcast_in_dim3A_131, %broadcast_in_dim3A_132 : vector<512x80xi1>, vector<512x80xf32>
    %add3A_134 = arith.addf %add3A_102, %select_n3A_133 : vector<512x80xf32>
    %eq3A_135 = vector.broadcast %min3A_123 : vector<512x1xf32> to vector<512x80xf32>
    %eq3A_136 = arith.cmpf oeq, %convert_element_type3A, %eq3A_135 : vector<512x80xf32>
    %jit3A_137 = arith.constant 0.000000e+00 : f32
    %broadcast_in_dim3A_138 = vector.shape_cast %sub3A_108 : vector<512x1xf32> to vector<512x1xf32>
    %broadcast_in_dim3A_139 = vector.broadcast %broadcast_in_dim3A_138 : vector<512x1xf32> to vector<512x80xf32>
    %broadcast_in_dim3A_140 = vector.broadcast %jit3A_137 : f32 to vector<512x80xf32>
    %select_n3A_141 = arith.select %eq3A_136, %broadcast_in_dim3A_139, %broadcast_in_dim3A_140 : vector<512x80xi1>, vector<512x80xf32>
    %add3A_142 = arith.addf %add3A_134, %select_n3A_141 : vector<512x80xf32>
    %mul3A_143 = arith.constant 3.500000e+00 : f32
    %mul3A_144 = vector.broadcast %mul3A_143 : f32 to vector<512x1xf32>
    %mul3A_145 = arith.mulf %mul3A_144, %mul3A_20 : vector<512x1xf32>
    %add3A_146 = arith.addf %mul3A_6, %mul3A_145 : vector<512x1xf32>
    %floor3A_147 = math.floor %add3A_146 : vector<512x1xf32>
    %sub3A_148 = arith.subf %add3A_146, %floor3A_147 : vector<512x1xf32>
    %jit3A_149 = arith.constant 0.000000e+00 : f32
    %jit3A_150 = arith.constant 7.900000e+01 : f32
    %max3A_151 = vector.broadcast %jit3A_149 : f32 to vector<512x1xf32>
    %max3A_152 = arith.maximumf %max3A_151, %floor3A_147 : vector<512x1xf32>
    %min3A_153 = vector.broadcast %jit3A_150 : f32 to vector<512x1xf32>
    %min3A_154 = arith.minimumf %min3A_153, %max3A_152 : vector<512x1xf32>
    %add3A_155 = arith.constant 1.000000e+00 : f32
    %add3A_156 = vector.broadcast %add3A_155 : f32 to vector<512x1xf32>
    %add3A_157 = arith.addf %floor3A_147, %add3A_156 : vector<512x1xf32>
    %jit3A_158 = arith.constant 0.000000e+00 : f32
    %jit3A_159 = arith.constant 7.900000e+01 : f32
    %max3A_160 = vector.broadcast %jit3A_158 : f32 to vector<512x1xf32>
    %max3A_161 = arith.maximumf %max3A_160, %add3A_157 : vector<512x1xf32>
    %min3A_162 = vector.broadcast %jit3A_159 : f32 to vector<512x1xf32>
    %min3A_163 = arith.minimumf %min3A_162, %max3A_161 : vector<512x1xf32>
    %eq3A_164 = vector.broadcast %min3A_154 : vector<512x1xf32> to vector<512x80xf32>
    %eq3A_165 = arith.cmpf oeq, %convert_element_type3A, %eq3A_164 : vector<512x80xf32>
    %sub3A_166 = arith.constant 1.000000e+00 : f32
    %sub3A_167 = vector.broadcast %sub3A_166 : f32 to vector<512x1xf32>
    %sub3A_168 = arith.subf %sub3A_167, %sub3A_148 : vector<512x1xf32>
    %jit3A_169 = arith.constant 0.000000e+00 : f32
    %broadcast_in_dim3A_170 = vector.shape_cast %sub3A_168 : vector<512x1xf32> to vector<512x1xf32>
    %broadcast_in_dim3A_171 = vector.broadcast %broadcast_in_dim3A_170 : vector<512x1xf32> to vector<512x80xf32>
    %broadcast_in_dim3A_172 = vector.broadcast %jit3A_169 : f32 to vector<512x80xf32>
    %select_n3A_173 = arith.select %eq3A_165, %broadcast_in_dim3A_171, %broadcast_in_dim3A_172 : vector<512x80xi1>, vector<512x80xf32>
    %add3A_174 = arith.addf %add3A_142, %select_n3A_173 : vector<512x80xf32>
    %eq3A_175 = vector.broadcast %min3A_163 : vector<512x1xf32> to vector<512x80xf32>
    %eq3A_176 = arith.cmpf oeq, %convert_element_type3A, %eq3A_175 : vector<512x80xf32>
    %jit3A_177 = arith.constant 0.000000e+00 : f32
    %broadcast_in_dim3A_178 = vector.shape_cast %sub3A_148 : vector<512x1xf32> to vector<512x1xf32>
    %broadcast_in_dim3A_179 = vector.broadcast %broadcast_in_dim3A_178 : vector<512x1xf32> to vector<512x80xf32>
    %broadcast_in_dim3A_180 = vector.broadcast %jit3A_177 : f32 to vector<512x80xf32>
    %select_n3A_181 = arith.select %eq3A_176, %broadcast_in_dim3A_179, %broadcast_in_dim3A_180 : vector<512x80xi1>, vector<512x80xf32>
    %add3A_182 = arith.addf %add3A_174, %select_n3A_181 : vector<512x80xf32>
    %mul3A_183 = arith.constant 4.500000e+00 : f32
    %mul3A_184 = vector.broadcast %mul3A_183 : f32 to vector<512x1xf32>
    %mul3A_185 = arith.mulf %mul3A_184, %mul3A_20 : vector<512x1xf32>
    %add3A_186 = arith.addf %mul3A_6, %mul3A_185 : vector<512x1xf32>
    %floor3A_187 = math.floor %add3A_186 : vector<512x1xf32>
    %sub3A_188 = arith.subf %add3A_186, %floor3A_187 : vector<512x1xf32>
    %jit3A_189 = arith.constant 0.000000e+00 : f32
    %jit3A_190 = arith.constant 7.900000e+01 : f32
    %max3A_191 = vector.broadcast %jit3A_189 : f32 to vector<512x1xf32>
    %max3A_192 = arith.maximumf %max3A_191, %floor3A_187 : vector<512x1xf32>
    %min3A_193 = vector.broadcast %jit3A_190 : f32 to vector<512x1xf32>
    %min3A_194 = arith.minimumf %min3A_193, %max3A_192 : vector<512x1xf32>
    %add3A_195 = arith.constant 1.000000e+00 : f32
    %add3A_196 = vector.broadcast %add3A_195 : f32 to vector<512x1xf32>
    %add3A_197 = arith.addf %floor3A_187, %add3A_196 : vector<512x1xf32>
    %jit3A_198 = arith.constant 0.000000e+00 : f32
    %jit3A_199 = arith.constant 7.900000e+01 : f32
    %max3A_200 = vector.broadcast %jit3A_198 : f32 to vector<512x1xf32>
    %max3A_201 = arith.maximumf %max3A_200, %add3A_197 : vector<512x1xf32>
    %min3A_202 = vector.broadcast %jit3A_199 : f32 to vector<512x1xf32>
    %min3A_203 = arith.minimumf %min3A_202, %max3A_201 : vector<512x1xf32>
    %eq3A_204 = vector.broadcast %min3A_194 : vector<512x1xf32> to vector<512x80xf32>
    %eq3A_205 = arith.cmpf oeq, %convert_element_type3A, %eq3A_204 : vector<512x80xf32>
    %sub3A_206 = arith.constant 1.000000e+00 : f32
    %sub3A_207 = vector.broadcast %sub3A_206 : f32 to vector<512x1xf32>
    %sub3A_208 = arith.subf %sub3A_207, %sub3A_188 : vector<512x1xf32>
    %jit3A_209 = arith.constant 0.000000e+00 : f32
    %broadcast_in_dim3A_210 = vector.shape_cast %sub3A_208 : vector<512x1xf32> to vector<512x1xf32>
    %broadcast_in_dim3A_211 = vector.broadcast %broadcast_in_dim3A_210 : vector<512x1xf32> to vector<512x80xf32>
    %broadcast_in_dim3A_212 = vector.broadcast %jit3A_209 : f32 to vector<512x80xf32>
    %select_n3A_213 = arith.select %eq3A_205, %broadcast_in_dim3A_211, %broadcast_in_dim3A_212 : vector<512x80xi1>, vector<512x80xf32>
    %add3A_214 = arith.addf %add3A_182, %select_n3A_213 : vector<512x80xf32>
    %eq3A_215 = vector.broadcast %min3A_203 : vector<512x1xf32> to vector<512x80xf32>
    %eq3A_216 = arith.cmpf oeq, %convert_element_type3A, %eq3A_215 : vector<512x80xf32>
    %jit3A_217 = arith.constant 0.000000e+00 : f32
    %broadcast_in_dim3A_218 = vector.shape_cast %sub3A_188 : vector<512x1xf32> to vector<512x1xf32>
    %broadcast_in_dim3A_219 = vector.broadcast %broadcast_in_dim3A_218 : vector<512x1xf32> to vector<512x80xf32>
    %broadcast_in_dim3A_220 = vector.broadcast %jit3A_217 : f32 to vector<512x80xf32>
    %select_n3A_221 = arith.select %eq3A_216, %broadcast_in_dim3A_219, %broadcast_in_dim3A_220 : vector<512x80xi1>, vector<512x80xf32>
    %add3A_222 = arith.addf %add3A_214, %select_n3A_221 : vector<512x80xf32>
    %mul3A_223 = arith.constant 5.500000e+00 : f32
    %mul3A_224 = vector.broadcast %mul3A_223 : f32 to vector<512x1xf32>
    %mul3A_225 = arith.mulf %mul3A_224, %mul3A_20 : vector<512x1xf32>
    %add3A_226 = arith.addf %mul3A_6, %mul3A_225 : vector<512x1xf32>
    %floor3A_227 = math.floor %add3A_226 : vector<512x1xf32>
    %sub3A_228 = arith.subf %add3A_226, %floor3A_227 : vector<512x1xf32>
    %jit3A_229 = arith.constant 0.000000e+00 : f32
    %jit3A_230 = arith.constant 7.900000e+01 : f32
    %max3A_231 = vector.broadcast %jit3A_229 : f32 to vector<512x1xf32>
    %max3A_232 = arith.maximumf %max3A_231, %floor3A_227 : vector<512x1xf32>
    %min3A_233 = vector.broadcast %jit3A_230 : f32 to vector<512x1xf32>
    %min3A_234 = arith.minimumf %min3A_233, %max3A_232 : vector<512x1xf32>
    %add3A_235 = arith.constant 1.000000e+00 : f32
    %add3A_236 = vector.broadcast %add3A_235 : f32 to vector<512x1xf32>
    %add3A_237 = arith.addf %floor3A_227, %add3A_236 : vector<512x1xf32>
    %jit3A_238 = arith.constant 0.000000e+00 : f32
    %jit3A_239 = arith.constant 7.900000e+01 : f32
    %max3A_240 = vector.broadcast %jit3A_238 : f32 to vector<512x1xf32>
    %max3A_241 = arith.maximumf %max3A_240, %add3A_237 : vector<512x1xf32>
    %min3A_242 = vector.broadcast %jit3A_239 : f32 to vector<512x1xf32>
    %min3A_243 = arith.minimumf %min3A_242, %max3A_241 : vector<512x1xf32>
    %eq3A_244 = vector.broadcast %min3A_234 : vector<512x1xf32> to vector<512x80xf32>
    %eq3A_245 = arith.cmpf oeq, %convert_element_type3A, %eq3A_244 : vector<512x80xf32>
    %sub3A_246 = arith.constant 1.000000e+00 : f32
    %sub3A_247 = vector.broadcast %sub3A_246 : f32 to vector<512x1xf32>
    %sub3A_248 = arith.subf %sub3A_247, %sub3A_228 : vector<512x1xf32>
    %jit3A_249 = arith.constant 0.000000e+00 : f32
    %broadcast_in_dim3A_250 = vector.shape_cast %sub3A_248 : vector<512x1xf32> to vector<512x1xf32>
    %broadcast_in_dim3A_251 = vector.broadcast %broadcast_in_dim3A_250 : vector<512x1xf32> to vector<512x80xf32>
    %broadcast_in_dim3A_252 = vector.broadcast %jit3A_249 : f32 to vector<512x80xf32>
    %select_n3A_253 = arith.select %eq3A_245, %broadcast_in_dim3A_251, %broadcast_in_dim3A_252 : vector<512x80xi1>, vector<512x80xf32>
    %add3A_254 = arith.addf %add3A_222, %select_n3A_253 : vector<512x80xf32>
    %eq3A_255 = vector.broadcast %min3A_243 : vector<512x1xf32> to vector<512x80xf32>
    %eq3A_256 = arith.cmpf oeq, %convert_element_type3A, %eq3A_255 : vector<512x80xf32>
    %jit3A_257 = arith.constant 0.000000e+00 : f32
    %broadcast_in_dim3A_258 = vector.shape_cast %sub3A_228 : vector<512x1xf32> to vector<512x1xf32>
    %broadcast_in_dim3A_259 = vector.broadcast %broadcast_in_dim3A_258 : vector<512x1xf32> to vector<512x80xf32>
    %broadcast_in_dim3A_260 = vector.broadcast %jit3A_257 : f32 to vector<512x80xf32>
    %select_n3A_261 = arith.select %eq3A_256, %broadcast_in_dim3A_259, %broadcast_in_dim3A_260 : vector<512x80xi1>, vector<512x80xf32>
    %add3A_262 = arith.addf %add3A_254, %select_n3A_261 : vector<512x80xf32>
    %mul3A_263 = arith.constant 6.500000e+00 : f32
    %mul3A_264 = vector.broadcast %mul3A_263 : f32 to vector<512x1xf32>
    %mul3A_265 = arith.mulf %mul3A_264, %mul3A_20 : vector<512x1xf32>
    %add3A_266 = arith.addf %mul3A_6, %mul3A_265 : vector<512x1xf32>
    %floor3A_267 = math.floor %add3A_266 : vector<512x1xf32>
    %sub3A_268 = arith.subf %add3A_266, %floor3A_267 : vector<512x1xf32>
    %jit3A_269 = arith.constant 0.000000e+00 : f32
    %jit3A_270 = arith.constant 7.900000e+01 : f32
    %max3A_271 = vector.broadcast %jit3A_269 : f32 to vector<512x1xf32>
    %max3A_272 = arith.maximumf %max3A_271, %floor3A_267 : vector<512x1xf32>
    %min3A_273 = vector.broadcast %jit3A_270 : f32 to vector<512x1xf32>
    %min3A_274 = arith.minimumf %min3A_273, %max3A_272 : vector<512x1xf32>
    %add3A_275 = arith.constant 1.000000e+00 : f32
    %add3A_276 = vector.broadcast %add3A_275 : f32 to vector<512x1xf32>
    %add3A_277 = arith.addf %floor3A_267, %add3A_276 : vector<512x1xf32>
    %jit3A_278 = arith.constant 0.000000e+00 : f32
    %jit3A_279 = arith.constant 7.900000e+01 : f32
    %max3A_280 = vector.broadcast %jit3A_278 : f32 to vector<512x1xf32>
    %max3A_281 = arith.maximumf %max3A_280, %add3A_277 : vector<512x1xf32>
    %min3A_282 = vector.broadcast %jit3A_279 : f32 to vector<512x1xf32>
    %min3A_283 = arith.minimumf %min3A_282, %max3A_281 : vector<512x1xf32>
    %eq3A_284 = vector.broadcast %min3A_274 : vector<512x1xf32> to vector<512x80xf32>
    %eq3A_285 = arith.cmpf oeq, %convert_element_type3A, %eq3A_284 : vector<512x80xf32>
    %sub3A_286 = arith.constant 1.000000e+00 : f32
    %sub3A_287 = vector.broadcast %sub3A_286 : f32 to vector<512x1xf32>
    %sub3A_288 = arith.subf %sub3A_287, %sub3A_268 : vector<512x1xf32>
    %jit3A_289 = arith.constant 0.000000e+00 : f32
    %broadcast_in_dim3A_290 = vector.shape_cast %sub3A_288 : vector<512x1xf32> to vector<512x1xf32>
    %broadcast_in_dim3A_291 = vector.broadcast %broadcast_in_dim3A_290 : vector<512x1xf32> to vector<512x80xf32>
    %broadcast_in_dim3A_292 = vector.broadcast %jit3A_289 : f32 to vector<512x80xf32>
    %select_n3A_293 = arith.select %eq3A_285, %broadcast_in_dim3A_291, %broadcast_in_dim3A_292 : vector<512x80xi1>, vector<512x80xf32>
    %add3A_294 = arith.addf %add3A_262, %select_n3A_293 : vector<512x80xf32>
    %eq3A_295 = vector.broadcast %min3A_283 : vector<512x1xf32> to vector<512x80xf32>
    %eq3A_296 = arith.cmpf oeq, %convert_element_type3A, %eq3A_295 : vector<512x80xf32>
    %jit3A_297 = arith.constant 0.000000e+00 : f32
    %broadcast_in_dim3A_298 = vector.shape_cast %sub3A_268 : vector<512x1xf32> to vector<512x1xf32>
    %broadcast_in_dim3A_299 = vector.broadcast %broadcast_in_dim3A_298 : vector<512x1xf32> to vector<512x80xf32>
    %broadcast_in_dim3A_300 = vector.broadcast %jit3A_297 : f32 to vector<512x80xf32>
    %select_n3A_301 = arith.select %eq3A_296, %broadcast_in_dim3A_299, %broadcast_in_dim3A_300 : vector<512x80xi1>, vector<512x80xf32>
    %add3A_302 = arith.addf %add3A_294, %select_n3A_301 : vector<512x80xf32>
    %mul3A_303 = arith.constant 0.142857149 : f32
    %mul3A_304 = vector.broadcast %mul3A_303 : f32 to vector<512x80xf32>
    %mul3A_305 = arith.mulf %add3A_302, %mul3A_304 : vector<512x80xf32>
    %iota3A_306 = tpu.iota {dimensions = array<i32: 1>} : vector<512x80xi32>
    %convert_element_type3A_307 = arith.sitofp %iota3A_306 : vector<512x80xi32> to vector<512x80xf32>
    %broadcast_in_dim3A_308 = arith.constant 0.000000e+00 : f32
    %broadcast_in_dim3A_309 = vector.broadcast %broadcast_in_dim3A_308 : f32 to vector<512x80xf32>
    %mul3A_310 = arith.constant 5.000000e-01 : f32
    %mul3A_311 = vector.broadcast %mul3A_310 : f32 to vector<512x1xf32>
    %mul3A_312 = arith.mulf %mul3A_311, %mul3A_27 : vector<512x1xf32>
    %add3A_313 = arith.addf %mul3A_9, %mul3A_312 : vector<512x1xf32>
    %floor3A_314 = math.floor %add3A_313 : vector<512x1xf32>
    %sub3A_315 = arith.subf %add3A_313, %floor3A_314 : vector<512x1xf32>
    %jit3A_316 = arith.constant 0.000000e+00 : f32
    %jit3A_317 = arith.constant 7.900000e+01 : f32
    %max3A_318 = vector.broadcast %jit3A_316 : f32 to vector<512x1xf32>
    %max3A_319 = arith.maximumf %max3A_318, %floor3A_314 : vector<512x1xf32>
    %min3A_320 = vector.broadcast %jit3A_317 : f32 to vector<512x1xf32>
    %min3A_321 = arith.minimumf %min3A_320, %max3A_319 : vector<512x1xf32>
    %add3A_322 = arith.constant 1.000000e+00 : f32
    %add3A_323 = vector.broadcast %add3A_322 : f32 to vector<512x1xf32>
    %add3A_324 = arith.addf %floor3A_314, %add3A_323 : vector<512x1xf32>
    %jit3A_325 = arith.constant 0.000000e+00 : f32
    %jit3A_326 = arith.constant 7.900000e+01 : f32
    %max3A_327 = vector.broadcast %jit3A_325 : f32 to vector<512x1xf32>
    %max3A_328 = arith.maximumf %max3A_327, %add3A_324 : vector<512x1xf32>
    %min3A_329 = vector.broadcast %jit3A_326 : f32 to vector<512x1xf32>
    %min3A_330 = arith.minimumf %min3A_329, %max3A_328 : vector<512x1xf32>
    %eq3A_331 = vector.broadcast %min3A_321 : vector<512x1xf32> to vector<512x80xf32>
    %eq3A_332 = arith.cmpf oeq, %convert_element_type3A_307, %eq3A_331 : vector<512x80xf32>
    %sub3A_333 = arith.constant 1.000000e+00 : f32
    %sub3A_334 = vector.broadcast %sub3A_333 : f32 to vector<512x1xf32>
    %sub3A_335 = arith.subf %sub3A_334, %sub3A_315 : vector<512x1xf32>
    %jit3A_336 = arith.constant 0.000000e+00 : f32
    %broadcast_in_dim3A_337 = vector.shape_cast %sub3A_335 : vector<512x1xf32> to vector<512x1xf32>
    %broadcast_in_dim3A_338 = vector.broadcast %broadcast_in_dim3A_337 : vector<512x1xf32> to vector<512x80xf32>
    %broadcast_in_dim3A_339 = vector.broadcast %jit3A_336 : f32 to vector<512x80xf32>
    %select_n3A_340 = arith.select %eq3A_332, %broadcast_in_dim3A_338, %broadcast_in_dim3A_339 : vector<512x80xi1>, vector<512x80xf32>
    %add3A_341 = arith.addf %broadcast_in_dim3A_309, %select_n3A_340 : vector<512x80xf32>
    %eq3A_342 = vector.broadcast %min3A_330 : vector<512x1xf32> to vector<512x80xf32>
    %eq3A_343 = arith.cmpf oeq, %convert_element_type3A_307, %eq3A_342 : vector<512x80xf32>
    %jit3A_344 = arith.constant 0.000000e+00 : f32
    %broadcast_in_dim3A_345 = vector.shape_cast %sub3A_315 : vector<512x1xf32> to vector<512x1xf32>
    %broadcast_in_dim3A_346 = vector.broadcast %broadcast_in_dim3A_345 : vector<512x1xf32> to vector<512x80xf32>
    %broadcast_in_dim3A_347 = vector.broadcast %jit3A_344 : f32 to vector<512x80xf32>
    %select_n3A_348 = arith.select %eq3A_343, %broadcast_in_dim3A_346, %broadcast_in_dim3A_347 : vector<512x80xi1>, vector<512x80xf32>
    %add3A_349 = arith.addf %add3A_341, %select_n3A_348 : vector<512x80xf32>
    %mul3A_350 = arith.constant 1.500000e+00 : f32
    %mul3A_351 = vector.broadcast %mul3A_350 : f32 to vector<512x1xf32>
    %mul3A_352 = arith.mulf %mul3A_351, %mul3A_27 : vector<512x1xf32>
    %add3A_353 = arith.addf %mul3A_9, %mul3A_352 : vector<512x1xf32>
    %floor3A_354 = math.floor %add3A_353 : vector<512x1xf32>
    %sub3A_355 = arith.subf %add3A_353, %floor3A_354 : vector<512x1xf32>
    %jit3A_356 = arith.constant 0.000000e+00 : f32
    %jit3A_357 = arith.constant 7.900000e+01 : f32
    %max3A_358 = vector.broadcast %jit3A_356 : f32 to vector<512x1xf32>
    %max3A_359 = arith.maximumf %max3A_358, %floor3A_354 : vector<512x1xf32>
    %min3A_360 = vector.broadcast %jit3A_357 : f32 to vector<512x1xf32>
    %min3A_361 = arith.minimumf %min3A_360, %max3A_359 : vector<512x1xf32>
    %add3A_362 = arith.constant 1.000000e+00 : f32
    %add3A_363 = vector.broadcast %add3A_362 : f32 to vector<512x1xf32>
    %add3A_364 = arith.addf %floor3A_354, %add3A_363 : vector<512x1xf32>
    %jit3A_365 = arith.constant 0.000000e+00 : f32
    %jit3A_366 = arith.constant 7.900000e+01 : f32
    %max3A_367 = vector.broadcast %jit3A_365 : f32 to vector<512x1xf32>
    %max3A_368 = arith.maximumf %max3A_367, %add3A_364 : vector<512x1xf32>
    %min3A_369 = vector.broadcast %jit3A_366 : f32 to vector<512x1xf32>
    %min3A_370 = arith.minimumf %min3A_369, %max3A_368 : vector<512x1xf32>
    %eq3A_371 = vector.broadcast %min3A_361 : vector<512x1xf32> to vector<512x80xf32>
    %eq3A_372 = arith.cmpf oeq, %convert_element_type3A_307, %eq3A_371 : vector<512x80xf32>
    %sub3A_373 = arith.constant 1.000000e+00 : f32
    %sub3A_374 = vector.broadcast %sub3A_373 : f32 to vector<512x1xf32>
    %sub3A_375 = arith.subf %sub3A_374, %sub3A_355 : vector<512x1xf32>
    %jit3A_376 = arith.constant 0.000000e+00 : f32
    %broadcast_in_dim3A_377 = vector.shape_cast %sub3A_375 : vector<512x1xf32> to vector<512x1xf32>
    %broadcast_in_dim3A_378 = vector.broadcast %broadcast_in_dim3A_377 : vector<512x1xf32> to vector<512x80xf32>
    %broadcast_in_dim3A_379 = vector.broadcast %jit3A_376 : f32 to vector<512x80xf32>
    %select_n3A_380 = arith.select %eq3A_372, %broadcast_in_dim3A_378, %broadcast_in_dim3A_379 : vector<512x80xi1>, vector<512x80xf32>
    %add3A_381 = arith.addf %add3A_349, %select_n3A_380 : vector<512x80xf32>
    %eq3A_382 = vector.broadcast %min3A_370 : vector<512x1xf32> to vector<512x80xf32>
    %eq3A_383 = arith.cmpf oeq, %convert_element_type3A_307, %eq3A_382 : vector<512x80xf32>
    %jit3A_384 = arith.constant 0.000000e+00 : f32
    %broadcast_in_dim3A_385 = vector.shape_cast %sub3A_355 : vector<512x1xf32> to vector<512x1xf32>
    %broadcast_in_dim3A_386 = vector.broadcast %broadcast_in_dim3A_385 : vector<512x1xf32> to vector<512x80xf32>
    %broadcast_in_dim3A_387 = vector.broadcast %jit3A_384 : f32 to vector<512x80xf32>
    %select_n3A_388 = arith.select %eq3A_383, %broadcast_in_dim3A_386, %broadcast_in_dim3A_387 : vector<512x80xi1>, vector<512x80xf32>
    %add3A_389 = arith.addf %add3A_381, %select_n3A_388 : vector<512x80xf32>
    %mul3A_390 = arith.constant 2.500000e+00 : f32
    %mul3A_391 = vector.broadcast %mul3A_390 : f32 to vector<512x1xf32>
    %mul3A_392 = arith.mulf %mul3A_391, %mul3A_27 : vector<512x1xf32>
    %add3A_393 = arith.addf %mul3A_9, %mul3A_392 : vector<512x1xf32>
    %floor3A_394 = math.floor %add3A_393 : vector<512x1xf32>
    %sub3A_395 = arith.subf %add3A_393, %floor3A_394 : vector<512x1xf32>
    %jit3A_396 = arith.constant 0.000000e+00 : f32
    %jit3A_397 = arith.constant 7.900000e+01 : f32
    %max3A_398 = vector.broadcast %jit3A_396 : f32 to vector<512x1xf32>
    %max3A_399 = arith.maximumf %max3A_398, %floor3A_394 : vector<512x1xf32>
    %min3A_400 = vector.broadcast %jit3A_397 : f32 to vector<512x1xf32>
    %min3A_401 = arith.minimumf %min3A_400, %max3A_399 : vector<512x1xf32>
    %add3A_402 = arith.constant 1.000000e+00 : f32
    %add3A_403 = vector.broadcast %add3A_402 : f32 to vector<512x1xf32>
    %add3A_404 = arith.addf %floor3A_394, %add3A_403 : vector<512x1xf32>
    %jit3A_405 = arith.constant 0.000000e+00 : f32
    %jit3A_406 = arith.constant 7.900000e+01 : f32
    %max3A_407 = vector.broadcast %jit3A_405 : f32 to vector<512x1xf32>
    %max3A_408 = arith.maximumf %max3A_407, %add3A_404 : vector<512x1xf32>
    %min3A_409 = vector.broadcast %jit3A_406 : f32 to vector<512x1xf32>
    %min3A_410 = arith.minimumf %min3A_409, %max3A_408 : vector<512x1xf32>
    %eq3A_411 = vector.broadcast %min3A_401 : vector<512x1xf32> to vector<512x80xf32>
    %eq3A_412 = arith.cmpf oeq, %convert_element_type3A_307, %eq3A_411 : vector<512x80xf32>
    %sub3A_413 = arith.constant 1.000000e+00 : f32
    %sub3A_414 = vector.broadcast %sub3A_413 : f32 to vector<512x1xf32>
    %sub3A_415 = arith.subf %sub3A_414, %sub3A_395 : vector<512x1xf32>
    %jit3A_416 = arith.constant 0.000000e+00 : f32
    %broadcast_in_dim3A_417 = vector.shape_cast %sub3A_415 : vector<512x1xf32> to vector<512x1xf32>
    %broadcast_in_dim3A_418 = vector.broadcast %broadcast_in_dim3A_417 : vector<512x1xf32> to vector<512x80xf32>
    %broadcast_in_dim3A_419 = vector.broadcast %jit3A_416 : f32 to vector<512x80xf32>
    %select_n3A_420 = arith.select %eq3A_412, %broadcast_in_dim3A_418, %broadcast_in_dim3A_419 : vector<512x80xi1>, vector<512x80xf32>
    %add3A_421 = arith.addf %add3A_389, %select_n3A_420 : vector<512x80xf32>
    %eq3A_422 = vector.broadcast %min3A_410 : vector<512x1xf32> to vector<512x80xf32>
    %eq3A_423 = arith.cmpf oeq, %convert_element_type3A_307, %eq3A_422 : vector<512x80xf32>
    %jit3A_424 = arith.constant 0.000000e+00 : f32
    %broadcast_in_dim3A_425 = vector.shape_cast %sub3A_395 : vector<512x1xf32> to vector<512x1xf32>
    %broadcast_in_dim3A_426 = vector.broadcast %broadcast_in_dim3A_425 : vector<512x1xf32> to vector<512x80xf32>
    %broadcast_in_dim3A_427 = vector.broadcast %jit3A_424 : f32 to vector<512x80xf32>
    %select_n3A_428 = arith.select %eq3A_423, %broadcast_in_dim3A_426, %broadcast_in_dim3A_427 : vector<512x80xi1>, vector<512x80xf32>
    %add3A_429 = arith.addf %add3A_421, %select_n3A_428 : vector<512x80xf32>
    %mul3A_430 = arith.constant 3.500000e+00 : f32
    %mul3A_431 = vector.broadcast %mul3A_430 : f32 to vector<512x1xf32>
    %mul3A_432 = arith.mulf %mul3A_431, %mul3A_27 : vector<512x1xf32>
    %add3A_433 = arith.addf %mul3A_9, %mul3A_432 : vector<512x1xf32>
    %floor3A_434 = math.floor %add3A_433 : vector<512x1xf32>
    %sub3A_435 = arith.subf %add3A_433, %floor3A_434 : vector<512x1xf32>
    %jit3A_436 = arith.constant 0.000000e+00 : f32
    %jit3A_437 = arith.constant 7.900000e+01 : f32
    %max3A_438 = vector.broadcast %jit3A_436 : f32 to vector<512x1xf32>
    %max3A_439 = arith.maximumf %max3A_438, %floor3A_434 : vector<512x1xf32>
    %min3A_440 = vector.broadcast %jit3A_437 : f32 to vector<512x1xf32>
    %min3A_441 = arith.minimumf %min3A_440, %max3A_439 : vector<512x1xf32>
    %add3A_442 = arith.constant 1.000000e+00 : f32
    %add3A_443 = vector.broadcast %add3A_442 : f32 to vector<512x1xf32>
    %add3A_444 = arith.addf %floor3A_434, %add3A_443 : vector<512x1xf32>
    %jit3A_445 = arith.constant 0.000000e+00 : f32
    %jit3A_446 = arith.constant 7.900000e+01 : f32
    %max3A_447 = vector.broadcast %jit3A_445 : f32 to vector<512x1xf32>
    %max3A_448 = arith.maximumf %max3A_447, %add3A_444 : vector<512x1xf32>
    %min3A_449 = vector.broadcast %jit3A_446 : f32 to vector<512x1xf32>
    %min3A_450 = arith.minimumf %min3A_449, %max3A_448 : vector<512x1xf32>
    %eq3A_451 = vector.broadcast %min3A_441 : vector<512x1xf32> to vector<512x80xf32>
    %eq3A_452 = arith.cmpf oeq, %convert_element_type3A_307, %eq3A_451 : vector<512x80xf32>
    %sub3A_453 = arith.constant 1.000000e+00 : f32
    %sub3A_454 = vector.broadcast %sub3A_453 : f32 to vector<512x1xf32>
    %sub3A_455 = arith.subf %sub3A_454, %sub3A_435 : vector<512x1xf32>
    %jit3A_456 = arith.constant 0.000000e+00 : f32
    %broadcast_in_dim3A_457 = vector.shape_cast %sub3A_455 : vector<512x1xf32> to vector<512x1xf32>
    %broadcast_in_dim3A_458 = vector.broadcast %broadcast_in_dim3A_457 : vector<512x1xf32> to vector<512x80xf32>
    %broadcast_in_dim3A_459 = vector.broadcast %jit3A_456 : f32 to vector<512x80xf32>
    %select_n3A_460 = arith.select %eq3A_452, %broadcast_in_dim3A_458, %broadcast_in_dim3A_459 : vector<512x80xi1>, vector<512x80xf32>
    %add3A_461 = arith.addf %add3A_429, %select_n3A_460 : vector<512x80xf32>
    %eq3A_462 = vector.broadcast %min3A_450 : vector<512x1xf32> to vector<512x80xf32>
    %eq3A_463 = arith.cmpf oeq, %convert_element_type3A_307, %eq3A_462 : vector<512x80xf32>
    %jit3A_464 = arith.constant 0.000000e+00 : f32
    %broadcast_in_dim3A_465 = vector.shape_cast %sub3A_435 : vector<512x1xf32> to vector<512x1xf32>
    %broadcast_in_dim3A_466 = vector.broadcast %broadcast_in_dim3A_465 : vector<512x1xf32> to vector<512x80xf32>
    %broadcast_in_dim3A_467 = vector.broadcast %jit3A_464 : f32 to vector<512x80xf32>
    %select_n3A_468 = arith.select %eq3A_463, %broadcast_in_dim3A_466, %broadcast_in_dim3A_467 : vector<512x80xi1>, vector<512x80xf32>
    %add3A_469 = arith.addf %add3A_461, %select_n3A_468 : vector<512x80xf32>
    %mul3A_470 = arith.constant 4.500000e+00 : f32
    %mul3A_471 = vector.broadcast %mul3A_470 : f32 to vector<512x1xf32>
    %mul3A_472 = arith.mulf %mul3A_471, %mul3A_27 : vector<512x1xf32>
    %add3A_473 = arith.addf %mul3A_9, %mul3A_472 : vector<512x1xf32>
    %floor3A_474 = math.floor %add3A_473 : vector<512x1xf32>
    %sub3A_475 = arith.subf %add3A_473, %floor3A_474 : vector<512x1xf32>
    %jit3A_476 = arith.constant 0.000000e+00 : f32
    %jit3A_477 = arith.constant 7.900000e+01 : f32
    %max3A_478 = vector.broadcast %jit3A_476 : f32 to vector<512x1xf32>
    %max3A_479 = arith.maximumf %max3A_478, %floor3A_474 : vector<512x1xf32>
    %min3A_480 = vector.broadcast %jit3A_477 : f32 to vector<512x1xf32>
    %min3A_481 = arith.minimumf %min3A_480, %max3A_479 : vector<512x1xf32>
    %add3A_482 = arith.constant 1.000000e+00 : f32
    %add3A_483 = vector.broadcast %add3A_482 : f32 to vector<512x1xf32>
    %add3A_484 = arith.addf %floor3A_474, %add3A_483 : vector<512x1xf32>
    %jit3A_485 = arith.constant 0.000000e+00 : f32
    %jit3A_486 = arith.constant 7.900000e+01 : f32
    %max3A_487 = vector.broadcast %jit3A_485 : f32 to vector<512x1xf32>
    %max3A_488 = arith.maximumf %max3A_487, %add3A_484 : vector<512x1xf32>
    %min3A_489 = vector.broadcast %jit3A_486 : f32 to vector<512x1xf32>
    %min3A_490 = arith.minimumf %min3A_489, %max3A_488 : vector<512x1xf32>
    %eq3A_491 = vector.broadcast %min3A_481 : vector<512x1xf32> to vector<512x80xf32>
    %eq3A_492 = arith.cmpf oeq, %convert_element_type3A_307, %eq3A_491 : vector<512x80xf32>
    %sub3A_493 = arith.constant 1.000000e+00 : f32
    %sub3A_494 = vector.broadcast %sub3A_493 : f32 to vector<512x1xf32>
    %sub3A_495 = arith.subf %sub3A_494, %sub3A_475 : vector<512x1xf32>
    %jit3A_496 = arith.constant 0.000000e+00 : f32
    %broadcast_in_dim3A_497 = vector.shape_cast %sub3A_495 : vector<512x1xf32> to vector<512x1xf32>
    %broadcast_in_dim3A_498 = vector.broadcast %broadcast_in_dim3A_497 : vector<512x1xf32> to vector<512x80xf32>
    %broadcast_in_dim3A_499 = vector.broadcast %jit3A_496 : f32 to vector<512x80xf32>
    %select_n3A_500 = arith.select %eq3A_492, %broadcast_in_dim3A_498, %broadcast_in_dim3A_499 : vector<512x80xi1>, vector<512x80xf32>
    %add3A_501 = arith.addf %add3A_469, %select_n3A_500 : vector<512x80xf32>
    %eq3A_502 = vector.broadcast %min3A_490 : vector<512x1xf32> to vector<512x80xf32>
    %eq3A_503 = arith.cmpf oeq, %convert_element_type3A_307, %eq3A_502 : vector<512x80xf32>
    %jit3A_504 = arith.constant 0.000000e+00 : f32
    %broadcast_in_dim3A_505 = vector.shape_cast %sub3A_475 : vector<512x1xf32> to vector<512x1xf32>
    %broadcast_in_dim3A_506 = vector.broadcast %broadcast_in_dim3A_505 : vector<512x1xf32> to vector<512x80xf32>
    %broadcast_in_dim3A_507 = vector.broadcast %jit3A_504 : f32 to vector<512x80xf32>
    %select_n3A_508 = arith.select %eq3A_503, %broadcast_in_dim3A_506, %broadcast_in_dim3A_507 : vector<512x80xi1>, vector<512x80xf32>
    %add3A_509 = arith.addf %add3A_501, %select_n3A_508 : vector<512x80xf32>
    %mul3A_510 = arith.constant 5.500000e+00 : f32
    %mul3A_511 = vector.broadcast %mul3A_510 : f32 to vector<512x1xf32>
    %mul3A_512 = arith.mulf %mul3A_511, %mul3A_27 : vector<512x1xf32>
    %add3A_513 = arith.addf %mul3A_9, %mul3A_512 : vector<512x1xf32>
    %floor3A_514 = math.floor %add3A_513 : vector<512x1xf32>
    %sub3A_515 = arith.subf %add3A_513, %floor3A_514 : vector<512x1xf32>
    %jit3A_516 = arith.constant 0.000000e+00 : f32
    %jit3A_517 = arith.constant 7.900000e+01 : f32
    %max3A_518 = vector.broadcast %jit3A_516 : f32 to vector<512x1xf32>
    %max3A_519 = arith.maximumf %max3A_518, %floor3A_514 : vector<512x1xf32>
    %min3A_520 = vector.broadcast %jit3A_517 : f32 to vector<512x1xf32>
    %min3A_521 = arith.minimumf %min3A_520, %max3A_519 : vector<512x1xf32>
    %add3A_522 = arith.constant 1.000000e+00 : f32
    %add3A_523 = vector.broadcast %add3A_522 : f32 to vector<512x1xf32>
    %add3A_524 = arith.addf %floor3A_514, %add3A_523 : vector<512x1xf32>
    %jit3A_525 = arith.constant 0.000000e+00 : f32
    %jit3A_526 = arith.constant 7.900000e+01 : f32
    %max3A_527 = vector.broadcast %jit3A_525 : f32 to vector<512x1xf32>
    %max3A_528 = arith.maximumf %max3A_527, %add3A_524 : vector<512x1xf32>
    %min3A_529 = vector.broadcast %jit3A_526 : f32 to vector<512x1xf32>
    %min3A_530 = arith.minimumf %min3A_529, %max3A_528 : vector<512x1xf32>
    %eq3A_531 = vector.broadcast %min3A_521 : vector<512x1xf32> to vector<512x80xf32>
    %eq3A_532 = arith.cmpf oeq, %convert_element_type3A_307, %eq3A_531 : vector<512x80xf32>
    %sub3A_533 = arith.constant 1.000000e+00 : f32
    %sub3A_534 = vector.broadcast %sub3A_533 : f32 to vector<512x1xf32>
    %sub3A_535 = arith.subf %sub3A_534, %sub3A_515 : vector<512x1xf32>
    %jit3A_536 = arith.constant 0.000000e+00 : f32
    %broadcast_in_dim3A_537 = vector.shape_cast %sub3A_535 : vector<512x1xf32> to vector<512x1xf32>
    %broadcast_in_dim3A_538 = vector.broadcast %broadcast_in_dim3A_537 : vector<512x1xf32> to vector<512x80xf32>
    %broadcast_in_dim3A_539 = vector.broadcast %jit3A_536 : f32 to vector<512x80xf32>
    %select_n3A_540 = arith.select %eq3A_532, %broadcast_in_dim3A_538, %broadcast_in_dim3A_539 : vector<512x80xi1>, vector<512x80xf32>
    %add3A_541 = arith.addf %add3A_509, %select_n3A_540 : vector<512x80xf32>
    %eq3A_542 = vector.broadcast %min3A_530 : vector<512x1xf32> to vector<512x80xf32>
    %eq3A_543 = arith.cmpf oeq, %convert_element_type3A_307, %eq3A_542 : vector<512x80xf32>
    %jit3A_544 = arith.constant 0.000000e+00 : f32
    %broadcast_in_dim3A_545 = vector.shape_cast %sub3A_515 : vector<512x1xf32> to vector<512x1xf32>
    %broadcast_in_dim3A_546 = vector.broadcast %broadcast_in_dim3A_545 : vector<512x1xf32> to vector<512x80xf32>
    %broadcast_in_dim3A_547 = vector.broadcast %jit3A_544 : f32 to vector<512x80xf32>
    %select_n3A_548 = arith.select %eq3A_543, %broadcast_in_dim3A_546, %broadcast_in_dim3A_547 : vector<512x80xi1>, vector<512x80xf32>
    %add3A_549 = arith.addf %add3A_541, %select_n3A_548 : vector<512x80xf32>
    %mul3A_550 = arith.constant 6.500000e+00 : f32
    %mul3A_551 = vector.broadcast %mul3A_550 : f32 to vector<512x1xf32>
    %mul3A_552 = arith.mulf %mul3A_551, %mul3A_27 : vector<512x1xf32>
    %add3A_553 = arith.addf %mul3A_9, %mul3A_552 : vector<512x1xf32>
    %floor3A_554 = math.floor %add3A_553 : vector<512x1xf32>
    %sub3A_555 = arith.subf %add3A_553, %floor3A_554 : vector<512x1xf32>
    %jit3A_556 = arith.constant 0.000000e+00 : f32
    %jit3A_557 = arith.constant 7.900000e+01 : f32
    %max3A_558 = vector.broadcast %jit3A_556 : f32 to vector<512x1xf32>
    %max3A_559 = arith.maximumf %max3A_558, %floor3A_554 : vector<512x1xf32>
    %min3A_560 = vector.broadcast %jit3A_557 : f32 to vector<512x1xf32>
    %min3A_561 = arith.minimumf %min3A_560, %max3A_559 : vector<512x1xf32>
    %add3A_562 = arith.constant 1.000000e+00 : f32
    %add3A_563 = vector.broadcast %add3A_562 : f32 to vector<512x1xf32>
    %add3A_564 = arith.addf %floor3A_554, %add3A_563 : vector<512x1xf32>
    %jit3A_565 = arith.constant 0.000000e+00 : f32
    %jit3A_566 = arith.constant 7.900000e+01 : f32
    %max3A_567 = vector.broadcast %jit3A_565 : f32 to vector<512x1xf32>
    %max3A_568 = arith.maximumf %max3A_567, %add3A_564 : vector<512x1xf32>
    %min3A_569 = vector.broadcast %jit3A_566 : f32 to vector<512x1xf32>
    %min3A_570 = arith.minimumf %min3A_569, %max3A_568 : vector<512x1xf32>
    %eq3A_571 = vector.broadcast %min3A_561 : vector<512x1xf32> to vector<512x80xf32>
    %eq3A_572 = arith.cmpf oeq, %convert_element_type3A_307, %eq3A_571 : vector<512x80xf32>
    %sub3A_573 = arith.constant 1.000000e+00 : f32
    %sub3A_574 = vector.broadcast %sub3A_573 : f32 to vector<512x1xf32>
    %sub3A_575 = arith.subf %sub3A_574, %sub3A_555 : vector<512x1xf32>
    %jit3A_576 = arith.constant 0.000000e+00 : f32
    %broadcast_in_dim3A_577 = vector.shape_cast %sub3A_575 : vector<512x1xf32> to vector<512x1xf32>
    %broadcast_in_dim3A_578 = vector.broadcast %broadcast_in_dim3A_577 : vector<512x1xf32> to vector<512x80xf32>
    %broadcast_in_dim3A_579 = vector.broadcast %jit3A_576 : f32 to vector<512x80xf32>
    %select_n3A_580 = arith.select %eq3A_572, %broadcast_in_dim3A_578, %broadcast_in_dim3A_579 : vector<512x80xi1>, vector<512x80xf32>
    %add3A_581 = arith.addf %add3A_549, %select_n3A_580 : vector<512x80xf32>
    %eq3A_582 = vector.broadcast %min3A_570 : vector<512x1xf32> to vector<512x80xf32>
    %eq3A_583 = arith.cmpf oeq, %convert_element_type3A_307, %eq3A_582 : vector<512x80xf32>
    %jit3A_584 = arith.constant 0.000000e+00 : f32
    %broadcast_in_dim3A_585 = vector.shape_cast %sub3A_555 : vector<512x1xf32> to vector<512x1xf32>
    %broadcast_in_dim3A_586 = vector.broadcast %broadcast_in_dim3A_585 : vector<512x1xf32> to vector<512x80xf32>
    %broadcast_in_dim3A_587 = vector.broadcast %jit3A_584 : f32 to vector<512x80xf32>
    %select_n3A_588 = arith.select %eq3A_583, %broadcast_in_dim3A_586, %broadcast_in_dim3A_587 : vector<512x80xi1>, vector<512x80xf32>
    %add3A_589 = arith.addf %add3A_581, %select_n3A_588 : vector<512x80xf32>
    %mul3A_590 = arith.constant 0.142857149 : f32
    %mul3A_591 = vector.broadcast %mul3A_590 : f32 to vector<512x80xf32>
    %mul3A_592 = arith.mulf %add3A_589, %mul3A_591 : vector<512x80xf32>
    %get3A_593 = arith.constant 0 : index
    %get3A_594 = arith.constant 0 : index
    %get3A_595 = vector.load %arg2[%get3A_593, %get3A_594] : memref<80x10240xf32, #tpu.memory_space<vmem>>, vector<80x10240xf32>
    %dot_general3A = arith.constant dense<0.000000e+00> : vector<512x10240xf32>
    %dot_general3A_596 = tpu.matmul %mul3A_305, %get3A_595, %dot_general3A {dimension_numbers = #tpu.dot_dimension_numbers<[1], [0], [0], [1], [0, 0, 1, 1], [], []>, transpose_lhs_hint = false} : vector<512x80xf32>, vector<80x10240xf32>, vector<512x10240xf32> -> vector<512x10240xf32>
    %get3A_597 = arith.constant 0 : index
    %get3A_598 = arith.constant 0 : index
    %get3A_599 = vector.load %arg3[%get3A_597, %get3A_598] : memref<80x10240xf32, #tpu.memory_space<vmem>>, vector<80x10240xf32>
    %dot_general3A_600 = arith.constant dense<0.000000e+00> : vector<512x10240xf32>
    %dot_general3A_601 = tpu.matmul %mul3A_592, %get3A_599, %dot_general3A_600 {dimension_numbers = #tpu.dot_dimension_numbers<[1], [0], [0], [1], [0, 0, 1, 1], [], []>, transpose_lhs_hint = false} : vector<512x80xf32>, vector<80x10240xf32>, vector<512x10240xf32> -> vector<512x10240xf32>
    %mul3A_602 = arith.mulf %dot_general3A_596, %dot_general3A_601 : vector<512x10240xf32>
    %slice3A_603 = vector.extract_strided_slice %mul3A_602 {offsets = [0, 0], sizes = [512, 128], strides = [1, 1]} : vector<512x10240xf32> to vector<512x128xf32>
    %slice3A_604 = vector.extract_strided_slice %mul3A_602 {offsets = [0, 128], sizes = [512, 128], strides = [1, 1]} : vector<512x10240xf32> to vector<512x128xf32>
    %slice3A_605 = vector.extract_strided_slice %mul3A_602 {offsets = [0, 256], sizes = [512, 128], strides = [1, 1]} : vector<512x10240xf32> to vector<512x128xf32>
    %slice3A_606 = vector.extract_strided_slice %mul3A_602 {offsets = [0, 384], sizes = [512, 128], strides = [1, 1]} : vector<512x10240xf32> to vector<512x128xf32>
    %slice3A_607 = vector.extract_strided_slice %mul3A_602 {offsets = [0, 512], sizes = [512, 128], strides = [1, 1]} : vector<512x10240xf32> to vector<512x128xf32>
    %slice3A_608 = vector.extract_strided_slice %mul3A_602 {offsets = [0, 640], sizes = [512, 128], strides = [1, 1]} : vector<512x10240xf32> to vector<512x128xf32>
    %slice3A_609 = vector.extract_strided_slice %mul3A_602 {offsets = [0, 768], sizes = [512, 128], strides = [1, 1]} : vector<512x10240xf32> to vector<512x128xf32>
    %slice3A_610 = vector.extract_strided_slice %mul3A_602 {offsets = [0, 896], sizes = [512, 128], strides = [1, 1]} : vector<512x10240xf32> to vector<512x128xf32>
    %slice3A_611 = vector.extract_strided_slice %mul3A_602 {offsets = [0, 1024], sizes = [512, 128], strides = [1, 1]} : vector<512x10240xf32> to vector<512x128xf32>
    %slice3A_612 = vector.extract_strided_slice %mul3A_602 {offsets = [0, 1152], sizes = [512, 128], strides = [1, 1]} : vector<512x10240xf32> to vector<512x128xf32>
    %slice3A_613 = vector.extract_strided_slice %mul3A_602 {offsets = [0, 1280], sizes = [512, 128], strides = [1, 1]} : vector<512x10240xf32> to vector<512x128xf32>
    %slice3A_614 = vector.extract_strided_slice %mul3A_602 {offsets = [0, 1408], sizes = [512, 128], strides = [1, 1]} : vector<512x10240xf32> to vector<512x128xf32>
    %slice3A_615 = vector.extract_strided_slice %mul3A_602 {offsets = [0, 1536], sizes = [512, 128], strides = [1, 1]} : vector<512x10240xf32> to vector<512x128xf32>
    %slice3A_616 = vector.extract_strided_slice %mul3A_602 {offsets = [0, 1664], sizes = [512, 128], strides = [1, 1]} : vector<512x10240xf32> to vector<512x128xf32>
    %slice3A_617 = vector.extract_strided_slice %mul3A_602 {offsets = [0, 1792], sizes = [512, 128], strides = [1, 1]} : vector<512x10240xf32> to vector<512x128xf32>
    %slice3A_618 = vector.extract_strided_slice %mul3A_602 {offsets = [0, 1920], sizes = [512, 128], strides = [1, 1]} : vector<512x10240xf32> to vector<512x128xf32>
    %slice3A_619 = vector.extract_strided_slice %mul3A_602 {offsets = [0, 2048], sizes = [512, 128], strides = [1, 1]} : vector<512x10240xf32> to vector<512x128xf32>
    %slice3A_620 = vector.extract_strided_slice %mul3A_602 {offsets = [0, 2176], sizes = [512, 128], strides = [1, 1]} : vector<512x10240xf32> to vector<512x128xf32>
    %slice3A_621 = vector.extract_strided_slice %mul3A_602 {offsets = [0, 2304], sizes = [512, 128], strides = [1, 1]} : vector<512x10240xf32> to vector<512x128xf32>
    %slice3A_622 = vector.extract_strided_slice %mul3A_602 {offsets = [0, 2432], sizes = [512, 128], strides = [1, 1]} : vector<512x10240xf32> to vector<512x128xf32>
    %slice3A_623 = vector.extract_strided_slice %mul3A_602 {offsets = [0, 2560], sizes = [512, 128], strides = [1, 1]} : vector<512x10240xf32> to vector<512x128xf32>
    %slice3A_624 = vector.extract_strided_slice %mul3A_602 {offsets = [0, 2688], sizes = [512, 128], strides = [1, 1]} : vector<512x10240xf32> to vector<512x128xf32>
    %slice3A_625 = vector.extract_strided_slice %mul3A_602 {offsets = [0, 2816], sizes = [512, 128], strides = [1, 1]} : vector<512x10240xf32> to vector<512x128xf32>
    %slice3A_626 = vector.extract_strided_slice %mul3A_602 {offsets = [0, 2944], sizes = [512, 128], strides = [1, 1]} : vector<512x10240xf32> to vector<512x128xf32>
    %slice3A_627 = vector.extract_strided_slice %mul3A_602 {offsets = [0, 3072], sizes = [512, 128], strides = [1, 1]} : vector<512x10240xf32> to vector<512x128xf32>
    %slice3A_628 = vector.extract_strided_slice %mul3A_602 {offsets = [0, 3200], sizes = [512, 128], strides = [1, 1]} : vector<512x10240xf32> to vector<512x128xf32>
    %slice3A_629 = vector.extract_strided_slice %mul3A_602 {offsets = [0, 3328], sizes = [512, 128], strides = [1, 1]} : vector<512x10240xf32> to vector<512x128xf32>
    %slice3A_630 = vector.extract_strided_slice %mul3A_602 {offsets = [0, 3456], sizes = [512, 128], strides = [1, 1]} : vector<512x10240xf32> to vector<512x128xf32>
    %slice3A_631 = vector.extract_strided_slice %mul3A_602 {offsets = [0, 3584], sizes = [512, 128], strides = [1, 1]} : vector<512x10240xf32> to vector<512x128xf32>
    %slice3A_632 = vector.extract_strided_slice %mul3A_602 {offsets = [0, 3712], sizes = [512, 128], strides = [1, 1]} : vector<512x10240xf32> to vector<512x128xf32>
    %slice3A_633 = vector.extract_strided_slice %mul3A_602 {offsets = [0, 3840], sizes = [512, 128], strides = [1, 1]} : vector<512x10240xf32> to vector<512x128xf32>
    %slice3A_634 = vector.extract_strided_slice %mul3A_602 {offsets = [0, 3968], sizes = [512, 128], strides = [1, 1]} : vector<512x10240xf32> to vector<512x128xf32>
    %slice3A_635 = vector.extract_strided_slice %mul3A_602 {offsets = [0, 4096], sizes = [512, 128], strides = [1, 1]} : vector<512x10240xf32> to vector<512x128xf32>
    %slice3A_636 = vector.extract_strided_slice %mul3A_602 {offsets = [0, 4224], sizes = [512, 128], strides = [1, 1]} : vector<512x10240xf32> to vector<512x128xf32>
    %slice3A_637 = vector.extract_strided_slice %mul3A_602 {offsets = [0, 4352], sizes = [512, 128], strides = [1, 1]} : vector<512x10240xf32> to vector<512x128xf32>
    %slice3A_638 = vector.extract_strided_slice %mul3A_602 {offsets = [0, 4480], sizes = [512, 128], strides = [1, 1]} : vector<512x10240xf32> to vector<512x128xf32>
    %slice3A_639 = vector.extract_strided_slice %mul3A_602 {offsets = [0, 4608], sizes = [512, 128], strides = [1, 1]} : vector<512x10240xf32> to vector<512x128xf32>
    %slice3A_640 = vector.extract_strided_slice %mul3A_602 {offsets = [0, 4736], sizes = [512, 128], strides = [1, 1]} : vector<512x10240xf32> to vector<512x128xf32>
    %slice3A_641 = vector.extract_strided_slice %mul3A_602 {offsets = [0, 4864], sizes = [512, 128], strides = [1, 1]} : vector<512x10240xf32> to vector<512x128xf32>
    %slice3A_642 = vector.extract_strided_slice %mul3A_602 {offsets = [0, 4992], sizes = [512, 128], strides = [1, 1]} : vector<512x10240xf32> to vector<512x128xf32>
    %slice3A_643 = vector.extract_strided_slice %mul3A_602 {offsets = [0, 5120], sizes = [512, 128], strides = [1, 1]} : vector<512x10240xf32> to vector<512x128xf32>
    %slice3A_644 = vector.extract_strided_slice %mul3A_602 {offsets = [0, 5248], sizes = [512, 128], strides = [1, 1]} : vector<512x10240xf32> to vector<512x128xf32>
    %slice3A_645 = vector.extract_strided_slice %mul3A_602 {offsets = [0, 5376], sizes = [512, 128], strides = [1, 1]} : vector<512x10240xf32> to vector<512x128xf32>
    %slice3A_646 = vector.extract_strided_slice %mul3A_602 {offsets = [0, 5504], sizes = [512, 128], strides = [1, 1]} : vector<512x10240xf32> to vector<512x128xf32>
    %slice3A_647 = vector.extract_strided_slice %mul3A_602 {offsets = [0, 5632], sizes = [512, 128], strides = [1, 1]} : vector<512x10240xf32> to vector<512x128xf32>
    %slice3A_648 = vector.extract_strided_slice %mul3A_602 {offsets = [0, 5760], sizes = [512, 128], strides = [1, 1]} : vector<512x10240xf32> to vector<512x128xf32>
    %slice3A_649 = vector.extract_strided_slice %mul3A_602 {offsets = [0, 5888], sizes = [512, 128], strides = [1, 1]} : vector<512x10240xf32> to vector<512x128xf32>
    %slice3A_650 = vector.extract_strided_slice %mul3A_602 {offsets = [0, 6016], sizes = [512, 128], strides = [1, 1]} : vector<512x10240xf32> to vector<512x128xf32>
    %slice3A_651 = vector.extract_strided_slice %mul3A_602 {offsets = [0, 6144], sizes = [512, 128], strides = [1, 1]} : vector<512x10240xf32> to vector<512x128xf32>
    %slice3A_652 = vector.extract_strided_slice %mul3A_602 {offsets = [0, 6272], sizes = [512, 128], strides = [1, 1]} : vector<512x10240xf32> to vector<512x128xf32>
    %slice3A_653 = vector.extract_strided_slice %mul3A_602 {offsets = [0, 6400], sizes = [512, 128], strides = [1, 1]} : vector<512x10240xf32> to vector<512x128xf32>
    %slice3A_654 = vector.extract_strided_slice %mul3A_602 {offsets = [0, 6528], sizes = [512, 128], strides = [1, 1]} : vector<512x10240xf32> to vector<512x128xf32>
    %slice3A_655 = vector.extract_strided_slice %mul3A_602 {offsets = [0, 6656], sizes = [512, 128], strides = [1, 1]} : vector<512x10240xf32> to vector<512x128xf32>
    %slice3A_656 = vector.extract_strided_slice %mul3A_602 {offsets = [0, 6784], sizes = [512, 128], strides = [1, 1]} : vector<512x10240xf32> to vector<512x128xf32>
    %slice3A_657 = vector.extract_strided_slice %mul3A_602 {offsets = [0, 6912], sizes = [512, 128], strides = [1, 1]} : vector<512x10240xf32> to vector<512x128xf32>
    %slice3A_658 = vector.extract_strided_slice %mul3A_602 {offsets = [0, 7040], sizes = [512, 128], strides = [1, 1]} : vector<512x10240xf32> to vector<512x128xf32>
    %slice3A_659 = vector.extract_strided_slice %mul3A_602 {offsets = [0, 7168], sizes = [512, 128], strides = [1, 1]} : vector<512x10240xf32> to vector<512x128xf32>
    %slice3A_660 = vector.extract_strided_slice %mul3A_602 {offsets = [0, 7296], sizes = [512, 128], strides = [1, 1]} : vector<512x10240xf32> to vector<512x128xf32>
    %slice3A_661 = vector.extract_strided_slice %mul3A_602 {offsets = [0, 7424], sizes = [512, 128], strides = [1, 1]} : vector<512x10240xf32> to vector<512x128xf32>
    %slice3A_662 = vector.extract_strided_slice %mul3A_602 {offsets = [0, 7552], sizes = [512, 128], strides = [1, 1]} : vector<512x10240xf32> to vector<512x128xf32>
    %slice3A_663 = vector.extract_strided_slice %mul3A_602 {offsets = [0, 7680], sizes = [512, 128], strides = [1, 1]} : vector<512x10240xf32> to vector<512x128xf32>
    %slice3A_664 = vector.extract_strided_slice %mul3A_602 {offsets = [0, 7808], sizes = [512, 128], strides = [1, 1]} : vector<512x10240xf32> to vector<512x128xf32>
    %slice3A_665 = vector.extract_strided_slice %mul3A_602 {offsets = [0, 7936], sizes = [512, 128], strides = [1, 1]} : vector<512x10240xf32> to vector<512x128xf32>
    %slice3A_666 = vector.extract_strided_slice %mul3A_602 {offsets = [0, 8064], sizes = [512, 128], strides = [1, 1]} : vector<512x10240xf32> to vector<512x128xf32>
    %slice3A_667 = vector.extract_strided_slice %mul3A_602 {offsets = [0, 8192], sizes = [512, 128], strides = [1, 1]} : vector<512x10240xf32> to vector<512x128xf32>
    %slice3A_668 = vector.extract_strided_slice %mul3A_602 {offsets = [0, 8320], sizes = [512, 128], strides = [1, 1]} : vector<512x10240xf32> to vector<512x128xf32>
    %slice3A_669 = vector.extract_strided_slice %mul3A_602 {offsets = [0, 8448], sizes = [512, 128], strides = [1, 1]} : vector<512x10240xf32> to vector<512x128xf32>
    %slice3A_670 = vector.extract_strided_slice %mul3A_602 {offsets = [0, 8576], sizes = [512, 128], strides = [1, 1]} : vector<512x10240xf32> to vector<512x128xf32>
    %slice3A_671 = vector.extract_strided_slice %mul3A_602 {offsets = [0, 8704], sizes = [512, 128], strides = [1, 1]} : vector<512x10240xf32> to vector<512x128xf32>
    %slice3A_672 = vector.extract_strided_slice %mul3A_602 {offsets = [0, 8832], sizes = [512, 128], strides = [1, 1]} : vector<512x10240xf32> to vector<512x128xf32>
    %slice3A_673 = vector.extract_strided_slice %mul3A_602 {offsets = [0, 8960], sizes = [512, 128], strides = [1, 1]} : vector<512x10240xf32> to vector<512x128xf32>
    %slice3A_674 = vector.extract_strided_slice %mul3A_602 {offsets = [0, 9088], sizes = [512, 128], strides = [1, 1]} : vector<512x10240xf32> to vector<512x128xf32>
    %slice3A_675 = vector.extract_strided_slice %mul3A_602 {offsets = [0, 9216], sizes = [512, 128], strides = [1, 1]} : vector<512x10240xf32> to vector<512x128xf32>
    %slice3A_676 = vector.extract_strided_slice %mul3A_602 {offsets = [0, 9344], sizes = [512, 128], strides = [1, 1]} : vector<512x10240xf32> to vector<512x128xf32>
    %slice3A_677 = vector.extract_strided_slice %mul3A_602 {offsets = [0, 9472], sizes = [512, 128], strides = [1, 1]} : vector<512x10240xf32> to vector<512x128xf32>
    %slice3A_678 = vector.extract_strided_slice %mul3A_602 {offsets = [0, 9600], sizes = [512, 128], strides = [1, 1]} : vector<512x10240xf32> to vector<512x128xf32>
    %slice3A_679 = vector.extract_strided_slice %mul3A_602 {offsets = [0, 9728], sizes = [512, 128], strides = [1, 1]} : vector<512x10240xf32> to vector<512x128xf32>
    %slice3A_680 = vector.extract_strided_slice %mul3A_602 {offsets = [0, 9856], sizes = [512, 128], strides = [1, 1]} : vector<512x10240xf32> to vector<512x128xf32>
    %slice3A_681 = vector.extract_strided_slice %mul3A_602 {offsets = [0, 9984], sizes = [512, 128], strides = [1, 1]} : vector<512x10240xf32> to vector<512x128xf32>
    %slice3A_682 = vector.extract_strided_slice %mul3A_602 {offsets = [0, 10112], sizes = [512, 128], strides = [1, 1]} : vector<512x10240xf32> to vector<512x128xf32>
    %add3A_683 = arith.addf %slice3A_603, %slice3A_604 : vector<512x128xf32>
    %add3A_684 = arith.addf %slice3A_605, %slice3A_606 : vector<512x128xf32>
    %add3A_685 = arith.addf %slice3A_607, %slice3A_608 : vector<512x128xf32>
    %add3A_686 = arith.addf %slice3A_609, %slice3A_610 : vector<512x128xf32>
    %add3A_687 = arith.addf %slice3A_611, %slice3A_612 : vector<512x128xf32>
    %add3A_688 = arith.addf %slice3A_613, %slice3A_614 : vector<512x128xf32>
    %add3A_689 = arith.addf %slice3A_615, %slice3A_616 : vector<512x128xf32>
    %add3A_690 = arith.addf %slice3A_617, %slice3A_618 : vector<512x128xf32>
    %add3A_691 = arith.addf %slice3A_619, %slice3A_620 : vector<512x128xf32>
    %add3A_692 = arith.addf %slice3A_621, %slice3A_622 : vector<512x128xf32>
    %add3A_693 = arith.addf %slice3A_623, %slice3A_624 : vector<512x128xf32>
    %add3A_694 = arith.addf %slice3A_625, %slice3A_626 : vector<512x128xf32>
    %add3A_695 = arith.addf %slice3A_627, %slice3A_628 : vector<512x128xf32>
    %add3A_696 = arith.addf %slice3A_629, %slice3A_630 : vector<512x128xf32>
    %add3A_697 = arith.addf %slice3A_631, %slice3A_632 : vector<512x128xf32>
    %add3A_698 = arith.addf %slice3A_633, %slice3A_634 : vector<512x128xf32>
    %add3A_699 = arith.addf %slice3A_635, %slice3A_636 : vector<512x128xf32>
    %add3A_700 = arith.addf %slice3A_637, %slice3A_638 : vector<512x128xf32>
    %add3A_701 = arith.addf %slice3A_639, %slice3A_640 : vector<512x128xf32>
    %add3A_702 = arith.addf %slice3A_641, %slice3A_642 : vector<512x128xf32>
    %add3A_703 = arith.addf %slice3A_643, %slice3A_644 : vector<512x128xf32>
    %add3A_704 = arith.addf %slice3A_645, %slice3A_646 : vector<512x128xf32>
    %add3A_705 = arith.addf %slice3A_647, %slice3A_648 : vector<512x128xf32>
    %add3A_706 = arith.addf %slice3A_649, %slice3A_650 : vector<512x128xf32>
    %add3A_707 = arith.addf %slice3A_651, %slice3A_652 : vector<512x128xf32>
    %add3A_708 = arith.addf %slice3A_653, %slice3A_654 : vector<512x128xf32>
    %add3A_709 = arith.addf %slice3A_655, %slice3A_656 : vector<512x128xf32>
    %add3A_710 = arith.addf %slice3A_657, %slice3A_658 : vector<512x128xf32>
    %add3A_711 = arith.addf %slice3A_659, %slice3A_660 : vector<512x128xf32>
    %add3A_712 = arith.addf %slice3A_661, %slice3A_662 : vector<512x128xf32>
    %add3A_713 = arith.addf %slice3A_663, %slice3A_664 : vector<512x128xf32>
    %add3A_714 = arith.addf %slice3A_665, %slice3A_666 : vector<512x128xf32>
    %add3A_715 = arith.addf %slice3A_667, %slice3A_668 : vector<512x128xf32>
    %add3A_716 = arith.addf %slice3A_669, %slice3A_670 : vector<512x128xf32>
    %add3A_717 = arith.addf %slice3A_671, %slice3A_672 : vector<512x128xf32>
    %add3A_718 = arith.addf %slice3A_673, %slice3A_674 : vector<512x128xf32>
    %add3A_719 = arith.addf %slice3A_675, %slice3A_676 : vector<512x128xf32>
    %add3A_720 = arith.addf %slice3A_677, %slice3A_678 : vector<512x128xf32>
    %add3A_721 = arith.addf %slice3A_679, %slice3A_680 : vector<512x128xf32>
    %add3A_722 = arith.addf %slice3A_681, %slice3A_682 : vector<512x128xf32>
    %add3A_723 = arith.addf %add3A_683, %add3A_684 : vector<512x128xf32>
    %add3A_724 = arith.addf %add3A_685, %add3A_686 : vector<512x128xf32>
    %add3A_725 = arith.addf %add3A_687, %add3A_688 : vector<512x128xf32>
    %add3A_726 = arith.addf %add3A_689, %add3A_690 : vector<512x128xf32>
    %add3A_727 = arith.addf %add3A_691, %add3A_692 : vector<512x128xf32>
    %add3A_728 = arith.addf %add3A_693, %add3A_694 : vector<512x128xf32>
    %add3A_729 = arith.addf %add3A_695, %add3A_696 : vector<512x128xf32>
    %add3A_730 = arith.addf %add3A_697, %add3A_698 : vector<512x128xf32>
    %add3A_731 = arith.addf %add3A_699, %add3A_700 : vector<512x128xf32>
    %add3A_732 = arith.addf %add3A_701, %add3A_702 : vector<512x128xf32>
    %add3A_733 = arith.addf %add3A_703, %add3A_704 : vector<512x128xf32>
    %add3A_734 = arith.addf %add3A_705, %add3A_706 : vector<512x128xf32>
    %add3A_735 = arith.addf %add3A_707, %add3A_708 : vector<512x128xf32>
    %add3A_736 = arith.addf %add3A_709, %add3A_710 : vector<512x128xf32>
    %add3A_737 = arith.addf %add3A_711, %add3A_712 : vector<512x128xf32>
    %add3A_738 = arith.addf %add3A_713, %add3A_714 : vector<512x128xf32>
    %add3A_739 = arith.addf %add3A_715, %add3A_716 : vector<512x128xf32>
    %add3A_740 = arith.addf %add3A_717, %add3A_718 : vector<512x128xf32>
    %add3A_741 = arith.addf %add3A_719, %add3A_720 : vector<512x128xf32>
    %add3A_742 = arith.addf %add3A_721, %add3A_722 : vector<512x128xf32>
    %add3A_743 = arith.addf %add3A_723, %add3A_724 : vector<512x128xf32>
    %add3A_744 = arith.addf %add3A_725, %add3A_726 : vector<512x128xf32>
    %add3A_745 = arith.addf %add3A_727, %add3A_728 : vector<512x128xf32>
    %add3A_746 = arith.addf %add3A_729, %add3A_730 : vector<512x128xf32>
    %add3A_747 = arith.addf %add3A_731, %add3A_732 : vector<512x128xf32>
    %add3A_748 = arith.addf %add3A_733, %add3A_734 : vector<512x128xf32>
    %add3A_749 = arith.addf %add3A_735, %add3A_736 : vector<512x128xf32>
    %add3A_750 = arith.addf %add3A_737, %add3A_738 : vector<512x128xf32>
    %add3A_751 = arith.addf %add3A_739, %add3A_740 : vector<512x128xf32>
    %add3A_752 = arith.addf %add3A_741, %add3A_742 : vector<512x128xf32>
    %add3A_753 = arith.addf %add3A_743, %add3A_744 : vector<512x128xf32>
    %add3A_754 = arith.addf %add3A_745, %add3A_746 : vector<512x128xf32>
    %add3A_755 = arith.addf %add3A_747, %add3A_748 : vector<512x128xf32>
    %add3A_756 = arith.addf %add3A_749, %add3A_750 : vector<512x128xf32>
    %add3A_757 = arith.addf %add3A_751, %add3A_752 : vector<512x128xf32>
    %add3A_758 = arith.addf %add3A_753, %add3A_754 : vector<512x128xf32>
    %add3A_759 = arith.addf %add3A_755, %add3A_756 : vector<512x128xf32>
    %add3A_760 = arith.addf %add3A_759, %add3A_757 : vector<512x128xf32>
    %add3A_761 = arith.addf %add3A_758, %add3A_760 : vector<512x128xf32>
    %get3A_762 = arith.constant 0 : index
    %get3A_763 = arith.constant 0 : index
    %get3A_764 = vector.load %arg4[%get3A_762, %get3A_763] : memref<128x128xf32, #tpu.memory_space<vmem>>, vector<128x128xf32>
    %dot_general3A_765 = arith.constant dense<0.000000e+00> : vector<512x128xf32>
    %dot_general3A_766 = tpu.matmul %add3A_761, %get3A_764, %dot_general3A_765 {dimension_numbers = #tpu.dot_dimension_numbers<[1], [0], [0], [1], [0, 0, 1, 1], [], []>, transpose_lhs_hint = false} : vector<512x128xf32>, vector<128x128xf32>, vector<512x128xf32> -> vector<512x128xf32>
    %get3A_767 = arith.constant 0 : index
    %get3A_768 = arith.constant 0 : index
    %get3A_769 = vector.load %arg5[%get3A_767, %get3A_768] : memref<1x128xf32, #tpu.memory_space<vmem>>, vector<1x128xf32>
    %add3A_770 = vector.broadcast %get3A_769 : vector<1x128xf32> to vector<512x128xf32>
    %add3A_771 = arith.addf %dot_general3A_766, %add3A_770 : vector<512x128xf32>
    %iota3A_772 = tpu.iota {dimensions = array<i32: 1>} : vector<512x128xi32>
    %lt3A = arith.constant 81 : i32
    %lt3A_773 = vector.broadcast %lt3A : i32 to vector<512x128xi32>
    %lt3A_774 = arith.cmpi slt, %iota3A_772, %lt3A_773 : vector<512x128xi32>
    %jit3A_775 = arith.constant -1.000000e+30 : f32
    %broadcast_in_dim3A_776 = vector.broadcast %jit3A_775 : f32 to vector<512x128xf32>
    %select_n3A_777 = arith.select %lt3A_774, %add3A_771, %broadcast_in_dim3A_776 : vector<512x128xi1>, vector<512x128xf32>
    %reduce_max3A = arith.constant dense<0xFF800000> : vector<512xf32>
    %reduce_max3A_778 = vector.multi_reduction <maximumf>, %select_n3A_777, %reduce_max3A [1] : vector<512x128xf32> to vector<512xf32>
    %broadcast_in_dim3A_779 = vector.shape_cast %reduce_max3A_778 : vector<512xf32> to vector<512x1xf32>
    %sub3A_780 = vector.broadcast %broadcast_in_dim3A_779 : vector<512x1xf32> to vector<512x128xf32>
    %sub3A_781 = arith.subf %select_n3A_777, %sub3A_780 : vector<512x128xf32>
    %exp3A = math.exp %sub3A_781 : vector<512x128xf32>
    %reduce_sum3A = arith.constant dense<0.000000e+00> : vector<512xf32>
    %reduce_sum3A_782 = vector.multi_reduction <add>, %exp3A, %reduce_sum3A [1] : vector<512x128xf32> to vector<512xf32>
    %broadcast_in_dim3A_783 = vector.shape_cast %reduce_sum3A_782 : vector<512xf32> to vector<512x1xf32>
    %div3A = vector.broadcast %broadcast_in_dim3A_783 : vector<512x1xf32> to vector<512x128xf32>
    %div3A_784 = arith.divf %exp3A, %div3A : vector<512x128xf32>
    %mul3A_785 = arith.constant 512 : i32
    %mul3A_786 = arith.muli %arg0, %mul3A_785 : i32
    %iota3A_787 = tpu.iota {dimensions = array<i32: 0>} : vector<512x1xi32>
    %add3A_788 = vector.broadcast %mul3A_786 : i32 to vector<512x1xi32>
    %add3A_789 = arith.addi %add3A_788, %iota3A_787 : vector<512x1xi32>
    %lt3A_790 = arith.constant 5000 : i32
    %lt3A_791 = vector.broadcast %lt3A_790 : i32 to vector<512x1xi32>
    %lt3A_792 = arith.cmpi slt, %add3A_789, %lt3A_791 : vector<512x1xi32>
    %jit3A_793 = arith.constant 0.000000e+00 : f32
    %broadcast_in_dim3A_794 = vector.shape_cast %lt3A_792 : vector<512x1xi1> to vector<512x1xi1>
    %broadcast_in_dim3A_795 = vector.broadcast %broadcast_in_dim3A_794 : vector<512x1xi1> to vector<512x128xi1>
    %broadcast_in_dim3A_796 = vector.broadcast %jit3A_793 : f32 to vector<512x128xf32>
    %select_n3A_797 = arith.select %broadcast_in_dim3A_795, %div3A_784, %broadcast_in_dim3A_796 : vector<512x128xi1>, vector<512x128xf32>
    %slice3A_798 = vector.extract_strided_slice %select_n3A_797 {offsets = [0, 0], sizes = [512, 80], strides = [1, 1]} : vector<512x128xf32> to vector<512x80xf32>
    %swap3A = arith.constant 0 : index
    %swap3A_799 = arith.constant 0 : index
    %swap3A_800 = vector.load %arg11[%swap3A, %swap3A_799] : memref<512x80xf32, #tpu.memory_space<vmem>>, vector<512x80xf32>
    tpu.vector_store %arg11[%swap3A, %swap3A_799], %slice3A_798 {strides = array<i32>} : memref<512x80xf32, #tpu.memory_space<vmem>>, vector<512x80xf32>,
    %get3A_801 = arith.constant 0 : index
    %get3A_802 = arith.constant 0 : index
    %get3A_803 = vector.load %arg6[%get3A_801, %get3A_802] : memref<128x80xf32, #tpu.memory_space<vmem>>, vector<128x80xf32>
    %dot_general3A_804 = arith.constant dense<0.000000e+00> : vector<512x80xf32>
    %dot_general3A_805 = tpu.matmul %add3A_761, %get3A_803, %dot_general3A_804 {dimension_numbers = #tpu.dot_dimension_numbers<[1], [0], [0], [1], [0, 0, 1, 1], [], []>, transpose_lhs_hint = false} : vector<512x128xf32>, vector<128x80xf32>, vector<512x80xf32> -> vector<512x80xf32>
    %get3A_806 = arith.constant 0 : index
    %get3A_807 = arith.constant 0 : index
    %get3A_808 = vector.load %arg10[%get3A_806, %get3A_807] : memref<4x80xf32, #tpu.memory_space<vmem>>, vector<1x80xf32>
    %add3A_809 = vector.broadcast %get3A_808 : vector<1x80xf32> to vector<512x80xf32>
    %add3A_810 = arith.addf %dot_general3A_805, %add3A_809 : vector<512x80xf32>
    %mul3A_811 = arith.constant 1.000000e-01 : f32
    %mul3A_812 = vector.broadcast %mul3A_811 : f32 to vector<512x80xf32>
    %mul3A_813 = arith.mulf %add3A_810, %mul3A_812 : vector<512x80xf32>
    %get3A_814 = arith.constant 0 : index
    %get3A_815 = arith.constant 0 : index
    %get3A_816 = vector.load %arg7[%get3A_814, %get3A_815] : memref<128x80xf32, #tpu.memory_space<vmem>>, vector<128x80xf32>
    %dot_general3A_817 = arith.constant dense<0.000000e+00> : vector<512x80xf32>
    %dot_general3A_818 = tpu.matmul %add3A_761, %get3A_816, %dot_general3A_817 {dimension_numbers = #tpu.dot_dimension_numbers<[1], [0], [0], [1], [0, 0, 1, 1], [], []>, transpose_lhs_hint = false} : vector<512x128xf32>, vector<128x80xf32>, vector<512x80xf32> -> vector<512x80xf32>
    %get3A_819 = arith.constant 1 : index
    %get3A_820 = arith.constant 0 : index
    %get3A_821 = vector.load %arg10[%get3A_819, %get3A_820] : memref<4x80xf32, #tpu.memory_space<vmem>>, vector<1x80xf32>
    %add3A_822 = vector.broadcast %get3A_821 : vector<1x80xf32> to vector<512x80xf32>
    %add3A_823 = arith.addf %dot_general3A_818, %add3A_822 : vector<512x80xf32>
    %mul3A_824 = arith.constant 1.000000e-01 : f32
    %mul3A_825 = vector.broadcast %mul3A_824 : f32 to vector<512x80xf32>
    %mul3A_826 = arith.mulf %add3A_823, %mul3A_825 : vector<512x80xf32>
    %get3A_827 = arith.constant 0 : index
    %get3A_828 = arith.constant 0 : index
    %get3A_829 = vector.load %arg8[%get3A_827, %get3A_828] : memref<128x80xf32, #tpu.memory_space<vmem>>, vector<128x80xf32>
    %dot_general3A_830 = arith.constant dense<0.000000e+00> : vector<512x80xf32>
    %dot_general3A_831 = tpu.matmul %add3A_761, %get3A_829, %dot_general3A_830 {dimension_numbers = #tpu.dot_dimension_numbers<[1], [0], [0], [1], [0, 0, 1, 1], [], []>, transpose_lhs_hint = false} : vector<512x128xf32>, vector<128x80xf32>, vector<512x80xf32> -> vector<512x80xf32>
    %get3A_832 = arith.constant 2 : index
    %get3A_833 = arith.constant 0 : index
    %get3A_834 = vector.load %arg10[%get3A_832, %get3A_833] : memref<4x80xf32, #tpu.memory_space<vmem>>, vector<1x80xf32>
    %add3A_835 = vector.broadcast %get3A_834 : vector<1x80xf32> to vector<512x80xf32>
    %add3A_836 = arith.addf %dot_general3A_831, %add3A_835 : vector<512x80xf32>
    %mul3A_837 = arith.constant 2.000000e-01 : f32
    %mul3A_838 = vector.broadcast %mul3A_837 : f32 to vector<512x80xf32>
    %mul3A_839 = arith.mulf %add3A_836, %mul3A_838 : vector<512x80xf32>
    %get3A_840 = arith.constant 0 : index
    %get3A_841 = arith.constant 0 : index
    %get3A_842 = vector.load %arg9[%get3A_840, %get3A_841] : memref<128x80xf32, #tpu.memory_space<vmem>>, vector<128x80xf32>
    %dot_general3A_843 = arith.constant dense<0.000000e+00> : vector<512x80xf32>
    %dot_general3A_844 = tpu.matmul %add3A_761, %get3A_842, %dot_general3A_843 {dimension_numbers = #tpu.dot_dimension_numbers<[1], [0], [0], [1], [0, 0, 1, 1], [], []>, transpose_lhs_hint = false} : vector<512x128xf32>, vector<128x80xf32>, vector<512x80xf32> -> vector<512x80xf32>
    %get3A_845 = arith.constant 3 : index
    %get3A_846 = arith.constant 0 : index
    %get3A_847 = vector.load %arg10[%get3A_845, %get3A_846] : memref<4x80xf32, #tpu.memory_space<vmem>>, vector<1x80xf32>
    %add3A_848 = vector.broadcast %get3A_847 : vector<1x80xf32> to vector<512x80xf32>
    %add3A_849 = arith.addf %dot_general3A_844, %add3A_848 : vector<512x80xf32>
    %mul3A_850 = arith.constant 2.000000e-01 : f32
    %mul3A_851 = vector.broadcast %mul3A_850 : f32 to vector<512x80xf32>
    %mul3A_852 = arith.mulf %add3A_849, %mul3A_851 : vector<512x80xf32>
    %jit3A_853 = arith.constant -4.13516665 : f32
    %jit3A_854 = arith.constant 4.13516665 : f32
    %max3A_855 = vector.broadcast %jit3A_853 : f32 to vector<512x80xf32>
    %max3A_856 = arith.maximumf %max3A_855, %mul3A_839 : vector<512x80xf32>
    %min3A_857 = vector.broadcast %jit3A_854 : f32 to vector<512x80xf32>
    %min3A_858 = arith.minimumf %min3A_857, %max3A_856 : vector<512x80xf32>
    %jit3A_859 = arith.constant -4.13516665 : f32
    %jit3A_860 = arith.constant 4.13516665 : f32
    %max3A_861 = vector.broadcast %jit3A_859 : f32 to vector<512x80xf32>
    %max3A_862 = arith.maximumf %max3A_861, %mul3A_852 : vector<512x80xf32>
    %min3A_863 = vector.broadcast %jit3A_860 : f32 to vector<512x80xf32>
    %min3A_864 = arith.minimumf %min3A_863, %max3A_862 : vector<512x80xf32>
    %add3A_865 = arith.addf %slice3A, %slice3A_3 : vector<512x1xf32>
    %mul3A_866 = arith.constant 5.000000e-01 : f32
    %mul3A_867 = vector.broadcast %mul3A_866 : f32 to vector<512x1xf32>
    %mul3A_868 = arith.mulf %add3A_865, %mul3A_867 : vector<512x1xf32>
    %add3A_869 = arith.addf %slice3A_2, %slice3A_4 : vector<512x1xf32>
    %mul3A_870 = arith.constant 5.000000e-01 : f32
    %mul3A_871 = vector.broadcast %mul3A_870 : f32 to vector<512x1xf32>
    %mul3A_872 = arith.mulf %add3A_869, %mul3A_871 : vector<512x1xf32>
    %sub3A_873 = arith.subf %slice3A_3, %slice3A : vector<512x1xf32>
    %sub3A_874 = arith.subf %slice3A_4, %slice3A_2 : vector<512x1xf32>
    %mul3A_875 = vector.broadcast %sub3A_873 : vector<512x1xf32> to vector<512x80xf32>
    %mul3A_876 = arith.mulf %mul3A_875, %mul3A_813 : vector<512x80xf32>
    %add3A_877 = vector.broadcast %mul3A_868 : vector<512x1xf32> to vector<512x80xf32>
    %add3A_878 = arith.addf %add3A_877, %mul3A_876 : vector<512x80xf32>
    %mul3A_879 = vector.broadcast %sub3A_874 : vector<512x1xf32> to vector<512x80xf32>
    %mul3A_880 = arith.mulf %mul3A_879, %mul3A_826 : vector<512x80xf32>
    %add3A_881 = vector.broadcast %mul3A_872 : vector<512x1xf32> to vector<512x80xf32>
    %add3A_882 = arith.addf %add3A_881, %mul3A_880 : vector<512x80xf32>
    %exp3A_883 = math.exp %min3A_858 : vector<512x80xf32>
    %mul3A_884 = vector.broadcast %sub3A_873 : vector<512x1xf32> to vector<512x80xf32>
    %mul3A_885 = arith.mulf %mul3A_884, %exp3A_883 : vector<512x80xf32>
    %exp3A_886 = math.exp %min3A_864 : vector<512x80xf32>
    %mul3A_887 = vector.broadcast %sub3A_874 : vector<512x1xf32> to vector<512x80xf32>
    %mul3A_888 = arith.mulf %mul3A_887, %exp3A_886 : vector<512x80xf32>
    %mul3A_889 = arith.constant 5.000000e-01 : f32
    %mul3A_890 = vector.broadcast %mul3A_889 : f32 to vector<512x80xf32>
    %mul3A_891 = arith.mulf %mul3A_885, %mul3A_890 : vector<512x80xf32>
    %sub3A_892 = arith.subf %add3A_878, %mul3A_891 : vector<512x80xf32>
    %swap3A_893 = arith.constant 0 : index
    %swap3A_894 = arith.constant 0 : index
    %swap3A_895 = vector.load %arg12[%swap3A_893, %swap3A_894] : memref<512x80xf32, #tpu.memory_space<vmem>>, vector<512x80xf32>
    tpu.vector_store %arg12[%swap3A_893, %swap3A_894], %sub3A_892 {strides = array<i32>} : memref<512x80xf32, #tpu.memory_space<vmem>>, vector<512x80xf32>,
    %mul3A_896 = arith.constant 5.000000e-01 : f32
    %mul3A_897 = vector.broadcast %mul3A_896 : f32 to vector<512x80xf32>
    %mul3A_898 = arith.mulf %mul3A_888, %mul3A_897 : vector<512x80xf32>
    %sub3A_899 = arith.subf %add3A_882, %mul3A_898 : vector<512x80xf32>
    %swap3A_900 = arith.constant 0 : index
    %swap3A_901 = arith.constant 0 : index
    %swap3A_902 = vector.load %arg13[%swap3A_900, %swap3A_901] : memref<512x80xf32, #tpu.memory_space<vmem>>, vector<512x80xf32>
    tpu.vector_store %arg13[%swap3A_900, %swap3A_901], %sub3A_899 {strides = array<i32>} : memref<512x80xf32, #tpu.memory_space<vmem>>, vector<512x80xf32>,
    %mul3A_903 = arith.constant 5.000000e-01 : f32
    %mul3A_904 = vector.broadcast %mul3A_903 : f32 to vector<512x80xf32>
    %mul3A_905 = arith.mulf %mul3A_885, %mul3A_904 : vector<512x80xf32>
    %add3A_906 = arith.addf %add3A_878, %mul3A_905 : vector<512x80xf32>
    %swap3A_907 = arith.constant 0 : index
    %swap3A_908 = arith.constant 0 : index
    %swap3A_909 = vector.load %arg14[%swap3A_907, %swap3A_908] : memref<512x80xf32, #tpu.memory_space<vmem>>, vector<512x80xf32>
    tpu.vector_store %arg14[%swap3A_907, %swap3A_908], %add3A_906 {strides = array<i32>} : memref<512x80xf32, #tpu.memory_space<vmem>>, vector<512x80xf32>,
    %mul3A_910 = arith.constant 5.000000e-01 : f32
    %mul3A_911 = vector.broadcast %mul3A_910 : f32 to vector<512x80xf32>
    %mul3A_912 = arith.mulf %mul3A_888, %mul3A_911 : vector<512x80xf32>
    %add3A_913 = arith.addf %add3A_882, %mul3A_912 : vector<512x80xf32>
    %swap3A_914 = arith.constant 0 : index
    %swap3A_915 = arith.constant 0 : index
    %swap3A_916 = vector.load %arg15[%swap3A_914, %swap3A_915] : memref<512x80xf32, #tpu.memory_space<vmem>>, vector<512x80xf32>
    tpu.vector_store %arg15[%swap3A_914, %swap3A_915], %add3A_913 {strides = array<i32>} : memref<512x80xf32, #tpu.memory_space<vmem>>, vector<512x80xf32>,
    return
  }
  func.func @transform_0(%arg0: i32) -> (i32, i32) {
    %c0_i32 = arith.constant 0 : i32
    %c0_i32_0 = arith.constant 0 : i32
    return %arg0, %c0_i32 : i32, i32
  }
  func.func @transform_1(%arg0: i32) -> (i32, i32) {
    %c0_i32 = arith.constant 0 : i32
    %c0_i32_0 = arith.constant 0 : i32
    %c0_i32_1 = arith.constant 0 : i32
    return %c0_i32, %c0_i32_0 : i32, i32
  }
  func.func @transform_2(%arg0: i32) -> (i32, i32) {
    %c0_i32 = arith.constant 0 : i32
    %c0_i32_0 = arith.constant 0 : i32
    %c0_i32_1 = arith.constant 0 : i32
    return %c0_i32, %c0_i32_0 : i32, i32
  }
  func.func @transform_3(%arg0: i32) -> (i32, i32) {
    %c0_i32 = arith.constant 0 : i32
    %c0_i32_0 = arith.constant 0 : i32
    %c0_i32_1 = arith.constant 0 : i32
    return %c0_i32, %c0_i32_0 : i32, i32
  }
  func.func @transform_4(%arg0: i32) -> (i32, i32) {
    %c0_i32 = arith.constant 0 : i32
    %c0_i32_0 = arith.constant 0 : i32
    %c0_i32_1 = arith.constant 0 : i32
    return %c0_i32, %c0_i32_0 : i32, i32
  }
  func.func @transform_5(%arg0: i32) -> (i32, i32) {
    %c0_i32 = arith.constant 0 : i32
    %c0_i32_0 = arith.constant 0 : i32
    %c0_i32_1 = arith.constant 0 : i32
    return %c0_i32, %c0_i32_0 : i32, i32
  }
  func.func @transform_6(%arg0: i32) -> (i32, i32) {
    %c0_i32 = arith.constant 0 : i32
    %c0_i32_0 = arith.constant 0 : i32
    %c0_i32_1 = arith.constant 0 : i32
    return %c0_i32, %c0_i32_0 : i32, i32
  }
  func.func @transform_7(%arg0: i32) -> (i32, i32) {
    %c0_i32 = arith.constant 0 : i32
    %c0_i32_0 = arith.constant 0 : i32
    %c0_i32_1 = arith.constant 0 : i32
    return %c0_i32, %c0_i32_0 : i32, i32
  }
  func.func @transform_8(%arg0: i32) -> (i32, i32) {
    %c0_i32 = arith.constant 0 : i32
    %c0_i32_0 = arith.constant 0 : i32
    %c0_i32_1 = arith.constant 0 : i32
    return %c0_i32, %c0_i32_0 : i32, i32
  }
  func.func @transform_9(%arg0: i32) -> (i32, i32) {
    %c0_i32 = arith.constant 0 : i32
    %c0_i32_0 = arith.constant 0 : i32
    %c0_i32_1 = arith.constant 0 : i32
    return %c0_i32, %c0_i32_0 : i32, i32
  }
  func.func @transform_10(%arg0: i32) -> (i32, i32) {
    %c0_i32 = arith.constant 0 : i32
    %c0_i32_0 = arith.constant 0 : i32
    return %arg0, %c0_i32 : i32, i32
  }
  func.func @transform_11(%arg0: i32) -> (i32, i32) {
    %c0_i32 = arith.constant 0 : i32
    %c0_i32_0 = arith.constant 0 : i32
    return %arg0, %c0_i32 : i32, i32
  }
  func.func @transform_12(%arg0: i32) -> (i32, i32) {
    %c0_i32 = arith.constant 0 : i32
    %c0_i32_0 = arith.constant 0 : i32
    return %arg0, %c0_i32 : i32, i32
  }
  func.func @transform_13(%arg0: i32) -> (i32, i32) {
    %c0_i32 = arith.constant 0 : i32
    %c0_i32_0 = arith.constant 0 : i32
    return %arg0, %c0_i32 : i32, i32
  }
  func.func @transform_14(%arg0: i32) -> (i32, i32) {
    %c0_i32 = arith.constant 0 : i32
    %c0_i32_0 = arith.constant 0 : i32
    return %arg0, %c0_i32 : i32, i32
  }
}

module attributes {stable_mosaic.version = 14 : i64} {
  func.func @_nms_body(%arg0: memref<32x16xi32, #tpu.memory_space<smem>>, %arg1: memref<32x3072xf32, #tpu.memory_space<any>>, %arg2: memref<32x3072xi32, #tpu.memory_space<any>>, %arg3: memref<32x3072xf32, #tpu.memory_space<any>>, %arg4: memref<32x3072xf32, #tpu.memory_space<any>>, %arg5: memref<32x3072xf32, #tpu.memory_space<any>>, %arg6: memref<32x3072xf32, #tpu.memory_space<any>>, %arg7: memref<8x128xf32, #tpu.memory_space<vmem>>, %arg8: memref<1x1xi32, #tpu.memory_space<smem>>, %arg9: memref<8x1024xf32, #tpu.memory_space<vmem>>, %arg10: memref<1024x1024xf32, #tpu.memory_space<vmem>>, %arg11: memref<1x3072xf32, #tpu.memory_space<vmem>>, %arg12: memref<1x3072xi32, #tpu.memory_space<vmem>>, %arg13: memref<1x3072xf32, #tpu.memory_space<vmem>>, %arg14: memref<1x3072xf32, #tpu.memory_space<vmem>>, %arg15: memref<1x3072xf32, #tpu.memory_space<vmem>>, %arg16: memref<1x3072xf32, #tpu.memory_space<vmem>>, %arg17: memref<!tpu.dma_semaphore, #tpu.memory_space<semaphore_mem>>) attributes {dimension_semantics = [], scalar_prefetch = 0 : i64, scratch_operands = 9 : i64, tpu.core_type = #tpu.core_type<tc>} {
    %iota3A = tpu.iota {dimensions = array<i32: 1>} : vector<1x1024xi32>
    %convert_element_type3A = arith.sitofp %iota3A : vector<1x1024xi32> to vector<1x1024xf32>
    %broadcast_in_dim3A = arith.constant 0.000000e+00 : f32
    %broadcast_in_dim3A_0 = vector.broadcast %broadcast_in_dim3A : f32 to vector<1x1024xf32>
    %add3A = arith.constant 5.000000e+05 : f32
    %add3A_1 = vector.broadcast %add3A : f32 to vector<1x1024xf32>
    %add3A_2 = arith.addf %add3A_1, %convert_element_type3A : vector<1x1024xf32>
    %broadcast_in_dim3A_3 = arith.constant 0.000000e+00 : f32
    %broadcast_in_dim3A_4 = vector.broadcast %broadcast_in_dim3A_3 : f32 to vector<6x1024xf32>
    %concatenate3A = tpu.concatenate %broadcast_in_dim3A_0, %add3A_2, %broadcast_in_dim3A_4 in 0 : vector<1x1024xf32>, vector<1x1024xf32>, vector<6x1024xf32> -> vector<8x1024xf32>
    %swap3A = arith.constant 0 : index
    %swap3A_5 = arith.constant 0 : index
    %swap3A_6 = vector.load %arg9[%swap3A, %swap3A_5] : memref<8x1024xf32, #tpu.memory_space<vmem>>, vector<8x1024xf32>
    tpu.vector_store %arg9[%swap3A, %swap3A_5], %concatenate3A {strides = array<i32>} : memref<8x1024xf32, #tpu.memory_space<vmem>>, vector<8x1024xf32>,
    %scan3A = arith.constant 0 : i32
    %scan3A_7 = arith.constant 32 : i32
    %scan3A_8 = arith.addi %scan3A, %scan3A_7 : i32
    %scan3A_9 = arith.constant 1 : i32
    scf.for %scan3A_149 = %scan3A to %scan3A_8 step %scan3A_9  : i32 {
      %get3A_150 = arith.index_cast %scan3A_149 : i32 to index
      %get3A_151 = arith.constant 0 : index
      %get3A_152 = memref.load %arg0[%get3A_150, %get3A_151] : memref<32x16xi32, #tpu.memory_space<smem>>
      %gt3A_153 = arith.constant 0 : i32
      %gt3A_154 = arith.cmpi sgt, %get3A_152, %gt3A_153 : i32
      %convert_element_type3A_155 = arith.extui %gt3A_154 : i1 to i32
      %cond3A = arith.constant 0 : i32
      %cond3A_156 = arith.cmpi ne, %convert_element_type3A_155, %cond3A : i32
      scf.if %cond3A_156 {
        %dma_start3A = arith.constant 0 : i32
        %dma_start3A_157 = tpu.memref_slice %arg1[%scan3A_149, %dma_start3A] : memref<32x3072xf32, #tpu.memory_space<any>> -> memref<1x3072xf32, #tpu.memory_space<any>>
        tpu.enqueue_dma source(%dma_start3A_157 : memref<1x3072xf32, #tpu.memory_space<any>>) target(%arg11 : memref<1x3072xf32, #tpu.memory_space<vmem>>) target_semaphore(%arg17 : memref<!tpu.dma_semaphore, #tpu.memory_space<semaphore_mem>>)
        %dma_start3A_158 = arith.constant 0 : i32
        %dma_start3A_159 = tpu.memref_slice %arg2[%scan3A_149, %dma_start3A_158] : memref<32x3072xi32, #tpu.memory_space<any>> -> memref<1x3072xi32, #tpu.memory_space<any>>
        tpu.enqueue_dma source(%dma_start3A_159 : memref<1x3072xi32, #tpu.memory_space<any>>) target(%arg12 : memref<1x3072xi32, #tpu.memory_space<vmem>>) target_semaphore(%arg17 : memref<!tpu.dma_semaphore, #tpu.memory_space<semaphore_mem>>)
        %dma_start3A_160 = arith.constant 0 : i32
        %dma_start3A_161 = tpu.memref_slice %arg3[%scan3A_149, %dma_start3A_160] : memref<32x3072xf32, #tpu.memory_space<any>> -> memref<1x3072xf32, #tpu.memory_space<any>>
        tpu.enqueue_dma source(%dma_start3A_161 : memref<1x3072xf32, #tpu.memory_space<any>>) target(%arg13 : memref<1x3072xf32, #tpu.memory_space<vmem>>) target_semaphore(%arg17 : memref<!tpu.dma_semaphore, #tpu.memory_space<semaphore_mem>>)
        %dma_start3A_162 = arith.constant 0 : i32
        %dma_start3A_163 = tpu.memref_slice %arg4[%scan3A_149, %dma_start3A_162] : memref<32x3072xf32, #tpu.memory_space<any>> -> memref<1x3072xf32, #tpu.memory_space<any>>
        tpu.enqueue_dma source(%dma_start3A_163 : memref<1x3072xf32, #tpu.memory_space<any>>) target(%arg14 : memref<1x3072xf32, #tpu.memory_space<vmem>>) target_semaphore(%arg17 : memref<!tpu.dma_semaphore, #tpu.memory_space<semaphore_mem>>)
        %dma_start3A_164 = arith.constant 0 : i32
        %dma_start3A_165 = tpu.memref_slice %arg5[%scan3A_149, %dma_start3A_164] : memref<32x3072xf32, #tpu.memory_space<any>> -> memref<1x3072xf32, #tpu.memory_space<any>>
        tpu.enqueue_dma source(%dma_start3A_165 : memref<1x3072xf32, #tpu.memory_space<any>>) target(%arg15 : memref<1x3072xf32, #tpu.memory_space<vmem>>) target_semaphore(%arg17 : memref<!tpu.dma_semaphore, #tpu.memory_space<semaphore_mem>>)
        %dma_start3A_166 = arith.constant 0 : i32
        %dma_start3A_167 = tpu.memref_slice %arg6[%scan3A_149, %dma_start3A_166] : memref<32x3072xf32, #tpu.memory_space<any>> -> memref<1x3072xf32, #tpu.memory_space<any>>
        tpu.enqueue_dma source(%dma_start3A_167 : memref<1x3072xf32, #tpu.memory_space<any>>) target(%arg16 : memref<1x3072xf32, #tpu.memory_space<vmem>>) target_semaphore(%arg17 : memref<!tpu.dma_semaphore, #tpu.memory_space<semaphore_mem>>)
        %dma_wait3A = arith.constant 0 : i32
        %dma_wait3A_168 = tpu.memref_slice %arg1[%scan3A_149, %dma_wait3A] : memref<32x3072xf32, #tpu.memory_space<any>> -> memref<1x3072xf32, #tpu.memory_space<any>>
        tpu.wait_dma2 semaphore(%arg17 : memref<!tpu.dma_semaphore, #tpu.memory_space<semaphore_mem>>) src(%dma_wait3A_168 : memref<1x3072xf32, #tpu.memory_space<any>>) dst(%arg11 : memref<1x3072xf32, #tpu.memory_space<vmem>>)
        %dma_wait3A_169 = arith.constant 0 : i32
        %dma_wait3A_170 = tpu.memref_slice %arg2[%scan3A_149, %dma_wait3A_169] : memref<32x3072xi32, #tpu.memory_space<any>> -> memref<1x3072xi32, #tpu.memory_space<any>>
        tpu.wait_dma2 semaphore(%arg17 : memref<!tpu.dma_semaphore, #tpu.memory_space<semaphore_mem>>) src(%dma_wait3A_170 : memref<1x3072xi32, #tpu.memory_space<any>>) dst(%arg12 : memref<1x3072xi32, #tpu.memory_space<vmem>>)
        %dma_wait3A_171 = arith.constant 0 : i32
        %dma_wait3A_172 = tpu.memref_slice %arg3[%scan3A_149, %dma_wait3A_171] : memref<32x3072xf32, #tpu.memory_space<any>> -> memref<1x3072xf32, #tpu.memory_space<any>>
        tpu.wait_dma2 semaphore(%arg17 : memref<!tpu.dma_semaphore, #tpu.memory_space<semaphore_mem>>) src(%dma_wait3A_172 : memref<1x3072xf32, #tpu.memory_space<any>>) dst(%arg13 : memref<1x3072xf32, #tpu.memory_space<vmem>>)
        %dma_wait3A_173 = arith.constant 0 : i32
        %dma_wait3A_174 = tpu.memref_slice %arg4[%scan3A_149, %dma_wait3A_173] : memref<32x3072xf32, #tpu.memory_space<any>> -> memref<1x3072xf32, #tpu.memory_space<any>>
        tpu.wait_dma2 semaphore(%arg17 : memref<!tpu.dma_semaphore, #tpu.memory_space<semaphore_mem>>) src(%dma_wait3A_174 : memref<1x3072xf32, #tpu.memory_space<any>>) dst(%arg14 : memref<1x3072xf32, #tpu.memory_space<vmem>>)
        %dma_wait3A_175 = arith.constant 0 : i32
        %dma_wait3A_176 = tpu.memref_slice %arg5[%scan3A_149, %dma_wait3A_175] : memref<32x3072xf32, #tpu.memory_space<any>> -> memref<1x3072xf32, #tpu.memory_space<any>>
        tpu.wait_dma2 semaphore(%arg17 : memref<!tpu.dma_semaphore, #tpu.memory_space<semaphore_mem>>) src(%dma_wait3A_176 : memref<1x3072xf32, #tpu.memory_space<any>>) dst(%arg15 : memref<1x3072xf32, #tpu.memory_space<vmem>>)
        %dma_wait3A_177 = arith.constant 0 : i32
        %dma_wait3A_178 = tpu.memref_slice %arg6[%scan3A_149, %dma_wait3A_177] : memref<32x3072xf32, #tpu.memory_space<any>> -> memref<1x3072xf32, #tpu.memory_space<any>>
        tpu.wait_dma2 semaphore(%arg17 : memref<!tpu.dma_semaphore, #tpu.memory_space<semaphore_mem>>) src(%dma_wait3A_178 : memref<1x3072xf32, #tpu.memory_space<any>>) dst(%arg16 : memref<1x3072xf32, #tpu.memory_space<vmem>>)
        %gt3A_179 = arith.constant 0 : i32
        %gt3A_180 = arith.cmpi sgt, %get3A_152, %gt3A_179 : i32
        %convert_element_type3A_181 = arith.extui %gt3A_180 : i1 to i32
        %cond3A_182 = arith.constant 0 : i32
        %cond3A_183 = arith.cmpi ne, %convert_element_type3A_181, %cond3A_182 : i32
        scf.if %cond3A_183 {
          %sub3A_194 = arith.constant 0 : i32
          %sub3A_195 = arith.subi %get3A_152, %sub3A_194 : i32
          %lt3A_196 = vector.broadcast %sub3A_195 : i32 to vector<1x1024xi32>
          %lt3A_197 = arith.cmpi slt, %iota3A, %lt3A_196 : vector<1x1024xi32>
          %get3A_198 = arith.constant 0 : index
          %get3A_199 = arith.constant 0 : index
          %get3A_200 = vector.load %arg11[%get3A_198, %get3A_199] : memref<1x3072xf32, #tpu.memory_space<vmem>>, vector<1x1024xf32>
          %get3A_201 = arith.constant 0 : index
          %get3A_202 = arith.constant 0 : index
          %get3A_203 = vector.load %arg12[%get3A_201, %get3A_202] : memref<1x3072xi32, #tpu.memory_space<vmem>>, vector<1x1024xi32>
          %convert_element_type3A_204 = arith.sitofp %get3A_203 : vector<1x1024xi32> to vector<1x1024xf32>
          %jit3A_205 = arith.constant -1.000000e+00 : f32
          %broadcast_in_dim3A_206 = vector.broadcast %jit3A_205 : f32 to vector<1x1024xf32>
          %select_n3A_207 = arith.select %lt3A_197, %get3A_200, %broadcast_in_dim3A_206 : vector<1x1024xi1>, vector<1x1024xf32>
          %add3A_208 = arith.constant 6.000000e+05 : f32
          %add3A_209 = vector.broadcast %add3A_208 : f32 to vector<1x1024xf32>
          %add3A_210 = arith.addf %add3A_209, %convert_element_type3A : vector<1x1024xf32>
          %select_n3A_211 = arith.select %lt3A_197, %convert_element_type3A_204, %add3A_210 : vector<1x1024xi1>, vector<1x1024xf32>
          %get3A_212 = arith.constant 0 : index
          %get3A_213 = arith.constant 0 : index
          %get3A_214 = vector.load %arg13[%get3A_212, %get3A_213] : memref<1x3072xf32, #tpu.memory_space<vmem>>, vector<1x1024xf32>
          %jit3A_215 = arith.constant 0.000000e+00 : f32
          %broadcast_in_dim3A_216 = vector.broadcast %jit3A_215 : f32 to vector<1x1024xf32>
          %select_n3A_217 = arith.select %lt3A_197, %get3A_214, %broadcast_in_dim3A_216 : vector<1x1024xi1>, vector<1x1024xf32>
          %get3A_218 = arith.constant 0 : index
          %get3A_219 = arith.constant 0 : index
          %get3A_220 = vector.load %arg14[%get3A_218, %get3A_219] : memref<1x3072xf32, #tpu.memory_space<vmem>>, vector<1x1024xf32>
          %jit3A_221 = arith.constant 0.000000e+00 : f32
          %broadcast_in_dim3A_222 = vector.broadcast %jit3A_221 : f32 to vector<1x1024xf32>
          %select_n3A_223 = arith.select %lt3A_197, %get3A_220, %broadcast_in_dim3A_222 : vector<1x1024xi1>, vector<1x1024xf32>
          %get3A_224 = arith.constant 0 : index
          %get3A_225 = arith.constant 0 : index
          %get3A_226 = vector.load %arg15[%get3A_224, %get3A_225] : memref<1x3072xf32, #tpu.memory_space<vmem>>, vector<1x1024xf32>
          %jit3A_227 = arith.constant 0.000000e+00 : f32
          %broadcast_in_dim3A_228 = vector.broadcast %jit3A_227 : f32 to vector<1x1024xf32>
          %select_n3A_229 = arith.select %lt3A_197, %get3A_226, %broadcast_in_dim3A_228 : vector<1x1024xi1>, vector<1x1024xf32>
          %get3A_230 = arith.constant 0 : index
          %get3A_231 = arith.constant 0 : index
          %get3A_232 = vector.load %arg16[%get3A_230, %get3A_231] : memref<1x3072xf32, #tpu.memory_space<vmem>>, vector<1x1024xf32>
          %jit3A_233 = arith.constant 0.000000e+00 : f32
          %broadcast_in_dim3A_234 = vector.broadcast %jit3A_233 : f32 to vector<1x1024xf32>
          %select_n3A_235 = arith.select %lt3A_197, %get3A_232, %broadcast_in_dim3A_234 : vector<1x1024xi1>, vector<1x1024xf32>
          %broadcast_in_dim3A_236 = arith.constant 0.000000e+00 : f32
          %broadcast_in_dim3A_237 = vector.broadcast %broadcast_in_dim3A_236 : f32 to vector<2x1024xf32>
          %concatenate3A_238 = tpu.concatenate %select_n3A_207, %select_n3A_211, %select_n3A_217, %select_n3A_223, %select_n3A_229, %select_n3A_235, %broadcast_in_dim3A_237 in 0 : vector<1x1024xf32>, vector<1x1024xf32>, vector<1x1024xf32>, vector<1x1024xf32>, vector<1x1024xf32>, vector<1x1024xf32>, vector<2x1024xf32> -> vector<8x1024xf32>
          %get3A_239 = arith.constant 0 : index
          %get3A_240 = arith.constant 0 : index
          %get3A_241 = vector.load %arg9[%get3A_239, %get3A_240] : memref<8x1024xf32, #tpu.memory_space<vmem>>, vector<8x1024xf32>
          %concatenate3A_242 = tpu.concatenate %get3A_241, %concatenate3A_238 in 1 : vector<8x1024xf32>, vector<8x1024xf32> -> vector<8x2048xf32>
          %slice3A_243 = vector.extract_strided_slice %concatenate3A_242 {offsets = [0, 0], sizes = [1, 2048], strides = [1, 1]} : vector<8x2048xf32> to vector<1x2048xf32>
          %slice3A_244 = vector.extract_strided_slice %concatenate3A_242 {offsets = [1, 0], sizes = [1, 2048], strides = [1, 1]} : vector<8x2048xf32> to vector<1x2048xf32>
          %reshape3A_245 = vector.shape_cast %slice3A_243 : vector<1x2048xf32> to vector<2048x1xf32>
          %reshape3A_246 = vector.shape_cast %slice3A_244 : vector<1x2048xf32> to vector<2048x1xf32>
          %broadcast_in_dim3A_247 = arith.constant 0.000000e+00 : f32
          %broadcast_in_dim3A_248 = vector.broadcast %broadcast_in_dim3A_247 : f32 to vector<2048x1xf32>
          %slice3A_249 = vector.extract_strided_slice %slice3A_243 {offsets = [0, 0], sizes = [1, 512], strides = [1, 1]} : vector<1x2048xf32> to vector<1x512xf32>
          %slice3A_250 = vector.extract_strided_slice %slice3A_244 {offsets = [0, 0], sizes = [1, 512], strides = [1, 1]} : vector<1x2048xf32> to vector<1x512xf32>
          %gt3A_251 = vector.broadcast %slice3A_249 : vector<1x512xf32> to vector<2048x512xf32>
          %gt3A_252 = vector.broadcast %reshape3A_245 : vector<2048x1xf32> to vector<2048x512xf32>
          %gt3A_253 = arith.cmpf ogt, %gt3A_251, %gt3A_252 : vector<2048x512xf32>
          %eq3A_254 = vector.broadcast %slice3A_249 : vector<1x512xf32> to vector<2048x512xf32>
          %eq3A_255 = vector.broadcast %reshape3A_245 : vector<2048x1xf32> to vector<2048x512xf32>
          %eq3A_256 = arith.cmpf oeq, %eq3A_254, %eq3A_255 : vector<2048x512xf32>
          %lt3A_257 = vector.broadcast %slice3A_250 : vector<1x512xf32> to vector<2048x512xf32>
          %lt3A_258 = vector.broadcast %reshape3A_246 : vector<2048x1xf32> to vector<2048x512xf32>
          %lt3A_259 = arith.cmpf olt, %lt3A_257, %lt3A_258 : vector<2048x512xf32>
          %and3A = arith.andi %eq3A_256, %lt3A_259 : vector<2048x512xi1>
          %or3A = arith.ori %gt3A_253, %and3A : vector<2048x512xi1>
          %convert_element_type3A_260 = arith.extui %or3A : vector<2048x512xi1> to vector<2048x512xi32>
          %convert_element_type3A_261 = arith.sitofp %convert_element_type3A_260 : vector<2048x512xi32> to vector<2048x512xf32>
          %reduce_sum3A_262 = arith.constant dense<0.000000e+00> : vector<2048xf32>
          %reduce_sum3A_263 = vector.multi_reduction <add>, %convert_element_type3A_261, %reduce_sum3A_262 [1] : vector<2048x512xf32> to vector<2048xf32>
          %broadcast_in_dim3A_264 = vector.shape_cast %reduce_sum3A_263 : vector<2048xf32> to vector<2048x1xf32>
          %add3A_265 = arith.addf %broadcast_in_dim3A_248, %broadcast_in_dim3A_264 : vector<2048x1xf32>
          %slice3A_266 = vector.extract_strided_slice %slice3A_243 {offsets = [0, 512], sizes = [1, 512], strides = [1, 1]} : vector<1x2048xf32> to vector<1x512xf32>
          %slice3A_267 = vector.extract_strided_slice %slice3A_244 {offsets = [0, 512], sizes = [1, 512], strides = [1, 1]} : vector<1x2048xf32> to vector<1x512xf32>
          %gt3A_268 = vector.broadcast %slice3A_266 : vector<1x512xf32> to vector<2048x512xf32>
          %gt3A_269 = vector.broadcast %reshape3A_245 : vector<2048x1xf32> to vector<2048x512xf32>
          %gt3A_270 = arith.cmpf ogt, %gt3A_268, %gt3A_269 : vector<2048x512xf32>
          %eq3A_271 = vector.broadcast %slice3A_266 : vector<1x512xf32> to vector<2048x512xf32>
          %eq3A_272 = vector.broadcast %reshape3A_245 : vector<2048x1xf32> to vector<2048x512xf32>
          %eq3A_273 = arith.cmpf oeq, %eq3A_271, %eq3A_272 : vector<2048x512xf32>
          %lt3A_274 = vector.broadcast %slice3A_267 : vector<1x512xf32> to vector<2048x512xf32>
          %lt3A_275 = vector.broadcast %reshape3A_246 : vector<2048x1xf32> to vector<2048x512xf32>
          %lt3A_276 = arith.cmpf olt, %lt3A_274, %lt3A_275 : vector<2048x512xf32>
          %and3A_277 = arith.andi %eq3A_273, %lt3A_276 : vector<2048x512xi1>
          %or3A_278 = arith.ori %gt3A_270, %and3A_277 : vector<2048x512xi1>
          %convert_element_type3A_279 = arith.extui %or3A_278 : vector<2048x512xi1> to vector<2048x512xi32>
          %convert_element_type3A_280 = arith.sitofp %convert_element_type3A_279 : vector<2048x512xi32> to vector<2048x512xf32>
          %reduce_sum3A_281 = arith.constant dense<0.000000e+00> : vector<2048xf32>
          %reduce_sum3A_282 = vector.multi_reduction <add>, %convert_element_type3A_280, %reduce_sum3A_281 [1] : vector<2048x512xf32> to vector<2048xf32>
          %broadcast_in_dim3A_283 = vector.shape_cast %reduce_sum3A_282 : vector<2048xf32> to vector<2048x1xf32>
          %add3A_284 = arith.addf %add3A_265, %broadcast_in_dim3A_283 : vector<2048x1xf32>
          %slice3A_285 = vector.extract_strided_slice %slice3A_243 {offsets = [0, 1024], sizes = [1, 512], strides = [1, 1]} : vector<1x2048xf32> to vector<1x512xf32>
          %slice3A_286 = vector.extract_strided_slice %slice3A_244 {offsets = [0, 1024], sizes = [1, 512], strides = [1, 1]} : vector<1x2048xf32> to vector<1x512xf32>
          %gt3A_287 = vector.broadcast %slice3A_285 : vector<1x512xf32> to vector<2048x512xf32>
          %gt3A_288 = vector.broadcast %reshape3A_245 : vector<2048x1xf32> to vector<2048x512xf32>
          %gt3A_289 = arith.cmpf ogt, %gt3A_287, %gt3A_288 : vector<2048x512xf32>
          %eq3A_290 = vector.broadcast %slice3A_285 : vector<1x512xf32> to vector<2048x512xf32>
          %eq3A_291 = vector.broadcast %reshape3A_245 : vector<2048x1xf32> to vector<2048x512xf32>
          %eq3A_292 = arith.cmpf oeq, %eq3A_290, %eq3A_291 : vector<2048x512xf32>
          %lt3A_293 = vector.broadcast %slice3A_286 : vector<1x512xf32> to vector<2048x512xf32>
          %lt3A_294 = vector.broadcast %reshape3A_246 : vector<2048x1xf32> to vector<2048x512xf32>
          %lt3A_295 = arith.cmpf olt, %lt3A_293, %lt3A_294 : vector<2048x512xf32>
          %and3A_296 = arith.andi %eq3A_292, %lt3A_295 : vector<2048x512xi1>
          %or3A_297 = arith.ori %gt3A_289, %and3A_296 : vector<2048x512xi1>
          %convert_element_type3A_298 = arith.extui %or3A_297 : vector<2048x512xi1> to vector<2048x512xi32>
          %convert_element_type3A_299 = arith.sitofp %convert_element_type3A_298 : vector<2048x512xi32> to vector<2048x512xf32>
          %reduce_sum3A_300 = arith.constant dense<0.000000e+00> : vector<2048xf32>
          %reduce_sum3A_301 = vector.multi_reduction <add>, %convert_element_type3A_299, %reduce_sum3A_300 [1] : vector<2048x512xf32> to vector<2048xf32>
          %broadcast_in_dim3A_302 = vector.shape_cast %reduce_sum3A_301 : vector<2048xf32> to vector<2048x1xf32>
          %add3A_303 = arith.addf %add3A_284, %broadcast_in_dim3A_302 : vector<2048x1xf32>
          %slice3A_304 = vector.extract_strided_slice %slice3A_243 {offsets = [0, 1536], sizes = [1, 512], strides = [1, 1]} : vector<1x2048xf32> to vector<1x512xf32>
          %slice3A_305 = vector.extract_strided_slice %slice3A_244 {offsets = [0, 1536], sizes = [1, 512], strides = [1, 1]} : vector<1x2048xf32> to vector<1x512xf32>
          %gt3A_306 = vector.broadcast %slice3A_304 : vector<1x512xf32> to vector<2048x512xf32>
          %gt3A_307 = vector.broadcast %reshape3A_245 : vector<2048x1xf32> to vector<2048x512xf32>
          %gt3A_308 = arith.cmpf ogt, %gt3A_306, %gt3A_307 : vector<2048x512xf32>
          %eq3A_309 = vector.broadcast %slice3A_304 : vector<1x512xf32> to vector<2048x512xf32>
          %eq3A_310 = vector.broadcast %reshape3A_245 : vector<2048x1xf32> to vector<2048x512xf32>
          %eq3A_311 = arith.cmpf oeq, %eq3A_309, %eq3A_310 : vector<2048x512xf32>
          %lt3A_312 = vector.broadcast %slice3A_305 : vector<1x512xf32> to vector<2048x512xf32>
          %lt3A_313 = vector.broadcast %reshape3A_246 : vector<2048x1xf32> to vector<2048x512xf32>
          %lt3A_314 = arith.cmpf olt, %lt3A_312, %lt3A_313 : vector<2048x512xf32>
          %and3A_315 = arith.andi %eq3A_311, %lt3A_314 : vector<2048x512xi1>
          %or3A_316 = arith.ori %gt3A_308, %and3A_315 : vector<2048x512xi1>
          %convert_element_type3A_317 = arith.extui %or3A_316 : vector<2048x512xi1> to vector<2048x512xi32>
          %convert_element_type3A_318 = arith.sitofp %convert_element_type3A_317 : vector<2048x512xi32> to vector<2048x512xf32>
          %reduce_sum3A_319 = arith.constant dense<0.000000e+00> : vector<2048xf32>
          %reduce_sum3A_320 = vector.multi_reduction <add>, %convert_element_type3A_318, %reduce_sum3A_319 [1] : vector<2048x512xf32> to vector<2048xf32>
          %broadcast_in_dim3A_321 = vector.shape_cast %reduce_sum3A_320 : vector<2048xf32> to vector<2048x1xf32>
          %add3A_322 = arith.addf %add3A_303, %broadcast_in_dim3A_321 : vector<2048x1xf32>
          %iota3A_323 = tpu.iota {dimensions = array<i32: 1>} : vector<1x1024xi32>
          %convert_element_type3A_324 = arith.sitofp %iota3A_323 : vector<1x1024xi32> to vector<1x1024xf32>
          %eq3A_325 = vector.broadcast %add3A_322 : vector<2048x1xf32> to vector<2048x1024xf32>
          %eq3A_326 = vector.broadcast %convert_element_type3A_324 : vector<1x1024xf32> to vector<2048x1024xf32>
          %eq3A_327 = arith.cmpf oeq, %eq3A_325, %eq3A_326 : vector<2048x1024xf32>
          %convert_element_type3A_328 = arith.extui %eq3A_327 : vector<2048x1024xi1> to vector<2048x1024xi32>
          %convert_element_type3A_329 = arith.sitofp %convert_element_type3A_328 : vector<2048x1024xi32> to vector<2048x1024xf32>
          %dot_general3A_330 = arith.constant dense<0.000000e+00> : vector<8x1024xf32>
          %dot_general3A_331 = tpu.matmul %concatenate3A_242, %convert_element_type3A_329, %dot_general3A_330 {dimension_numbers = #tpu.dot_dimension_numbers<[1], [0], [0], [1], [0, 0, 1, 1], [], []>, transpose_lhs_hint = false} : vector<8x2048xf32>, vector<2048x1024xf32>, vector<8x1024xf32> -> vector<8x1024xf32>
          %swap3A_332 = arith.constant 0 : index
          %swap3A_333 = arith.constant 0 : index
          %swap3A_334 = vector.load %arg9[%swap3A_332, %swap3A_333] : memref<8x1024xf32, #tpu.memory_space<vmem>>, vector<8x1024xf32>
          tpu.vector_store %arg9[%swap3A_332, %swap3A_333], %dot_general3A_331 {strides = array<i32>} : memref<8x1024xf32, #tpu.memory_space<vmem>>, vector<8x1024xf32>,
        } else {
        }
        %gt3A_184 = arith.constant 1024 : i32
        %gt3A_185 = arith.cmpi sgt, %get3A_152, %gt3A_184 : i32
        %convert_element_type3A_186 = arith.extui %gt3A_185 : i1 to i32
        %cond3A_187 = arith.constant 0 : i32
        %cond3A_188 = arith.cmpi ne, %convert_element_type3A_186, %cond3A_187 : i32
        scf.if %cond3A_188 {
          %sub3A_194 = arith.constant 1024 : i32
          %sub3A_195 = arith.subi %get3A_152, %sub3A_194 : i32
          %lt3A_196 = vector.broadcast %sub3A_195 : i32 to vector<1x1024xi32>
          %lt3A_197 = arith.cmpi slt, %iota3A, %lt3A_196 : vector<1x1024xi32>
          %get3A_198 = arith.constant 0 : index
          %get3A_199 = arith.constant 1024 : index
          %get3A_200 = vector.load %arg11[%get3A_198, %get3A_199] : memref<1x3072xf32, #tpu.memory_space<vmem>>, vector<1x1024xf32>
          %get3A_201 = arith.constant 0 : index
          %get3A_202 = arith.constant 1024 : index
          %get3A_203 = vector.load %arg12[%get3A_201, %get3A_202] : memref<1x3072xi32, #tpu.memory_space<vmem>>, vector<1x1024xi32>
          %convert_element_type3A_204 = arith.sitofp %get3A_203 : vector<1x1024xi32> to vector<1x1024xf32>
          %jit3A_205 = arith.constant -1.000000e+00 : f32
          %broadcast_in_dim3A_206 = vector.broadcast %jit3A_205 : f32 to vector<1x1024xf32>
          %select_n3A_207 = arith.select %lt3A_197, %get3A_200, %broadcast_in_dim3A_206 : vector<1x1024xi1>, vector<1x1024xf32>
          %add3A_208 = arith.constant 6.010240e+05 : f32
          %add3A_209 = vector.broadcast %add3A_208 : f32 to vector<1x1024xf32>
          %add3A_210 = arith.addf %add3A_209, %convert_element_type3A : vector<1x1024xf32>
          %select_n3A_211 = arith.select %lt3A_197, %convert_element_type3A_204, %add3A_210 : vector<1x1024xi1>, vector<1x1024xf32>
          %get3A_212 = arith.constant 0 : index
          %get3A_213 = arith.constant 1024 : index
          %get3A_214 = vector.load %arg13[%get3A_212, %get3A_213] : memref<1x3072xf32, #tpu.memory_space<vmem>>, vector<1x1024xf32>
          %jit3A_215 = arith.constant 0.000000e+00 : f32
          %broadcast_in_dim3A_216 = vector.broadcast %jit3A_215 : f32 to vector<1x1024xf32>
          %select_n3A_217 = arith.select %lt3A_197, %get3A_214, %broadcast_in_dim3A_216 : vector<1x1024xi1>, vector<1x1024xf32>
          %get3A_218 = arith.constant 0 : index
          %get3A_219 = arith.constant 1024 : index
          %get3A_220 = vector.load %arg14[%get3A_218, %get3A_219] : memref<1x3072xf32, #tpu.memory_space<vmem>>, vector<1x1024xf32>
          %jit3A_221 = arith.constant 0.000000e+00 : f32
          %broadcast_in_dim3A_222 = vector.broadcast %jit3A_221 : f32 to vector<1x1024xf32>
          %select_n3A_223 = arith.select %lt3A_197, %get3A_220, %broadcast_in_dim3A_222 : vector<1x1024xi1>, vector<1x1024xf32>
          %get3A_224 = arith.constant 0 : index
          %get3A_225 = arith.constant 1024 : index
          %get3A_226 = vector.load %arg15[%get3A_224, %get3A_225] : memref<1x3072xf32, #tpu.memory_space<vmem>>, vector<1x1024xf32>
          %jit3A_227 = arith.constant 0.000000e+00 : f32
          %broadcast_in_dim3A_228 = vector.broadcast %jit3A_227 : f32 to vector<1x1024xf32>
          %select_n3A_229 = arith.select %lt3A_197, %get3A_226, %broadcast_in_dim3A_228 : vector<1x1024xi1>, vector<1x1024xf32>
          %get3A_230 = arith.constant 0 : index
          %get3A_231 = arith.constant 1024 : index
          %get3A_232 = vector.load %arg16[%get3A_230, %get3A_231] : memref<1x3072xf32, #tpu.memory_space<vmem>>, vector<1x1024xf32>
          %jit3A_233 = arith.constant 0.000000e+00 : f32
          %broadcast_in_dim3A_234 = vector.broadcast %jit3A_233 : f32 to vector<1x1024xf32>
          %select_n3A_235 = arith.select %lt3A_197, %get3A_232, %broadcast_in_dim3A_234 : vector<1x1024xi1>, vector<1x1024xf32>
          %broadcast_in_dim3A_236 = arith.constant 0.000000e+00 : f32
          %broadcast_in_dim3A_237 = vector.broadcast %broadcast_in_dim3A_236 : f32 to vector<2x1024xf32>
          %concatenate3A_238 = tpu.concatenate %select_n3A_207, %select_n3A_211, %select_n3A_217, %select_n3A_223, %select_n3A_229, %select_n3A_235, %broadcast_in_dim3A_237 in 0 : vector<1x1024xf32>, vector<1x1024xf32>, vector<1x1024xf32>, vector<1x1024xf32>, vector<1x1024xf32>, vector<1x1024xf32>, vector<2x1024xf32> -> vector<8x1024xf32>
          %get3A_239 = arith.constant 0 : index
          %get3A_240 = arith.constant 0 : index
          %get3A_241 = vector.load %arg9[%get3A_239, %get3A_240] : memref<8x1024xf32, #tpu.memory_space<vmem>>, vector<8x1024xf32>
          %concatenate3A_242 = tpu.concatenate %get3A_241, %concatenate3A_238 in 1 : vector<8x1024xf32>, vector<8x1024xf32> -> vector<8x2048xf32>
          %slice3A_243 = vector.extract_strided_slice %concatenate3A_242 {offsets = [0, 0], sizes = [1, 2048], strides = [1, 1]} : vector<8x2048xf32> to vector<1x2048xf32>
          %slice3A_244 = vector.extract_strided_slice %concatenate3A_242 {offsets = [1, 0], sizes = [1, 2048], strides = [1, 1]} : vector<8x2048xf32> to vector<1x2048xf32>
          %reshape3A_245 = vector.shape_cast %slice3A_243 : vector<1x2048xf32> to vector<2048x1xf32>
          %reshape3A_246 = vector.shape_cast %slice3A_244 : vector<1x2048xf32> to vector<2048x1xf32>
          %broadcast_in_dim3A_247 = arith.constant 0.000000e+00 : f32
          %broadcast_in_dim3A_248 = vector.broadcast %broadcast_in_dim3A_247 : f32 to vector<2048x1xf32>
          %slice3A_249 = vector.extract_strided_slice %slice3A_243 {offsets = [0, 0], sizes = [1, 512], strides = [1, 1]} : vector<1x2048xf32> to vector<1x512xf32>
          %slice3A_250 = vector.extract_strided_slice %slice3A_244 {offsets = [0, 0], sizes = [1, 512], strides = [1, 1]} : vector<1x2048xf32> to vector<1x512xf32>
          %gt3A_251 = vector.broadcast %slice3A_249 : vector<1x512xf32> to vector<2048x512xf32>
          %gt3A_252 = vector.broadcast %reshape3A_245 : vector<2048x1xf32> to vector<2048x512xf32>
          %gt3A_253 = arith.cmpf ogt, %gt3A_251, %gt3A_252 : vector<2048x512xf32>
          %eq3A_254 = vector.broadcast %slice3A_249 : vector<1x512xf32> to vector<2048x512xf32>
          %eq3A_255 = vector.broadcast %reshape3A_245 : vector<2048x1xf32> to vector<2048x512xf32>
          %eq3A_256 = arith.cmpf oeq, %eq3A_254, %eq3A_255 : vector<2048x512xf32>
          %lt3A_257 = vector.broadcast %slice3A_250 : vector<1x512xf32> to vector<2048x512xf32>
          %lt3A_258 = vector.broadcast %reshape3A_246 : vector<2048x1xf32> to vector<2048x512xf32>
          %lt3A_259 = arith.cmpf olt, %lt3A_257, %lt3A_258 : vector<2048x512xf32>
          %and3A = arith.andi %eq3A_256, %lt3A_259 : vector<2048x512xi1>
          %or3A = arith.ori %gt3A_253, %and3A : vector<2048x512xi1>
          %convert_element_type3A_260 = arith.extui %or3A : vector<2048x512xi1> to vector<2048x512xi32>
          %convert_element_type3A_261 = arith.sitofp %convert_element_type3A_260 : vector<2048x512xi32> to vector<2048x512xf32>
          %reduce_sum3A_262 = arith.constant dense<0.000000e+00> : vector<2048xf32>
          %reduce_sum3A_263 = vector.multi_reduction <add>, %convert_element_type3A_261, %reduce_sum3A_262 [1] : vector<2048x512xf32> to vector<2048xf32>
          %broadcast_in_dim3A_264 = vector.shape_cast %reduce_sum3A_263 : vector<2048xf32> to vector<2048x1xf32>
          %add3A_265 = arith.addf %broadcast_in_dim3A_248, %broadcast_in_dim3A_264 : vector<2048x1xf32>
          %slice3A_266 = vector.extract_strided_slice %slice3A_243 {offsets = [0, 512], sizes = [1, 512], strides = [1, 1]} : vector<1x2048xf32> to vector<1x512xf32>
          %slice3A_267 = vector.extract_strided_slice %slice3A_244 {offsets = [0, 512], sizes = [1, 512], strides = [1, 1]} : vector<1x2048xf32> to vector<1x512xf32>
          %gt3A_268 = vector.broadcast %slice3A_266 : vector<1x512xf32> to vector<2048x512xf32>
          %gt3A_269 = vector.broadcast %reshape3A_245 : vector<2048x1xf32> to vector<2048x512xf32>
          %gt3A_270 = arith.cmpf ogt, %gt3A_268, %gt3A_269 : vector<2048x512xf32>
          %eq3A_271 = vector.broadcast %slice3A_266 : vector<1x512xf32> to vector<2048x512xf32>
          %eq3A_272 = vector.broadcast %reshape3A_245 : vector<2048x1xf32> to vector<2048x512xf32>
          %eq3A_273 = arith.cmpf oeq, %eq3A_271, %eq3A_272 : vector<2048x512xf32>
          %lt3A_274 = vector.broadcast %slice3A_267 : vector<1x512xf32> to vector<2048x512xf32>
          %lt3A_275 = vector.broadcast %reshape3A_246 : vector<2048x1xf32> to vector<2048x512xf32>
          %lt3A_276 = arith.cmpf olt, %lt3A_274, %lt3A_275 : vector<2048x512xf32>
          %and3A_277 = arith.andi %eq3A_273, %lt3A_276 : vector<2048x512xi1>
          %or3A_278 = arith.ori %gt3A_270, %and3A_277 : vector<2048x512xi1>
          %convert_element_type3A_279 = arith.extui %or3A_278 : vector<2048x512xi1> to vector<2048x512xi32>
          %convert_element_type3A_280 = arith.sitofp %convert_element_type3A_279 : vector<2048x512xi32> to vector<2048x512xf32>
          %reduce_sum3A_281 = arith.constant dense<0.000000e+00> : vector<2048xf32>
          %reduce_sum3A_282 = vector.multi_reduction <add>, %convert_element_type3A_280, %reduce_sum3A_281 [1] : vector<2048x512xf32> to vector<2048xf32>
          %broadcast_in_dim3A_283 = vector.shape_cast %reduce_sum3A_282 : vector<2048xf32> to vector<2048x1xf32>
          %add3A_284 = arith.addf %add3A_265, %broadcast_in_dim3A_283 : vector<2048x1xf32>
          %slice3A_285 = vector.extract_strided_slice %slice3A_243 {offsets = [0, 1024], sizes = [1, 512], strides = [1, 1]} : vector<1x2048xf32> to vector<1x512xf32>
          %slice3A_286 = vector.extract_strided_slice %slice3A_244 {offsets = [0, 1024], sizes = [1, 512], strides = [1, 1]} : vector<1x2048xf32> to vector<1x512xf32>
          %gt3A_287 = vector.broadcast %slice3A_285 : vector<1x512xf32> to vector<2048x512xf32>
          %gt3A_288 = vector.broadcast %reshape3A_245 : vector<2048x1xf32> to vector<2048x512xf32>
          %gt3A_289 = arith.cmpf ogt, %gt3A_287, %gt3A_288 : vector<2048x512xf32>
          %eq3A_290 = vector.broadcast %slice3A_285 : vector<1x512xf32> to vector<2048x512xf32>
          %eq3A_291 = vector.broadcast %reshape3A_245 : vector<2048x1xf32> to vector<2048x512xf32>
          %eq3A_292 = arith.cmpf oeq, %eq3A_290, %eq3A_291 : vector<2048x512xf32>
          %lt3A_293 = vector.broadcast %slice3A_286 : vector<1x512xf32> to vector<2048x512xf32>
          %lt3A_294 = vector.broadcast %reshape3A_246 : vector<2048x1xf32> to vector<2048x512xf32>
          %lt3A_295 = arith.cmpf olt, %lt3A_293, %lt3A_294 : vector<2048x512xf32>
          %and3A_296 = arith.andi %eq3A_292, %lt3A_295 : vector<2048x512xi1>
          %or3A_297 = arith.ori %gt3A_289, %and3A_296 : vector<2048x512xi1>
          %convert_element_type3A_298 = arith.extui %or3A_297 : vector<2048x512xi1> to vector<2048x512xi32>
          %convert_element_type3A_299 = arith.sitofp %convert_element_type3A_298 : vector<2048x512xi32> to vector<2048x512xf32>
          %reduce_sum3A_300 = arith.constant dense<0.000000e+00> : vector<2048xf32>
          %reduce_sum3A_301 = vector.multi_reduction <add>, %convert_element_type3A_299, %reduce_sum3A_300 [1] : vector<2048x512xf32> to vector<2048xf32>
          %broadcast_in_dim3A_302 = vector.shape_cast %reduce_sum3A_301 : vector<2048xf32> to vector<2048x1xf32>
          %add3A_303 = arith.addf %add3A_284, %broadcast_in_dim3A_302 : vector<2048x1xf32>
          %slice3A_304 = vector.extract_strided_slice %slice3A_243 {offsets = [0, 1536], sizes = [1, 512], strides = [1, 1]} : vector<1x2048xf32> to vector<1x512xf32>
          %slice3A_305 = vector.extract_strided_slice %slice3A_244 {offsets = [0, 1536], sizes = [1, 512], strides = [1, 1]} : vector<1x2048xf32> to vector<1x512xf32>
          %gt3A_306 = vector.broadcast %slice3A_304 : vector<1x512xf32> to vector<2048x512xf32>
          %gt3A_307 = vector.broadcast %reshape3A_245 : vector<2048x1xf32> to vector<2048x512xf32>
          %gt3A_308 = arith.cmpf ogt, %gt3A_306, %gt3A_307 : vector<2048x512xf32>
          %eq3A_309 = vector.broadcast %slice3A_304 : vector<1x512xf32> to vector<2048x512xf32>
          %eq3A_310 = vector.broadcast %reshape3A_245 : vector<2048x1xf32> to vector<2048x512xf32>
          %eq3A_311 = arith.cmpf oeq, %eq3A_309, %eq3A_310 : vector<2048x512xf32>
          %lt3A_312 = vector.broadcast %slice3A_305 : vector<1x512xf32> to vector<2048x512xf32>
          %lt3A_313 = vector.broadcast %reshape3A_246 : vector<2048x1xf32> to vector<2048x512xf32>
          %lt3A_314 = arith.cmpf olt, %lt3A_312, %lt3A_313 : vector<2048x512xf32>
          %and3A_315 = arith.andi %eq3A_311, %lt3A_314 : vector<2048x512xi1>
          %or3A_316 = arith.ori %gt3A_308, %and3A_315 : vector<2048x512xi1>
          %convert_element_type3A_317 = arith.extui %or3A_316 : vector<2048x512xi1> to vector<2048x512xi32>
          %convert_element_type3A_318 = arith.sitofp %convert_element_type3A_317 : vector<2048x512xi32> to vector<2048x512xf32>
          %reduce_sum3A_319 = arith.constant dense<0.000000e+00> : vector<2048xf32>
          %reduce_sum3A_320 = vector.multi_reduction <add>, %convert_element_type3A_318, %reduce_sum3A_319 [1] : vector<2048x512xf32> to vector<2048xf32>
          %broadcast_in_dim3A_321 = vector.shape_cast %reduce_sum3A_320 : vector<2048xf32> to vector<2048x1xf32>
          %add3A_322 = arith.addf %add3A_303, %broadcast_in_dim3A_321 : vector<2048x1xf32>
          %iota3A_323 = tpu.iota {dimensions = array<i32: 1>} : vector<1x1024xi32>
          %convert_element_type3A_324 = arith.sitofp %iota3A_323 : vector<1x1024xi32> to vector<1x1024xf32>
          %eq3A_325 = vector.broadcast %add3A_322 : vector<2048x1xf32> to vector<2048x1024xf32>
          %eq3A_326 = vector.broadcast %convert_element_type3A_324 : vector<1x1024xf32> to vector<2048x1024xf32>
          %eq3A_327 = arith.cmpf oeq, %eq3A_325, %eq3A_326 : vector<2048x1024xf32>
          %convert_element_type3A_328 = arith.extui %eq3A_327 : vector<2048x1024xi1> to vector<2048x1024xi32>
          %convert_element_type3A_329 = arith.sitofp %convert_element_type3A_328 : vector<2048x1024xi32> to vector<2048x1024xf32>
          %dot_general3A_330 = arith.constant dense<0.000000e+00> : vector<8x1024xf32>
          %dot_general3A_331 = tpu.matmul %concatenate3A_242, %convert_element_type3A_329, %dot_general3A_330 {dimension_numbers = #tpu.dot_dimension_numbers<[1], [0], [0], [1], [0, 0, 1, 1], [], []>, transpose_lhs_hint = false} : vector<8x2048xf32>, vector<2048x1024xf32>, vector<8x1024xf32> -> vector<8x1024xf32>
          %swap3A_332 = arith.constant 0 : index
          %swap3A_333 = arith.constant 0 : index
          %swap3A_334 = vector.load %arg9[%swap3A_332, %swap3A_333] : memref<8x1024xf32, #tpu.memory_space<vmem>>, vector<8x1024xf32>
          tpu.vector_store %arg9[%swap3A_332, %swap3A_333], %dot_general3A_331 {strides = array<i32>} : memref<8x1024xf32, #tpu.memory_space<vmem>>, vector<8x1024xf32>,
        } else {
        }
        %gt3A_189 = arith.constant 2048 : i32
        %gt3A_190 = arith.cmpi sgt, %get3A_152, %gt3A_189 : i32
        %convert_element_type3A_191 = arith.extui %gt3A_190 : i1 to i32
        %cond3A_192 = arith.constant 0 : i32
        %cond3A_193 = arith.cmpi ne, %convert_element_type3A_191, %cond3A_192 : i32
        scf.if %cond3A_193 {
          %sub3A_194 = arith.constant 2048 : i32
          %sub3A_195 = arith.subi %get3A_152, %sub3A_194 : i32
          %lt3A_196 = vector.broadcast %sub3A_195 : i32 to vector<1x1024xi32>
          %lt3A_197 = arith.cmpi slt, %iota3A, %lt3A_196 : vector<1x1024xi32>
          %get3A_198 = arith.constant 0 : index
          %get3A_199 = arith.constant 2048 : index
          %get3A_200 = vector.load %arg11[%get3A_198, %get3A_199] : memref<1x3072xf32, #tpu.memory_space<vmem>>, vector<1x1024xf32>
          %get3A_201 = arith.constant 0 : index
          %get3A_202 = arith.constant 2048 : index
          %get3A_203 = vector.load %arg12[%get3A_201, %get3A_202] : memref<1x3072xi32, #tpu.memory_space<vmem>>, vector<1x1024xi32>
          %convert_element_type3A_204 = arith.sitofp %get3A_203 : vector<1x1024xi32> to vector<1x1024xf32>
          %jit3A_205 = arith.constant -1.000000e+00 : f32
          %broadcast_in_dim3A_206 = vector.broadcast %jit3A_205 : f32 to vector<1x1024xf32>
          %select_n3A_207 = arith.select %lt3A_197, %get3A_200, %broadcast_in_dim3A_206 : vector<1x1024xi1>, vector<1x1024xf32>
          %add3A_208 = arith.constant 6.020480e+05 : f32
          %add3A_209 = vector.broadcast %add3A_208 : f32 to vector<1x1024xf32>
          %add3A_210 = arith.addf %add3A_209, %convert_element_type3A : vector<1x1024xf32>
          %select_n3A_211 = arith.select %lt3A_197, %convert_element_type3A_204, %add3A_210 : vector<1x1024xi1>, vector<1x1024xf32>
          %get3A_212 = arith.constant 0 : index
          %get3A_213 = arith.constant 2048 : index
          %get3A_214 = vector.load %arg13[%get3A_212, %get3A_213] : memref<1x3072xf32, #tpu.memory_space<vmem>>, vector<1x1024xf32>
          %jit3A_215 = arith.constant 0.000000e+00 : f32
          %broadcast_in_dim3A_216 = vector.broadcast %jit3A_215 : f32 to vector<1x1024xf32>
          %select_n3A_217 = arith.select %lt3A_197, %get3A_214, %broadcast_in_dim3A_216 : vector<1x1024xi1>, vector<1x1024xf32>
          %get3A_218 = arith.constant 0 : index
          %get3A_219 = arith.constant 2048 : index
          %get3A_220 = vector.load %arg14[%get3A_218, %get3A_219] : memref<1x3072xf32, #tpu.memory_space<vmem>>, vector<1x1024xf32>
          %jit3A_221 = arith.constant 0.000000e+00 : f32
          %broadcast_in_dim3A_222 = vector.broadcast %jit3A_221 : f32 to vector<1x1024xf32>
          %select_n3A_223 = arith.select %lt3A_197, %get3A_220, %broadcast_in_dim3A_222 : vector<1x1024xi1>, vector<1x1024xf32>
          %get3A_224 = arith.constant 0 : index
          %get3A_225 = arith.constant 2048 : index
          %get3A_226 = vector.load %arg15[%get3A_224, %get3A_225] : memref<1x3072xf32, #tpu.memory_space<vmem>>, vector<1x1024xf32>
          %jit3A_227 = arith.constant 0.000000e+00 : f32
          %broadcast_in_dim3A_228 = vector.broadcast %jit3A_227 : f32 to vector<1x1024xf32>
          %select_n3A_229 = arith.select %lt3A_197, %get3A_226, %broadcast_in_dim3A_228 : vector<1x1024xi1>, vector<1x1024xf32>
          %get3A_230 = arith.constant 0 : index
          %get3A_231 = arith.constant 2048 : index
          %get3A_232 = vector.load %arg16[%get3A_230, %get3A_231] : memref<1x3072xf32, #tpu.memory_space<vmem>>, vector<1x1024xf32>
          %jit3A_233 = arith.constant 0.000000e+00 : f32
          %broadcast_in_dim3A_234 = vector.broadcast %jit3A_233 : f32 to vector<1x1024xf32>
          %select_n3A_235 = arith.select %lt3A_197, %get3A_232, %broadcast_in_dim3A_234 : vector<1x1024xi1>, vector<1x1024xf32>
          %broadcast_in_dim3A_236 = arith.constant 0.000000e+00 : f32
          %broadcast_in_dim3A_237 = vector.broadcast %broadcast_in_dim3A_236 : f32 to vector<2x1024xf32>
          %concatenate3A_238 = tpu.concatenate %select_n3A_207, %select_n3A_211, %select_n3A_217, %select_n3A_223, %select_n3A_229, %select_n3A_235, %broadcast_in_dim3A_237 in 0 : vector<1x1024xf32>, vector<1x1024xf32>, vector<1x1024xf32>, vector<1x1024xf32>, vector<1x1024xf32>, vector<1x1024xf32>, vector<2x1024xf32> -> vector<8x1024xf32>
          %get3A_239 = arith.constant 0 : index
          %get3A_240 = arith.constant 0 : index
          %get3A_241 = vector.load %arg9[%get3A_239, %get3A_240] : memref<8x1024xf32, #tpu.memory_space<vmem>>, vector<8x1024xf32>
          %concatenate3A_242 = tpu.concatenate %get3A_241, %concatenate3A_238 in 1 : vector<8x1024xf32>, vector<8x1024xf32> -> vector<8x2048xf32>
          %slice3A_243 = vector.extract_strided_slice %concatenate3A_242 {offsets = [0, 0], sizes = [1, 2048], strides = [1, 1]} : vector<8x2048xf32> to vector<1x2048xf32>
          %slice3A_244 = vector.extract_strided_slice %concatenate3A_242 {offsets = [1, 0], sizes = [1, 2048], strides = [1, 1]} : vector<8x2048xf32> to vector<1x2048xf32>
          %reshape3A_245 = vector.shape_cast %slice3A_243 : vector<1x2048xf32> to vector<2048x1xf32>
          %reshape3A_246 = vector.shape_cast %slice3A_244 : vector<1x2048xf32> to vector<2048x1xf32>
          %broadcast_in_dim3A_247 = arith.constant 0.000000e+00 : f32
          %broadcast_in_dim3A_248 = vector.broadcast %broadcast_in_dim3A_247 : f32 to vector<2048x1xf32>
          %slice3A_249 = vector.extract_strided_slice %slice3A_243 {offsets = [0, 0], sizes = [1, 512], strides = [1, 1]} : vector<1x2048xf32> to vector<1x512xf32>
          %slice3A_250 = vector.extract_strided_slice %slice3A_244 {offsets = [0, 0], sizes = [1, 512], strides = [1, 1]} : vector<1x2048xf32> to vector<1x512xf32>
          %gt3A_251 = vector.broadcast %slice3A_249 : vector<1x512xf32> to vector<2048x512xf32>
          %gt3A_252 = vector.broadcast %reshape3A_245 : vector<2048x1xf32> to vector<2048x512xf32>
          %gt3A_253 = arith.cmpf ogt, %gt3A_251, %gt3A_252 : vector<2048x512xf32>
          %eq3A_254 = vector.broadcast %slice3A_249 : vector<1x512xf32> to vector<2048x512xf32>
          %eq3A_255 = vector.broadcast %reshape3A_245 : vector<2048x1xf32> to vector<2048x512xf32>
          %eq3A_256 = arith.cmpf oeq, %eq3A_254, %eq3A_255 : vector<2048x512xf32>
          %lt3A_257 = vector.broadcast %slice3A_250 : vector<1x512xf32> to vector<2048x512xf32>
          %lt3A_258 = vector.broadcast %reshape3A_246 : vector<2048x1xf32> to vector<2048x512xf32>
          %lt3A_259 = arith.cmpf olt, %lt3A_257, %lt3A_258 : vector<2048x512xf32>
          %and3A = arith.andi %eq3A_256, %lt3A_259 : vector<2048x512xi1>
          %or3A = arith.ori %gt3A_253, %and3A : vector<2048x512xi1>
          %convert_element_type3A_260 = arith.extui %or3A : vector<2048x512xi1> to vector<2048x512xi32>
          %convert_element_type3A_261 = arith.sitofp %convert_element_type3A_260 : vector<2048x512xi32> to vector<2048x512xf32>
          %reduce_sum3A_262 = arith.constant dense<0.000000e+00> : vector<2048xf32>
          %reduce_sum3A_263 = vector.multi_reduction <add>, %convert_element_type3A_261, %reduce_sum3A_262 [1] : vector<2048x512xf32> to vector<2048xf32>
          %broadcast_in_dim3A_264 = vector.shape_cast %reduce_sum3A_263 : vector<2048xf32> to vector<2048x1xf32>
          %add3A_265 = arith.addf %broadcast_in_dim3A_248, %broadcast_in_dim3A_264 : vector<2048x1xf32>
          %slice3A_266 = vector.extract_strided_slice %slice3A_243 {offsets = [0, 512], sizes = [1, 512], strides = [1, 1]} : vector<1x2048xf32> to vector<1x512xf32>
          %slice3A_267 = vector.extract_strided_slice %slice3A_244 {offsets = [0, 512], sizes = [1, 512], strides = [1, 1]} : vector<1x2048xf32> to vector<1x512xf32>
          %gt3A_268 = vector.broadcast %slice3A_266 : vector<1x512xf32> to vector<2048x512xf32>
          %gt3A_269 = vector.broadcast %reshape3A_245 : vector<2048x1xf32> to vector<2048x512xf32>
          %gt3A_270 = arith.cmpf ogt, %gt3A_268, %gt3A_269 : vector<2048x512xf32>
          %eq3A_271 = vector.broadcast %slice3A_266 : vector<1x512xf32> to vector<2048x512xf32>
          %eq3A_272 = vector.broadcast %reshape3A_245 : vector<2048x1xf32> to vector<2048x512xf32>
          %eq3A_273 = arith.cmpf oeq, %eq3A_271, %eq3A_272 : vector<2048x512xf32>
          %lt3A_274 = vector.broadcast %slice3A_267 : vector<1x512xf32> to vector<2048x512xf32>
          %lt3A_275 = vector.broadcast %reshape3A_246 : vector<2048x1xf32> to vector<2048x512xf32>
          %lt3A_276 = arith.cmpf olt, %lt3A_274, %lt3A_275 : vector<2048x512xf32>
          %and3A_277 = arith.andi %eq3A_273, %lt3A_276 : vector<2048x512xi1>
          %or3A_278 = arith.ori %gt3A_270, %and3A_277 : vector<2048x512xi1>
          %convert_element_type3A_279 = arith.extui %or3A_278 : vector<2048x512xi1> to vector<2048x512xi32>
          %convert_element_type3A_280 = arith.sitofp %convert_element_type3A_279 : vector<2048x512xi32> to vector<2048x512xf32>
          %reduce_sum3A_281 = arith.constant dense<0.000000e+00> : vector<2048xf32>
          %reduce_sum3A_282 = vector.multi_reduction <add>, %convert_element_type3A_280, %reduce_sum3A_281 [1] : vector<2048x512xf32> to vector<2048xf32>
          %broadcast_in_dim3A_283 = vector.shape_cast %reduce_sum3A_282 : vector<2048xf32> to vector<2048x1xf32>
          %add3A_284 = arith.addf %add3A_265, %broadcast_in_dim3A_283 : vector<2048x1xf32>
          %slice3A_285 = vector.extract_strided_slice %slice3A_243 {offsets = [0, 1024], sizes = [1, 512], strides = [1, 1]} : vector<1x2048xf32> to vector<1x512xf32>
          %slice3A_286 = vector.extract_strided_slice %slice3A_244 {offsets = [0, 1024], sizes = [1, 512], strides = [1, 1]} : vector<1x2048xf32> to vector<1x512xf32>
          %gt3A_287 = vector.broadcast %slice3A_285 : vector<1x512xf32> to vector<2048x512xf32>
          %gt3A_288 = vector.broadcast %reshape3A_245 : vector<2048x1xf32> to vector<2048x512xf32>
          %gt3A_289 = arith.cmpf ogt, %gt3A_287, %gt3A_288 : vector<2048x512xf32>
          %eq3A_290 = vector.broadcast %slice3A_285 : vector<1x512xf32> to vector<2048x512xf32>
          %eq3A_291 = vector.broadcast %reshape3A_245 : vector<2048x1xf32> to vector<2048x512xf32>
          %eq3A_292 = arith.cmpf oeq, %eq3A_290, %eq3A_291 : vector<2048x512xf32>
          %lt3A_293 = vector.broadcast %slice3A_286 : vector<1x512xf32> to vector<2048x512xf32>
          %lt3A_294 = vector.broadcast %reshape3A_246 : vector<2048x1xf32> to vector<2048x512xf32>
          %lt3A_295 = arith.cmpf olt, %lt3A_293, %lt3A_294 : vector<2048x512xf32>
          %and3A_296 = arith.andi %eq3A_292, %lt3A_295 : vector<2048x512xi1>
          %or3A_297 = arith.ori %gt3A_289, %and3A_296 : vector<2048x512xi1>
          %convert_element_type3A_298 = arith.extui %or3A_297 : vector<2048x512xi1> to vector<2048x512xi32>
          %convert_element_type3A_299 = arith.sitofp %convert_element_type3A_298 : vector<2048x512xi32> to vector<2048x512xf32>
          %reduce_sum3A_300 = arith.constant dense<0.000000e+00> : vector<2048xf32>
          %reduce_sum3A_301 = vector.multi_reduction <add>, %convert_element_type3A_299, %reduce_sum3A_300 [1] : vector<2048x512xf32> to vector<2048xf32>
          %broadcast_in_dim3A_302 = vector.shape_cast %reduce_sum3A_301 : vector<2048xf32> to vector<2048x1xf32>
          %add3A_303 = arith.addf %add3A_284, %broadcast_in_dim3A_302 : vector<2048x1xf32>
          %slice3A_304 = vector.extract_strided_slice %slice3A_243 {offsets = [0, 1536], sizes = [1, 512], strides = [1, 1]} : vector<1x2048xf32> to vector<1x512xf32>
          %slice3A_305 = vector.extract_strided_slice %slice3A_244 {offsets = [0, 1536], sizes = [1, 512], strides = [1, 1]} : vector<1x2048xf32> to vector<1x512xf32>
          %gt3A_306 = vector.broadcast %slice3A_304 : vector<1x512xf32> to vector<2048x512xf32>
          %gt3A_307 = vector.broadcast %reshape3A_245 : vector<2048x1xf32> to vector<2048x512xf32>
          %gt3A_308 = arith.cmpf ogt, %gt3A_306, %gt3A_307 : vector<2048x512xf32>
          %eq3A_309 = vector.broadcast %slice3A_304 : vector<1x512xf32> to vector<2048x512xf32>
          %eq3A_310 = vector.broadcast %reshape3A_245 : vector<2048x1xf32> to vector<2048x512xf32>
          %eq3A_311 = arith.cmpf oeq, %eq3A_309, %eq3A_310 : vector<2048x512xf32>
          %lt3A_312 = vector.broadcast %slice3A_305 : vector<1x512xf32> to vector<2048x512xf32>
          %lt3A_313 = vector.broadcast %reshape3A_246 : vector<2048x1xf32> to vector<2048x512xf32>
          %lt3A_314 = arith.cmpf olt, %lt3A_312, %lt3A_313 : vector<2048x512xf32>
          %and3A_315 = arith.andi %eq3A_311, %lt3A_314 : vector<2048x512xi1>
          %or3A_316 = arith.ori %gt3A_308, %and3A_315 : vector<2048x512xi1>
          %convert_element_type3A_317 = arith.extui %or3A_316 : vector<2048x512xi1> to vector<2048x512xi32>
          %convert_element_type3A_318 = arith.sitofp %convert_element_type3A_317 : vector<2048x512xi32> to vector<2048x512xf32>
          %reduce_sum3A_319 = arith.constant dense<0.000000e+00> : vector<2048xf32>
          %reduce_sum3A_320 = vector.multi_reduction <add>, %convert_element_type3A_318, %reduce_sum3A_319 [1] : vector<2048x512xf32> to vector<2048xf32>
          %broadcast_in_dim3A_321 = vector.shape_cast %reduce_sum3A_320 : vector<2048xf32> to vector<2048x1xf32>
          %add3A_322 = arith.addf %add3A_303, %broadcast_in_dim3A_321 : vector<2048x1xf32>
          %iota3A_323 = tpu.iota {dimensions = array<i32: 1>} : vector<1x1024xi32>
          %convert_element_type3A_324 = arith.sitofp %iota3A_323 : vector<1x1024xi32> to vector<1x1024xf32>
          %eq3A_325 = vector.broadcast %add3A_322 : vector<2048x1xf32> to vector<2048x1024xf32>
          %eq3A_326 = vector.broadcast %convert_element_type3A_324 : vector<1x1024xf32> to vector<2048x1024xf32>
          %eq3A_327 = arith.cmpf oeq, %eq3A_325, %eq3A_326 : vector<2048x1024xf32>
          %convert_element_type3A_328 = arith.extui %eq3A_327 : vector<2048x1024xi1> to vector<2048x1024xi32>
          %convert_element_type3A_329 = arith.sitofp %convert_element_type3A_328 : vector<2048x1024xi32> to vector<2048x1024xf32>
          %dot_general3A_330 = arith.constant dense<0.000000e+00> : vector<8x1024xf32>
          %dot_general3A_331 = tpu.matmul %concatenate3A_242, %convert_element_type3A_329, %dot_general3A_330 {dimension_numbers = #tpu.dot_dimension_numbers<[1], [0], [0], [1], [0, 0, 1, 1], [], []>, transpose_lhs_hint = false} : vector<8x2048xf32>, vector<2048x1024xf32>, vector<8x1024xf32> -> vector<8x1024xf32>
          %swap3A_332 = arith.constant 0 : index
          %swap3A_333 = arith.constant 0 : index
          %swap3A_334 = vector.load %arg9[%swap3A_332, %swap3A_333] : memref<8x1024xf32, #tpu.memory_space<vmem>>, vector<8x1024xf32>
          tpu.vector_store %arg9[%swap3A_332, %swap3A_333], %dot_general3A_331 {strides = array<i32>} : memref<8x1024xf32, #tpu.memory_space<vmem>>, vector<8x1024xf32>,
        } else {
        }
      } else {
      }
    }
    %scan3A_10 = arith.constant 32 : i32
    %get3A = arith.constant 0 : index
    %get3A_11 = arith.constant 0 : index
    %get3A_12 = vector.load %arg9[%get3A, %get3A_11] : memref<8x1024xf32, #tpu.memory_space<vmem>>, vector<8x1024xf32>
    %lt3A = arith.constant 1000 : i32
    %lt3A_13 = vector.broadcast %lt3A : i32 to vector<1x1024xi32>
    %lt3A_14 = arith.cmpi slt, %iota3A, %lt3A_13 : vector<1x1024xi32>
    %slice3A = vector.extract_strided_slice %get3A_12 {offsets = [0, 0], sizes = [1, 1024], strides = [1, 1]} : vector<8x1024xf32> to vector<1x1024xf32>
    %jit3A = arith.constant 0.000000e+00 : f32
    %broadcast_in_dim3A_15 = vector.broadcast %jit3A : f32 to vector<1x1024xf32>
    %select_n3A = arith.select %lt3A_14, %slice3A, %broadcast_in_dim3A_15 : vector<1x1024xi1>, vector<1x1024xf32>
    %slice3A_16 = vector.extract_strided_slice %get3A_12 {offsets = [1, 0], sizes = [1, 1024], strides = [1, 1]} : vector<8x1024xf32> to vector<1x1024xf32>
    %slice3A_17 = vector.extract_strided_slice %get3A_12 {offsets = [2, 0], sizes = [1, 1024], strides = [1, 1]} : vector<8x1024xf32> to vector<1x1024xf32>
    %slice3A_18 = vector.extract_strided_slice %get3A_12 {offsets = [3, 0], sizes = [1, 1024], strides = [1, 1]} : vector<8x1024xf32> to vector<1x1024xf32>
    %slice3A_19 = vector.extract_strided_slice %get3A_12 {offsets = [4, 0], sizes = [1, 1024], strides = [1, 1]} : vector<8x1024xf32> to vector<1x1024xf32>
    %slice3A_20 = vector.extract_strided_slice %get3A_12 {offsets = [5, 0], sizes = [1, 1024], strides = [1, 1]} : vector<8x1024xf32> to vector<1x1024xf32>
    %mul3A = arith.constant 1.250000e-02 : f32
    %mul3A_21 = vector.broadcast %mul3A : f32 to vector<1x1024xf32>
    %mul3A_22 = arith.mulf %slice3A_16, %mul3A_21 : vector<1x1024xf32>
    %floor3A = math.floor %mul3A_22 : vector<1x1024xf32>
    %mul3A_23 = arith.constant 8.000000e+01 : f32
    %mul3A_24 = vector.broadcast %mul3A_23 : f32 to vector<1x1024xf32>
    %mul3A_25 = arith.mulf %floor3A, %mul3A_24 : vector<1x1024xf32>
    %sub3A = arith.subf %slice3A_16, %mul3A_25 : vector<1x1024xf32>
    %mul3A_26 = arith.constant 4.096000e+03 : f32
    %mul3A_27 = vector.broadcast %mul3A_26 : f32 to vector<1x1024xf32>
    %mul3A_28 = arith.mulf %sub3A, %mul3A_27 : vector<1x1024xf32>
    %add3A_29 = arith.addf %slice3A_17, %mul3A_28 : vector<1x1024xf32>
    %add3A_30 = arith.addf %slice3A_18, %mul3A_28 : vector<1x1024xf32>
    %add3A_31 = arith.addf %slice3A_19, %mul3A_28 : vector<1x1024xf32>
    %add3A_32 = arith.addf %slice3A_20, %mul3A_28 : vector<1x1024xf32>
    %reshape3A = vector.shape_cast %add3A_29 : vector<1x1024xf32> to vector<1024x1xf32>
    %reshape3A_33 = vector.shape_cast %add3A_30 : vector<1x1024xf32> to vector<1024x1xf32>
    %reshape3A_34 = vector.shape_cast %add3A_31 : vector<1x1024xf32> to vector<1024x1xf32>
    %reshape3A_35 = vector.shape_cast %add3A_32 : vector<1x1024xf32> to vector<1024x1xf32>
    %sub3A_36 = arith.subf %add3A_31, %add3A_29 : vector<1x1024xf32>
    %max3A = arith.constant 0.000000e+00 : f32
    %max3A_37 = vector.broadcast %max3A : f32 to vector<1x1024xf32>
    %max3A_38 = arith.maximumf %sub3A_36, %max3A_37 : vector<1x1024xf32>
    %sub3A_39 = arith.subf %add3A_32, %add3A_30 : vector<1x1024xf32>
    %max3A_40 = arith.constant 0.000000e+00 : f32
    %max3A_41 = vector.broadcast %max3A_40 : f32 to vector<1x1024xf32>
    %max3A_42 = arith.maximumf %sub3A_39, %max3A_41 : vector<1x1024xf32>
    %mul3A_43 = arith.mulf %max3A_38, %max3A_42 : vector<1x1024xf32>
    %sub3A_44 = arith.subf %reshape3A_34, %reshape3A : vector<1024x1xf32>
    %max3A_45 = arith.constant 0.000000e+00 : f32
    %max3A_46 = vector.broadcast %max3A_45 : f32 to vector<1024x1xf32>
    %max3A_47 = arith.maximumf %sub3A_44, %max3A_46 : vector<1024x1xf32>
    %sub3A_48 = arith.subf %reshape3A_35, %reshape3A_33 : vector<1024x1xf32>
    %max3A_49 = arith.constant 0.000000e+00 : f32
    %max3A_50 = vector.broadcast %max3A_49 : f32 to vector<1024x1xf32>
    %max3A_51 = arith.maximumf %sub3A_48, %max3A_50 : vector<1024x1xf32>
    %mul3A_52 = arith.mulf %max3A_47, %max3A_51 : vector<1024x1xf32>
    %max3A_53 = vector.broadcast %reshape3A : vector<1024x1xf32> to vector<1024x1024xf32>
    %max3A_54 = vector.broadcast %add3A_29 : vector<1x1024xf32> to vector<1024x1024xf32>
    %max3A_55 = arith.maximumf %max3A_53, %max3A_54 : vector<1024x1024xf32>
    %max3A_56 = vector.broadcast %reshape3A_33 : vector<1024x1xf32> to vector<1024x1024xf32>
    %max3A_57 = vector.broadcast %add3A_30 : vector<1x1024xf32> to vector<1024x1024xf32>
    %max3A_58 = arith.maximumf %max3A_56, %max3A_57 : vector<1024x1024xf32>
    %min3A = vector.broadcast %reshape3A_34 : vector<1024x1xf32> to vector<1024x1024xf32>
    %min3A_59 = vector.broadcast %add3A_31 : vector<1x1024xf32> to vector<1024x1024xf32>
    %min3A_60 = arith.minimumf %min3A, %min3A_59 : vector<1024x1024xf32>
    %min3A_61 = vector.broadcast %reshape3A_35 : vector<1024x1xf32> to vector<1024x1024xf32>
    %min3A_62 = vector.broadcast %add3A_32 : vector<1x1024xf32> to vector<1024x1024xf32>
    %min3A_63 = arith.minimumf %min3A_61, %min3A_62 : vector<1024x1024xf32>
    %sub3A_64 = arith.subf %min3A_60, %max3A_55 : vector<1024x1024xf32>
    %max3A_65 = arith.constant 0.000000e+00 : f32
    %max3A_66 = vector.broadcast %max3A_65 : f32 to vector<1024x1024xf32>
    %max3A_67 = arith.maximumf %sub3A_64, %max3A_66 : vector<1024x1024xf32>
    %sub3A_68 = arith.subf %min3A_63, %max3A_58 : vector<1024x1024xf32>
    %max3A_69 = arith.constant 0.000000e+00 : f32
    %max3A_70 = vector.broadcast %max3A_69 : f32 to vector<1024x1024xf32>
    %max3A_71 = arith.maximumf %sub3A_68, %max3A_70 : vector<1024x1024xf32>
    %mul3A_72 = arith.mulf %max3A_67, %max3A_71 : vector<1024x1024xf32>
    %add3A_73 = vector.broadcast %mul3A_52 : vector<1024x1xf32> to vector<1024x1024xf32>
    %add3A_74 = vector.broadcast %mul3A_43 : vector<1x1024xf32> to vector<1024x1024xf32>
    %add3A_75 = arith.addf %add3A_73, %add3A_74 : vector<1024x1024xf32>
    %sub3A_76 = arith.subf %add3A_75, %mul3A_72 : vector<1024x1024xf32>
    %add3A_77 = arith.constant 9.99999997E-7 : f32
    %add3A_78 = vector.broadcast %add3A_77 : f32 to vector<1024x1024xf32>
    %add3A_79 = arith.addf %sub3A_76, %add3A_78 : vector<1024x1024xf32>
    %div3A = arith.divf %mul3A_72, %add3A_79 : vector<1024x1024xf32>
    %swap3A_80 = arith.constant 0 : index
    %swap3A_81 = arith.constant 0 : index
    %swap3A_82 = vector.load %arg10[%swap3A_80, %swap3A_81] : memref<1024x1024xf32, #tpu.memory_space<vmem>>, vector<1024x1024xf32>
    tpu.vector_store %arg10[%swap3A_80, %swap3A_81], %div3A {strides = array<i32>} : memref<1024x1024xf32, #tpu.memory_space<vmem>>, vector<1024x1024xf32>,
    %gt3A = arith.constant 0.000000e+00 : f32
    %gt3A_83 = vector.broadcast %gt3A : f32 to vector<1x1024xf32>
    %gt3A_84 = arith.cmpf ogt, %select_n3A, %gt3A_83 : vector<1x1024xf32>
    %jit3A_85 = arith.constant 1 : i32
    %jit3A_86 = arith.constant 0 : i32
    %broadcast_in_dim3A_87 = vector.broadcast %jit3A_85 : i32 to vector<1x1024xi32>
    %broadcast_in_dim3A_88 = vector.broadcast %jit3A_86 : i32 to vector<1x1024xi32>
    %select_n3A_89 = arith.select %gt3A_84, %broadcast_in_dim3A_87, %broadcast_in_dim3A_88 : vector<1x1024xi1>, vector<1x1024xi32>
    %reduce_sum3A = vector.shape_cast %select_n3A_89 : vector<1x1024xi32> to vector<1x1x1024xi32>
    %reduce_sum3A_90 = arith.constant dense<0> : vector<1xi32>
    %reduce_sum3A_91 = vector.multi_reduction <add>, %reduce_sum3A, %reduce_sum3A_90 [1, 2] : vector<1x1x1024xi32> to vector<1xi32>
    %reduce_sum3A_92 = vector.shape_cast %reduce_sum3A_91 : vector<1xi32> to vector<1x1x1xi32>
    %reduce_sum3A_93 = vector.extract %reduce_sum3A_92[0, 0, 0] : i32 from vector<1x1x1xi32>
    %gt3A_94 = arith.constant 0.000000e+00 : f32
    %gt3A_95 = vector.broadcast %gt3A_94 : f32 to vector<1x1024xf32>
    %gt3A_96 = arith.cmpf ogt, %select_n3A, %gt3A_95 : vector<1x1024xf32>
    %jit3A_97 = arith.constant 1.000000e+00 : f32
    %jit3A_98 = arith.constant 0.000000e+00 : f32
    %broadcast_in_dim3A_99 = vector.broadcast %jit3A_97 : f32 to vector<1x1024xf32>
    %broadcast_in_dim3A_100 = vector.broadcast %jit3A_98 : f32 to vector<1x1024xf32>
    %select_n3A_101 = arith.select %gt3A_96, %broadcast_in_dim3A_99, %broadcast_in_dim3A_100 : vector<1x1024xi1>, vector<1x1024xf32>
    %while3A = arith.constant 0 : i32
    %while3A_102 = arith.subi %reduce_sum3A_93, %while3A : i32
    %while3A_103 = arith.addi %while3A, %while3A_102 : i32
    %while3A_104 = arith.constant 1 : i32
    %while3A_105 = arith.divsi %while3A_102, %while3A_104 : i32
    %while3A_106 = arith.muli %while3A_105, %while3A_104 : i32
    %while3A_107 = arith.addi %while3A, %while3A_106 : i32
    %while3A_108 = arith.constant 1 : i32
    %while3A_109 = scf.for %while3A_149 = %while3A to %while3A_107 step %while3A_108 iter_args(%while3A_150 = %select_n3A_101) -> (vector<1x1024xf32>)  : i32 {
      %get3A_151 = arith.index_cast %while3A_149 : i32 to index
      %get3A_152 = arith.constant 0 : index
      %get3A_153 = vector.load %arg10[%get3A_151, %get3A_152] : memref<1024x1024xf32, #tpu.memory_space<vmem>>, vector<1x1024xf32>
      %eq3A_154 = vector.broadcast %while3A_149 : i32 to vector<1x1024xi32>
      %eq3A_155 = arith.cmpi eq, %iota3A, %eq3A_154 : vector<1x1024xi32>
      %jit3A_156 = arith.constant 0.000000e+00 : f32
      %broadcast_in_dim3A_157 = vector.broadcast %jit3A_156 : f32 to vector<1x1024xf32>
      %select_n3A_158 = arith.select %eq3A_155, %while3A_150, %broadcast_in_dim3A_157 : vector<1x1024xi1>, vector<1x1024xf32>
      %reduce_sum3A_159 = vector.shape_cast %select_n3A_158 : vector<1x1024xf32> to vector<1x1x1024xf32>
      %reduce_sum3A_160 = arith.constant dense<0.000000e+00> : vector<1xf32>
      %reduce_sum3A_161 = vector.multi_reduction <add>, %reduce_sum3A_159, %reduce_sum3A_160 [1, 2] : vector<1x1x1024xf32> to vector<1xf32>
      %reduce_sum3A_162 = vector.shape_cast %reduce_sum3A_161 : vector<1xf32> to vector<1x1x1xf32>
      %reduce_sum3A_163 = vector.extract %reduce_sum3A_162[0, 0, 0] : f32 from vector<1x1x1xf32>
      %gt3A_164 = arith.constant 5.000000e-01 : f32
      %gt3A_165 = vector.broadcast %gt3A_164 : f32 to vector<1x1024xf32>
      %gt3A_166 = arith.cmpf ogt, %get3A_153, %gt3A_165 : vector<1x1024xf32>
      %gt3A_167 = vector.broadcast %while3A_149 : i32 to vector<1x1024xi32>
      %gt3A_168 = arith.cmpi sgt, %iota3A, %gt3A_167 : vector<1x1024xi32>
      %and3A = arith.andi %gt3A_166, %gt3A_168 : vector<1x1024xi1>
      %gt3A_169 = arith.constant 0.000000e+00 : f32
      %gt3A_170 = arith.cmpf ogt, %reduce_sum3A_163, %gt3A_169 : f32
      %and3A_171 = vector.broadcast %gt3A_170 : i1 to vector<1x1024xi1>
      %and3A_172 = arith.andi %and3A, %and3A_171 : vector<1x1024xi1>
      %jit3A_173 = arith.constant 0.000000e+00 : f32
      %broadcast_in_dim3A_174 = vector.broadcast %jit3A_173 : f32 to vector<1x1024xf32>
      %select_n3A_175 = arith.select %and3A_172, %broadcast_in_dim3A_174, %while3A_150 : vector<1x1024xi1>, vector<1x1024xf32>
      scf.yield %select_n3A_175 : vector<1x1024xf32>
    }
    %while3A_110 = arith.constant 1 : i32
    %while3A_111 = scf.for %while3A_149 = %while3A_107 to %while3A_103 step %while3A_110 iter_args(%while3A_150 = %while3A_109) -> (vector<1x1024xf32>)  : i32 {
      %get3A_151 = arith.index_cast %while3A_149 : i32 to index
      %get3A_152 = arith.constant 0 : index
      %get3A_153 = vector.load %arg10[%get3A_151, %get3A_152] : memref<1024x1024xf32, #tpu.memory_space<vmem>>, vector<1x1024xf32>
      %eq3A_154 = vector.broadcast %while3A_149 : i32 to vector<1x1024xi32>
      %eq3A_155 = arith.cmpi eq, %iota3A, %eq3A_154 : vector<1x1024xi32>
      %jit3A_156 = arith.constant 0.000000e+00 : f32
      %broadcast_in_dim3A_157 = vector.broadcast %jit3A_156 : f32 to vector<1x1024xf32>
      %select_n3A_158 = arith.select %eq3A_155, %while3A_150, %broadcast_in_dim3A_157 : vector<1x1024xi1>, vector<1x1024xf32>
      %reduce_sum3A_159 = vector.shape_cast %select_n3A_158 : vector<1x1024xf32> to vector<1x1x1024xf32>
      %reduce_sum3A_160 = arith.constant dense<0.000000e+00> : vector<1xf32>
      %reduce_sum3A_161 = vector.multi_reduction <add>, %reduce_sum3A_159, %reduce_sum3A_160 [1, 2] : vector<1x1x1024xf32> to vector<1xf32>
      %reduce_sum3A_162 = vector.shape_cast %reduce_sum3A_161 : vector<1xf32> to vector<1x1x1xf32>
      %reduce_sum3A_163 = vector.extract %reduce_sum3A_162[0, 0, 0] : f32 from vector<1x1x1xf32>
      %gt3A_164 = arith.constant 5.000000e-01 : f32
      %gt3A_165 = vector.broadcast %gt3A_164 : f32 to vector<1x1024xf32>
      %gt3A_166 = arith.cmpf ogt, %get3A_153, %gt3A_165 : vector<1x1024xf32>
      %gt3A_167 = vector.broadcast %while3A_149 : i32 to vector<1x1024xi32>
      %gt3A_168 = arith.cmpi sgt, %iota3A, %gt3A_167 : vector<1x1024xi32>
      %and3A = arith.andi %gt3A_166, %gt3A_168 : vector<1x1024xi1>
      %gt3A_169 = arith.constant 0.000000e+00 : f32
      %gt3A_170 = arith.cmpf ogt, %reduce_sum3A_163, %gt3A_169 : f32
      %and3A_171 = vector.broadcast %gt3A_170 : i1 to vector<1x1024xi1>
      %and3A_172 = arith.andi %and3A, %and3A_171 : vector<1x1024xi1>
      %jit3A_173 = arith.constant 0.000000e+00 : f32
      %broadcast_in_dim3A_174 = vector.broadcast %jit3A_173 : f32 to vector<1x1024xf32>
      %select_n3A_175 = arith.select %and3A_172, %broadcast_in_dim3A_174, %while3A_150 : vector<1x1024xi1>, vector<1x1024xf32>
      scf.yield %select_n3A_175 : vector<1x1024xf32>
    }
    %iota3A_112 = tpu.iota {dimensions = array<i32: 0>} : vector<1024x1024xi32>
    %iota3A_113 = tpu.iota {dimensions = array<i32: 1>} : vector<1024x1024xi32>
    %lt3A_114 = arith.cmpi slt, %iota3A_113, %iota3A_112 : vector<1024x1024xi32>
    %jit3A_115 = arith.constant 0.000000e+00 : f32
    %broadcast_in_dim3A_116 = vector.shape_cast %while3A_111 : vector<1x1024xf32> to vector<1x1024xf32>
    %broadcast_in_dim3A_117 = vector.broadcast %broadcast_in_dim3A_116 : vector<1x1024xf32> to vector<1024x1024xf32>
    %broadcast_in_dim3A_118 = vector.broadcast %jit3A_115 : f32 to vector<1024x1024xf32>
    %select_n3A_119 = arith.select %lt3A_114, %broadcast_in_dim3A_117, %broadcast_in_dim3A_118 : vector<1024x1024xi1>, vector<1024x1024xf32>
    %reduce_sum3A_120 = arith.constant dense<0.000000e+00> : vector<1024xf32>
    %reduce_sum3A_121 = vector.multi_reduction <add>, %select_n3A_119, %reduce_sum3A_120 [1] : vector<1024x1024xf32> to vector<1024xf32>
    %broadcast_in_dim3A_122 = vector.shape_cast %reduce_sum3A_121 : vector<1024xf32> to vector<1024x1xf32>
    %iota3A_123 = tpu.iota {dimensions = array<i32: 1>} : vector<1x128xi32>
    %convert_element_type3A_124 = arith.sitofp %iota3A_123 : vector<1x128xi32> to vector<1x128xf32>
    %eq3A = vector.broadcast %broadcast_in_dim3A_122 : vector<1024x1xf32> to vector<1024x128xf32>
    %eq3A_125 = vector.broadcast %convert_element_type3A_124 : vector<1x128xf32> to vector<1024x128xf32>
    %eq3A_126 = arith.cmpf oeq, %eq3A, %eq3A_125 : vector<1024x128xf32>
    %convert_element_type3A_127 = arith.extui %eq3A_126 : vector<1024x128xi1> to vector<1024x128xi32>
    %convert_element_type3A_128 = arith.sitofp %convert_element_type3A_127 : vector<1024x128xi32> to vector<1024x128xf32>
    %broadcast_in_dim3A_129 = arith.constant 0.000000e+00 : f32
    %broadcast_in_dim3A_130 = vector.broadcast %broadcast_in_dim3A_129 : f32 to vector<2x1024xf32>
    %concatenate3A_131 = tpu.concatenate %select_n3A, %sub3A, %slice3A_17, %slice3A_18, %slice3A_19, %slice3A_20, %broadcast_in_dim3A_130 in 0 : vector<1x1024xf32>, vector<1x1024xf32>, vector<1x1024xf32>, vector<1x1024xf32>, vector<1x1024xf32>, vector<1x1024xf32>, vector<2x1024xf32> -> vector<8x1024xf32>
    %mul3A_132 = vector.broadcast %while3A_111 : vector<1x1024xf32> to vector<8x1024xf32>
    %mul3A_133 = arith.mulf %concatenate3A_131, %mul3A_132 : vector<8x1024xf32>
    %dot_general3A = arith.constant dense<0.000000e+00> : vector<8x128xf32>
    %dot_general3A_134 = tpu.matmul %mul3A_133, %convert_element_type3A_128, %dot_general3A {dimension_numbers = #tpu.dot_dimension_numbers<[1], [0], [0], [1], [0, 0, 1, 1], [], []>, transpose_lhs_hint = false} : vector<8x1024xf32>, vector<1024x128xf32>, vector<8x128xf32> -> vector<8x128xf32>
    %swap3A_135 = arith.constant 0 : index
    %swap3A_136 = arith.constant 0 : index
    %swap3A_137 = vector.load %arg7[%swap3A_135, %swap3A_136] : memref<8x128xf32, #tpu.memory_space<vmem>>, vector<8x128xf32>
    tpu.vector_store %arg7[%swap3A_135, %swap3A_136], %dot_general3A_134 {strides = array<i32>} : memref<8x128xf32, #tpu.memory_space<vmem>>, vector<8x128xf32>,
    %reduce_sum3A_138 = vector.shape_cast %while3A_111 : vector<1x1024xf32> to vector<1x1x1024xf32>
    %reduce_sum3A_139 = arith.constant dense<0.000000e+00> : vector<1xf32>
    %reduce_sum3A_140 = vector.multi_reduction <add>, %reduce_sum3A_138, %reduce_sum3A_139 [1, 2] : vector<1x1x1024xf32> to vector<1xf32>
    %reduce_sum3A_141 = vector.shape_cast %reduce_sum3A_140 : vector<1xf32> to vector<1x1x1xf32>
    %reduce_sum3A_142 = vector.extract %reduce_sum3A_141[0, 0, 0] : f32 from vector<1x1x1xf32>
    %convert_element_type3A_143 = arith.fptosi %reduce_sum3A_142 : f32 to i32
    %min3A_144 = arith.constant 100 : i32
    %min3A_145 = arith.minsi %convert_element_type3A_143, %min3A_144 : i32
    %swap3A_146 = arith.constant 0 : index
    %swap3A_147 = arith.constant 0 : index
    %swap3A_148 = memref.load %arg8[%swap3A_146, %swap3A_147] : memref<1x1xi32, #tpu.memory_space<smem>>
    memref.store %min3A_145, %arg8[%swap3A_146, %swap3A_147] : memref<1x1xi32, #tpu.memory_space<smem>>
    return
  }
}

</mosaic_0001>

<sc_bundles>
// kernel: kernel.5.cloned.1.call-start
scs
__scs_entry_jumppad:
0x0: {  	(pc) =	sbr.rel $0x88, $3  }
0x1: {  	(tag) =	ssettag $0x0;
	lr =	simm.s32 $0x1  }
0x2: {  	[smem:$0x3F9B] =	sst lr;
	_ =	strace $0xD0000000  }
0x3: {  	_ = 	snop  }
0x4: {  	_ = 	snop  }
0x5: {  	_ = 	snop  }
0x6: {  	_ = 	snop  }
0x7: {  	_ = 	snop  }
__scs_overlays_trampoline_lowered:
0x8: {  	[smem:$0x3FAA] =	sst s0  }
0x9: {  	[smem:$0x3FAB] =	sst s1  }
0xa: {  	[smem:$0x3FAC] =	sst s2  }
0xb: {  	[smem:$0x3FAD] =	sst s3  }
0xc: {  	[smem:$0x3FAE] =	sst s4  }
0xd: {  	[smem:$0x3FAF] =	sst s5  }
0xe: {  	[smem:$0x3FB0] =	sst s6  }
0xf: {  	[smem:$0x3FB1] =	sst s7  }
0x10: {  	[smem:$0x3FB2] =	sst s8  }
0x11: {  	[smem:$0x3FB3] =	sst s9;
	s0 =	simm.s32 @!p0 $0x0  }
0x12: {  	s1 =	sld [smem:$0x3F99];
	s0 =	simm.s32 @p0 $0x1  }
0x13: {  	[smem:$0x3FB4] =	sst s0;
	s0 =	simm.s32 @!p1 $0x0  }
0x14: {  	s2 =	sld [smem:$0x3F98];
	s0 =	simm.s32 @p1 $0x1  }
0x15: {  	[smem:$0x3FB5] =	sst s0;
	s0 =	simm.s32 @!p2 $0x0  }
0x16: {  	s3 =	sld [smem:$0x3FDB];
	s0 =	simm.s32 @p2 $0x1  }
0x17: {  	s4 =	simm.s32 $0x1BF5;
	[smem:$0x3FB7] =	sst s0  }
0x18: {  	s0 =	sld [smem:$0x3F9A];
	_ =	swait.ge [sflag:s4], $0x0  }
0x19: {  	s7 =	sld [smem:$0x3F9B]  }
0x1a: {  	s8 =	sadd.s32 $0xFFFFE003, lr  }
0x1b: {  	s9 =	sadd.s32 $0xFFFFFEF7, lr;
	s5 =	simm.s32 $0xFFFFFFFF;
	p2 =	slt.u32 s8, $0xFFFFF086  }
0x1c: {  	p1 =	slt.u32 s9, $0xF7A;
	s5 =	simm.s32 @!p2 $0x0  }
0x1d: {  	s5 =	simm.s32 @p1 $0x1;
	p0 =	seq.s32 s7, s2  }
0x1e: {  	s7 =	smul.u32 @!p0 $0xF7A, s2;
	p2 =	seq.s32 @!p0 s5, $0x0  }
0x1f: {  	s9 =	smul.u32 $0xF7A, s1;
	s8 =	simm.s32 @!p0 $0x1BF5;
	p2 =	por !p2, p0  }
0x20: {  	[sflag:s8] =	ssyncset.s32 @!p0 $0xFFFFF086;
	s6 =	sadd.s32 @!p0 s3, s7;
	s7 =	simm.s32 @!p0 $0x108  }
0x21: {  	s3 =	sadd.s32 s3, s9;
	s6 =	sadd.s32 @!p0 $0x88, s6;
	s7 =	simm.s32 @p2 $0x1082  }
0x22: {  	[simem:s7], [sflag:s8] =	dma.local @!p0 [hbm:s6], $0xF7A  }
0x23: {  	s9 =	sor.u32 $0xD0000000, s2;
	s6 =	simm.s32 $0x108;
	_ =	swait.ge @!p0 [sflag:s8], $0x0  }
0x24: {  	s3 =	sadd.s32 $0x88, s3;
	s6 =	simm.s32 @!p1 $0x1082;
	[sflag:s4] =	ssyncset.s32 $0xFFFFF086  }
0x25: {  	[simem:s6], [sflag:s4] =	dma.local [hbm:s3], $0xF7A  }
0x26: {  	[smem:$0x3F9B] =	sst s1;
	(tag) =	ssettag s2;
	_ =	strace s9  }
0x27: {  	s1 =	sld [smem:$0x3FAB]  }
0x28: {  	s2 =	sld [smem:$0x3FAC]  }
0x29: {  	s4 =	sld [smem:$0x3FAE]  }
0x2a: {  	p0 =	seq.s32 s5, $0x0;
	s5 =	sld [smem:$0x3FAF]  }
0x2b: {  	s6 =	sld [smem:$0x3FB0]  }
0x2c: {  	s7 =	sld [smem:$0x3FB1]  }
0x2d: {  	s3 =	simm.s32 $0x108;
	s8 =	sld [smem:$0x3FB2]  }
0x2e: {  	s3 =	simm.s32 @!p0 $0x1082;
	s9 =	sld [smem:$0x3FB3]  }
0x2f: {  	lr =	sadd.s32 s0, s3;
	s0 =	sld [smem:$0x3FAA]  }
0x30: {  	s3 =	sld [smem:$0x3FAD]  }
0x31: {  	[smem:$0x3FB6] =	sst s10  }
0x32: {  	s10 =	sld [smem:$0x3FB4];
	_ =	sdelay $0x3  }
0x33: {  	p0 =	seq.s32 s10, $0x1;
	s10 =	sld [smem:$0x3FB6];
	_ =	sdelay $0x3  }
0x34: {  	[smem:$0x3FB6] =	sst s10  }
0x35: {  	s10 =	sld [smem:$0x3FB5];
	_ =	sdelay $0x3  }
0x36: {  	p1 =	seq.s32 s10, $0x1;
	s10 =	sld [smem:$0x3FB6];
	_ =	sdelay $0x3  }
0x37: {  	[smem:$0x3FB6] =	sst s10  }
0x38: {  	s10 =	sld [smem:$0x3FB7]  }
0x39: {  	_ = 	snop;
	(pc) =	sbr.ind lr, $3  }
0x3a: {  	_ = 	snop  }
0x3b: {  	_ = 	snop  }
0x3c: {  	p2 =	seq.s32 s10, $0x1;
	s10 =	sld [smem:$0x3FB6]  }
0x3d: {  	_ =	shalt  }
0x3e: {  	_ =	shalt  }
0x3f: {  	_ =	shalt  }
0x40: {  	_ =	shalt  }
0x41: {  	_ =	shalt  }
0x42: {  	_ =	shalt  }
0x43: {  	_ =	shalt  }
0x44: {  	_ =	shalt  }
0x45: {  	_ =	shalt  }
0x46: {  	_ =	shalt  }
0x47: {  	_ =	shalt  }
0x48: {  	_ =	shalt  }
0x49: {  	_ =	shalt  }
0x4a: {  	_ =	shalt  }
0x4b: {  	_ =	shalt  }
0x4c: {  	_ =	shalt  }
0x4d: {  	_ =	shalt  }
0x4e: {  	_ =	shalt  }
0x4f: {  	_ =	shalt  }
0x50: {  	_ =	shalt  }
0x51: {  	_ =	shalt  }
0x52: {  	_ =	shalt  }
0x53: {  	_ =	shalt  }
0x54: {  	_ =	shalt  }
0x55: {  	_ =	shalt  }
0x56: {  	_ =	shalt  }
0x57: {  	_ =	shalt  }
0x58: {  	_ =	shalt  }
0x59: {  	_ =	shalt  }
0x5a: {  	_ =	shalt  }
0x5b: {  	_ =	shalt  }
0x5c: {  	_ =	shalt  }
0x5d: {  	_ =	shalt  }
0x5e: {  	_ =	shalt  }
0x5f: {  	_ =	shalt  }
0x60: {  	_ =	shalt  }
0x61: {  	_ =	shalt  }
0x62: {  	_ =	shalt  }
0x63: {  	_ =	shalt  }
0x64: {  	_ =	shalt  }
0x65: {  	_ =	shalt  }
0x66: {  	_ =	shalt  }
0x67: {  	_ =	shalt  }
0x68: {  	_ =	shalt  }
0x69: {  	_ =	shalt  }
0x6a: {  	_ =	shalt  }
0x6b: {  	_ =	shalt  }
0x6c: {  	_ =	shalt  }
0x6d: {  	_ =	shalt  }
0x6e: {  	_ =	shalt  }
0x6f: {  	_ =	shalt  }
0x70: {  	_ =	shalt  }
0x71: {  	_ =	shalt  }
0x72: {  	_ =	shalt  }
0x73: {  	_ =	shalt  }
0x74: {  	_ =	shalt  }
0x75: {  	_ =	shalt  }
0x76: {  	_ =	shalt  }
0x77: {  	_ =	shalt  }
0x78: {  	_ =	shalt  }
0x79: {  	_ =	shalt  }
0x7a: {  	_ =	shalt  }
0x7b: {  	_ =	shalt  }
0x7c: {  	_ =	shalt  }
0x7d: {  	_ =	shalt  }
0x7e: {  	_ =	shalt  }
0x7f: {  	_ =	shalt  }
0x80: {  	_ =	shalt  }
0x81: {  	_ =	shalt  }
0x82: {  	_ =	shalt  }
0x83: {  	_ =	shalt  }
0x84: {  	_ =	shalt  }
0x85: {  	_ =	shalt  }
0x86: {  	_ =	shalt  }
0x87: {  	_ =	shalt  }
.Lfunc_end0:
.L_simem_size_0:
called_computation_lowered:
.L_overlay_start_0:
0x88: {  	s2 =	sld [smem:$0x3FD9]  }
0x89: {  	s3 =	sld [smem:$0x3FFE];
	_ =	sdelay $0x1  }
0x8a: {  	s1 =	srdreg.scid  }
0x8b: {  	s0 =	sand.u32 $0x1, s1  }
0x8c: {  	s14 =	sshll.u32 s0, $0xA;
	s2 =	sadd.s32 s3, s2  }
0x8d: {  	s2 =	sadd.s32 s2, s14  }
0x8e: {  	[smem:$0x3FC2] =	sst s2  }
0x8f: {  	_ = 	snop  }
0x90: {  	s2 =	sld [smem:$0x3FD0];
	_ =	sdelay $0x2  }
0x91: {  	s15 =	simm.s32 $0xA;
	s4 =	simm.s32 $0x10  }
0x92: {  	[smem:s4], [sflag:s15] =	dma.local [hbm:s2], $0x1  }
0x93: {  	_ =	swait.eq [sflag:s15], $0x1  }
0x94: {  	[sflag:s15] =	ssyncset.done $0x0  }
0x95: {  	[sflag:s15] =	ssyncadd.s32 $0xFFFFFFFF  }
0x96: {  	s16 =	sld [smem:$0x11];
	(tm) =	ssettm $0x1  }
0x97: {  	s17 =	sld [smem:$0x3FFB];
	_ =	sdelay $0x3  }
0x98: {  	_ =	strace s17  }
0x99: {  	s3 =	sld [smem:$0x3FFC];
	_ =	sdelay $0x3  }
0x9a: {  	_ =	strace s3  }
0x9b: {  	s3 =	sld [smem:$0x3FFD];
	_ =	sdelay $0x3  }
0x9c: {  	_ =	strace s3  }
0x9d: {  	_ =	strace $0x8FFFFFFF  }
0x9e: {  	s18 =	sld [smem:$0x3FDB];
	_ =	sdelay $0x1  }
0x9f: {  	s19 =	simm.s32 $_scs_section_size  }
0xa0: {  	s5 =	simm.s32 $_size__tile_overlayer_lowered;
	s6 =	simm.s32 $_tile_overlayer_lowered  }
0xa1: {  	s22 =	simm.s32 $0x1BFF;
	s21 =	sshll.u32 s6, $0x1;
	s3 =	sadd.s32 s19, s18  }
0xa2: {  	s7 =	simm.s32 $0x0;
	s20 =	sshll.u32 s5, $0x1;
	s5 =	sadd.s32 s21, s3  }
0xa3: {  	[timem:s7], [sflag:s22] =	dma.local [hbm:s5], s20  }
0xa4: {  	_ =	swait.ge [sflag:s22], s20  }
0xa5: {  	s4 =	ssub.s32 $0x0, s20;
	[sflag:s22] =	ssyncset.done $0x0  }
0xa6: {  	[sflag:s22] =	ssyncadd.s32 s4;
	_ =	sdelay $0x1  }
0xa7: {  	s23 =	simm.s32 $0x1B8B  }
0xa8: {  	_ =	swait.ge [sflag:s23], $0x1  }
0xa9: {  	[sflag:s23] =	ssyncset.done $0x0  }
0xaa: {  	s25 =	simm.s32 $0x1B8E;
	s24 =	sld [smem:$0x3FFE];
	[sflag:s23] =	ssyncadd.s32 $0xFFFFFFFF  }
0xab: {  	s26 =	simm.s32 $execute0_lowered;
	[smem:$0x3FD2] =	sst s25  }
0xac: {  	s5 =	sshll.u32 s26, $0x1;
	_ =	strace $0x80000046;
	[dreg:$0x1] =	wrdreg $0xFFFFFFFF  }
0xad: {  	s28 =	simm.s32 $_size_execute0_lowered;
	s3 =	sadd.s32 s3, s5;
	[dreg:$0x0] =	wrdreg $0x0  }
0xae: {  	s5 =	sshll.u32 s28, $0x1;
	[dreg:$0x2] =	wrdreg s3  }
0xaf: {  	[dreg:$0x3] =	wrdreg s5  }
0xb0: {  	[dreg:$0x4] =	wrdreg $0xC0  }
0xb1: {  	_ =	task [dreg:s7], $0x5FFFF  }
0xb2: {  	[dreg:$0x1] =	wrdreg $0xFFFFFFFF  }
0xb3: {  	[dreg:$0x0] =	wrdreg $0x60  }
0xb4: {  	[dreg:$0x2] =	wrdreg s24  }
0xb5: {  	[dreg:$0x3] =	wrdreg s16  }
0xb6: {  	[dreg:$0x4] =	wrdreg $0x9  }
0xb7: {  	_ =	task.clear_ibuf [dreg:s7], $0x5FFFF;
	_ =	strace $0x90000046  }
0xb8: {  	s29 =	simm.s32 $0x9;
	_ =	strace $0x80000048  }
0xb9: {  	_ =	swait.ge [sflag:s29], $0x1  }
0xba: {  	[sflag:s29] =	ssyncadd.s32 $0xFFFFFFFF  }
0xbb: {  	_ =	strace $0x90000048  }
0xbc: {  	_ =	sfence  }
0xbd: {  	s30 =	sld [smem:$0x0];
	_ =	sdelay $0x2  }
0xbe: {  	s31 =	sshll.u32 s1, $0xD;
	s1 =	sshrl.u32 s1, $0x2  }
0xbf: {  	s3 =	sand.u32 $0x4000, s31;
	s1 =	sadd.s32 s1, s30  }
0xc0: {  	s0 =	sor.u32 s3, s0;
	s1 =	sshll.u32 s1, $0x11  }
0xc1: {  	s0 =	sor.u32 s1, s0  }
0xc2: {  	s0 =	sadd.s32 $0x8F2B, s0  }
0xc3: {  	[sflag:s0] =	ssyncadd.remote.s32 $0x1  }
0xc4: {  	_ =	sfence.sel $0xFFFF  }
0xc5: {  	[dreg:$0x0] =	wrdreg $0xFFFFFFFF;
	(pc) =	sbr.abs _section_cstart, $3  }
0xc6: {  	[dreg:$0x1] =	wrdreg $0xFFFFFFFF  }
0xc7: {  	_ =	task.clear_ibuf [dreg:s7], $0x2FFFF;
	_ =	strace $0x9FFFFFFF  }
0xc8: {  	(tm) =	ssettm $0x7FFFFFFF  }
0xc9: {  	_ =	shalt  }
tec
execute0_lowered:
.L_overlay_start_1:
0x0: {  	(tag) =	ssettag $0x1  }
0x1: {  	s0 =	srdreg.scid;
	s3 =	rddreg [dreg:$0x0]  }
0x2: {  	s9 =	stileid.u32;
	s4 =	rddreg [dreg:$0x1]  }
0x3: {  	s17 =	simm.s32 $0x1;
	s22 =	simm.s32 $0x19000;
	s28 =	simm.s32 $0x1CC00  }
0x4: {  	s30 =	simm.s32 $0x80;
	s31 =	simm.s32 $0x400;
	s0 =	sand.u32 $0x1, s0  }
0x5: {  	v0 =	vimm.s32 $0xEDCBA987;
	s1 =	sshll.u32 s9, $0x1;
	s2 =	sshrl.u32 s9, $0x2;
	s29 =	smul.u32 $0x6400, s9  }
0x6: {  	v1 =	vimm.s32 $0x65432100;
	v3 =	vimm.s32 $0xDCBA9876;
	s1 =	sor.u32 s0, s1;
	s5 =	smul.u32 $0x6000, s2;
	s2 =	simm.s32 $0x0  }
0x7: {  	v2 =	vimm.s32 $0x54321000;
	v4 =	vimm.s32 $0xBA987654;
	v5 =	vimm.s32 $0x32100000;
	s23 =	ssub.s32 $0x2, s0;
	s0 =	smul.u32 $0x3200, s0;
	s6 =	sshll.u32 s1, $0x7  }
0x8: {  	v6 =	vimm.s32 $0xE40000;
	vm0 =	vmmov $0x3;
	vm1 =	vmmov $0xf;
	[smem:$0x7FF] =	sst s2;
	s7 =	smul.u32 $0xA00, s1;
	s24 =	sshrl.u32 s23, $0x1  }
0x9: {  	v0 =	vunpack.c.l.s4.s8 v0;
	v1 =	vunpack.c.l.s4.s8 v1;
	v3 =	vunpack.c.l.s4.s8 v3;
	s1 =	sshll.u32 s1, $0x1;
	s6 =	sand.u32 $0x380, s6;
	_ =	strace $0x80000047  }
0xa: {  	v2 =	vunpack.c.l.s4.s8 v2;
	v4 =	vunpack.c.l.s4.s8 v4;
	v5 =	vunpack.c.l.s4.s8 v5;
	s15 =	ssub.s32 s23, s24;
	s8 =	sadd.s32 s4, s1;
	s16 =	sadd.s32 s0, s29  }
0xb: {  	v6 =	vunpack.c.l.s2.s4 v6;
	v0 =	vunpack.c.0.s8.s32 v0;
	v3 =	vunpack.c.0.s8.s32 v3;
	s23 =	simm.s32 $0x19C00;
	s24 =	simm.s32 $0x1A800;
	s1 =	simm.s32 $0x0  }
0xc: {  	v1 =	vunpack.c.0.s8.s32 v1;
	v2 =	vunpack.c.0.s8.s32 v2;
	v4 =	vunpack.c.0.s8.s32 v4;
	s5 =	sor.u32 s5, s6;
	s7 =	sadd.s32 s7, s3;
	s15 =	smax.u32 s15, $0x1  }
0xd: {  	v5 =	vunpack.c.0.s8.s32 v5;
	v6 =	vunpack.c.l.s4.s8 v6;
	v3 =	vand.u32 $0xF, v3;
	s5 =	sshrl.u32 s5, $0x3;
	s25 =	sadd.s32 $0x2800, s7;
	s26 =	sadd.s32 $0x16800, s7  }
.Ltmp0:
0xe: {  	v0 =	vand.u32 $0xF, v0;
	s6 =	sadd.s32 $0x3E800, s7;
	v2 =	vcombine.low v2, v3;
	v3 =	vand.u32 $0xF, v4;
	[dreg:$0x3] =	wrdreg s25;
	(pc) =	sbr.rel .LBB2_1-.Ltmp0, $4  }
0xf: {  	v6 =	vunpack.c.0.s8.s32 v6;
	s3 =	sadd.s32 s5, s3;
	[dreg:$0x4] =	wrdreg s26;
	s5 =	sadd.s32 $0x2A800, s7;
	v3 =	vcombine.low v5, v3;
	v5 =	vimm.s32 $0x7060504  }
0x10: {  	vm2 =	vcmask $0x3F30;
	v0 =	vcombine.low v1, v0;
	s7 =	sadd.s32 $0x52800, s7;
	s25 =	simm.s32 $0x1B400;
	s26 =	simm.s32 $0x1C000;
	v5 =	vunpack.c.0.s8.s32 v5  }
0x11: {  	v1 =	vimm.f32 $0.0e+00;
	v4 =	vlaneseq.u32;
	v6 =	vand.u32 $0x3, v6;
	s9 =	sadd.s32 $0x66800, s3;
	s10 =	sadd.s32 $0x69800, s3;
	s11 =	sadd.s32 $0x6C800, s3  }
0x12: {  	s12 =	sadd.s32 $0x6F800, s3;
	s13 =	sadd.s32 $0x72800, s3;
	s14 =	sadd.s32 $0x75800, s3;
	v5 =	vsel vm2, v5, v6;
	vm2 =	vmmov $0xff;
	v6 =	vimm.s32 $0xF  }
.LBB2_5:
0x13: {  	v7 =	vmov s4  }
0x14: {  	s0 =	simm.s32 $0x1D800;
	[tilespmem:$0x1D800] =	vst v7  }
0x15: {  	[hbm4b:s8+s2] =	stream.linear.scatter [tilespmem:s0], [sflag:$0x1], $0x10, $0x38;
	[tilespmem:$0x1D880] =	vst v63  }
0x16: {  	_ =	swait.ge [sflag:s17], $0x10  }
0x17: {  	[sflag:s17] =	ssyncset.done $0x0  }
0x18: {  	[sflag:s17] =	ssyncadd.s32 $0xFFFFFFF0  }
0x19: {  	[hbm4b:s9+s30] =	stream.strided.scatter [tilespmem:s22], [sflag:$0x1], $0xC00, s31, s30, $0x38;
	[tilespmem:$0x1D880] =	vst v63  }
0x1a: {  	_ =	swait.ge [sflag:s17], $0xC00  }
0x1b: {  	[sflag:s17] =	ssyncset.done $0x0  }
0x1c: {  	[sflag:s17] =	ssyncadd.s32 $0xFFFFF400  }
0x1d: {  	[hbm4b:s10+s30] =	stream.strided.scatter [tilespmem:s23], [sflag:$0x1], $0xC00, s31, s30, $0x38;
	[tilespmem:$0x1D880] =	vst v63  }
0x1e: {  	_ =	swait.ge [sflag:s17], $0xC00  }
0x1f: {  	[sflag:s17] =	ssyncset.done $0x0  }
0x20: {  	[sflag:s17] =	ssyncadd.s32 $0xFFFFF400  }
0x21: {  	[hbm4b:s11+s30] =	stream.strided.scatter [tilespmem:s24], [sflag:$0x1], $0xC00, s31, s30, $0x38;
	[tilespmem:$0x1D880] =	vst v63  }
0x22: {  	_ =	swait.ge [sflag:s17], $0xC00  }
0x23: {  	[sflag:s17] =	ssyncset.done $0x0  }
0x24: {  	[sflag:s17] =	ssyncadd.s32 $0xFFFFF400  }
0x25: {  	[hbm4b:s12+s30] =	stream.strided.scatter [tilespmem:s25], [sflag:$0x1], $0xC00, s31, s30, $0x38;
	[tilespmem:$0x1D880] =	vst v63  }
0x26: {  	_ =	swait.ge [sflag:s17], $0xC00  }
0x27: {  	[sflag:s17] =	ssyncset.done $0x0  }
0x28: {  	[sflag:s17] =	ssyncadd.s32 $0xFFFFF400  }
0x29: {  	[hbm4b:s13+s30] =	stream.strided.scatter [tilespmem:s26], [sflag:$0x1], $0xC00, s31, s30, $0x38;
	[tilespmem:$0x1D880] =	vst v63  }
0x2a: {  	s1 =	sadd.s32 $0x1, s1;
	_ =	swait.ge [sflag:s17], $0xC00  }
0x2b: {  	p0 =	sne.s32 s1, s15;
	[sflag:s17] =	ssyncset.done $0x0  }
.Ltmp1:
0x2c: {  	[sflag:s17] =	ssyncadd.s32 $0xFFFFF400;
	(pc) =	sbr.rel @!p0 .LBB2_6-.Ltmp1, $4  }
0x2d: {  	[hbm4b:s14+s30] =	stream.strided.scatter [tilespmem:s28], [sflag:$0x1], $0xC00, s31, s30, $0x38;
	[tilespmem:$0x1D880] =	vst v63  }
0x2e: {  	_ =	swait.ge [sflag:s17], $0xC00  }
0x2f: {  	[sflag:s17] =	ssyncset.done $0x0  }
0x30: {  	[sflag:s17] =	ssyncadd.s32 $0xFFFFF400  }
.LBB2_1:
0x31: {  	s0 =	rddreg [dreg:$0x3]  }
0x32: {  	[tilespmem:s2], [sflag:$0x1] =	stream.linear.gather [hbm4b:s0+s2], $0x5000, $0x38;
	[tilespmem:$0x1D880] =	vst v63  }
0x33: {  	_ =	swait.ge [sflag:s17], $0x5000  }
0x34: {  	[sflag:s17] =	ssyncset.done $0x0  }
0x35: {  	s3 =	simm.s32 $0x5000;
	s18 =	rddreg [dreg:$0x4];
	[sflag:s17] =	ssyncadd.s32 $0xFFFFB000  }
0x36: {  	[tilespmem:s3], [sflag:$0x1] =	stream.linear.gather [hbm4b:s18+s2], $0x5000, $0x38;
	[tilespmem:$0x1D880] =	vst v63  }
0x37: {  	_ =	swait.ge [sflag:s17], $0x5000  }
0x38: {  	[sflag:s17] =	ssyncset.done $0x0  }
0x39: {  	s19 =	simm.s32 $0xA000;
	[sflag:s17] =	ssyncadd.s32 $0xFFFFB000  }
0x3a: {  	[tilespmem:s19], [sflag:$0x1] =	stream.linear.gather [hbm4b:s5+s2], $0x5000, $0x38;
	[tilespmem:$0x1D880] =	vst v63  }
0x3b: {  	_ =	swait.ge [sflag:s17], $0x5000  }
0x3c: {  	[sflag:s17] =	ssyncset.done $0x0  }
0x3d: {  	s20 =	simm.s32 $0xF000;
	[sflag:s17] =	ssyncadd.s32 $0xFFFFB000  }
0x3e: {  	[tilespmem:s20], [sflag:$0x1] =	stream.linear.gather [hbm4b:s6+s2], $0x5000, $0x38;
	[tilespmem:$0x1D880] =	vst v63  }
0x3f: {  	_ =	swait.ge [sflag:s17], $0x5000  }
0x40: {  	[sflag:s17] =	ssyncset.done $0x0  }
0x41: {  	s21 =	simm.s32 $0x14000;
	[sflag:s17] =	ssyncadd.s32 $0xFFFFB000  }
0x42: {  	[tilespmem:s21], [sflag:$0x1] =	stream.linear.gather [hbm4b:s7+s2], $0x5000, $0x38;
	[tilespmem:$0x1D880] =	vst v63  }
.Ltmp2:
0x43: {  	_ = 	snop;
	(pc) =	sbr.rel .LBB2_2-.Ltmp2, $4  }
0x44: {  	s29 =	simm.s32 $0x0;
	_ =	swait.ge [sflag:s17], $0x5000  }
0x45: {  	s4 =	simm.s32 $0x0;
	s0 =	simm.s32 $0x20;
	[sflag:s17] =	ssyncset.done $0x0  }
0x46: {  	s18 =	simm.s32 $0x5020;
	s19 =	simm.s32 $0xA020;
	[sflag:s17] =	ssyncadd.s32 $0xFFFFB000  }
0x47: {  	s20 =	simm.s32 $0xF020;
	s21 =	simm.s32 $0x14020;
	[smem:$0x0] =	sst s2  }
.LBB2_4:
0x48: {  	s29 =	sadd.s32 $0x50, s29  }
0x49: {  	p0 =	sne.s32 s29, $0x3200  }
.Ltmp3:
0x4a: {  	_ = 	snop;
	(pc) =	sbr.rel @!p0 .LBB2_5-.Ltmp3, $3  }
0x4b: {  	_ =	sdelay $0x1  }
0x4c: {  	s0 =	sadd.s32 $0x80, s0;
	s18 =	sadd.s32 $0x80, s18  }
0x4d: {  	s19 =	sadd.s32 $0x80, s19;
	s20 =	sadd.s32 $0x80, s20;
	s21 =	sadd.s32 $0x80, s21  }
.LBB2_2:
0x4e: {  	v9 =	vld [tilespmem:s0+$0x0]  }
0x4f: {  	v8 =	vld [tilespmem:s0+$0x10]  }
0x50: {  	v10 =	vld [tilespmem:s0+$0xFFFFFFF0]  }
0x51: {  	v11 =	vld [tilespmem:s0+$0xFFFFFFE0]  }
0x52: {  	v7 =	vld [tilespmem:s0+$0x20];
	_ =	sdelay $0x1  }
0x53: {  	vm5 =	vgt.f32 v9, $5.000000070e-02;
	vm4 =	vgt.f32 v8, $5.000000070e-02  }
0x54: {  	vm7 =	vgt.f32 v10, $5.000000070e-02;
	vm3 =	vmor vm5, vm4  }
0x55: {  	vm8 =	vgt.f32 v11, $5.000000070e-02;
	vm6 =	vmor vm7, vm3  }
0x56: {  	vm3 =	vgt.f32 v7, $5.000000070e-02;
	vm6 =	vmor vm8, vm6  }
0x57: {  	vm6 =	vmor vm3, vm6  }
0x58: {  	v12 =	vmpcnt.ones.xlane vm6;
	_ =	sdelay $0x1  }
0x59: {  	(v2sf) =	vpush v12, $0x0;
	_ =	sdelay $0xe  }
0x5a: {  	s3 =	spop (v2sf)  }
0x5b: {  	p0 =	slt.s32 s3, $0x1  }
.Ltmp4:
0x5c: {  	_ = 	snop;
	(pc) =	sbr.rel @p0 .LBB2_4-.Ltmp4, $1  }
0x5d: {  	_ =	sdelay $0x3  }
0x5e: {  	v12 =	vsel vm8, $0x3F800000, v1  }
0x5f: {  	v13 =	vperm.xlane v12, v0  }
0x60: {  	vm6 =	veq.s32 v4, $0x0  }
0x61: {  	v13 =	vsel vm6, $0x0, v13  }
0x62: {  	v12 =	vadd.f32 v13, v12;
	_ =	sdelay $0x1  }
0x63: {  	v13 =	vperm.xlane v12, v2;
	_ =	sdelay $0x1  }
0x64: {  	v13 =	vsel vm0, $0x0, v13  }
0x65: {  	v12 =	vadd.f32 v13, v12;
	_ =	sdelay $0x1  }
0x66: {  	v13 =	vperm.xlane v12, v3;
	_ =	sdelay $0x1  }
0x67: {  	v13 =	vsel vm1, $0x0, v13  }
0x68: {  	v12 =	vadd.f32 v13, v12;
	_ =	sdelay $0x1  }
0x69: {  	v13 =	vperm.xlane v12, v5;
	_ =	sdelay $0x1  }
0x6a: {  	v13 =	vsel vm2, $0x0, v13  }
0x6b: {  	v12 =	vadd.f32 v13, v12;
	_ =	sdelay $0x1  }
0x6c: {  	v12 =	vtrunc.f32 v12  }
0x6d: {  	v12 =	vcvt.f32.s32 v12;
	_ =	sdelay $0x1  }
0x6e: {  	v26 =	vadd.s32 s4, v12  }
0x6f: {  	v13 =	vadd.s32 $0xFFFFFFFF, v26  }
0x70: {  	v14 =	vsel vm7, $0x3F800000, v1  }
0x71: {  	v15 =	vperm.xlane v14, v0;
	_ =	sdelay $0x1  }
0x72: {  	s3 =	sadd.s32 s29, s16;
	v15 =	vsel vm6, $0x0, v15  }
0x73: {  	v16 =	vor.u32 s3, v4;
	v27 =	vadd.f32 v15, v14;
	[tilespmem:v13+s22+$0x0] =	vst.idx.msk vm8, v11  }
0x74: {  	[tilespmem:v13+s23+$0x0] =	vst.idx.msk vm8, v16  }
0x75: {  	v15 =	vperm.xlane v27, v2;
	v28 =	vld [tilespmem:s18+$0xFFFFFFE0];
	_ =	sdelay $0x1  }
0x76: {  	v15 =	vsel vm0, $0x0, v15  }
0x77: {  	v11 =	vadd.f32 v15, v27;
	_ =	sdelay $0x1  }
0x78: {  	v29 =	vperm.xlane v11, v3;
	[tilespmem:v13+s24+$0x0] =	vst.idx.msk vm8, v28  }
0x79: {  	v30 =	vld [tilespmem:s19+$0xFFFFFFE0]  }
0x7a: {  	v14 =	vsel vm1, $0x0, v29  }
0x7b: {  	v11 =	vadd.f32 v14, v11;
	_ =	sdelay $0x1  }
0x7c: {  	v14 =	vperm.xlane v11, v5  }
0x7d: {  	[tilespmem:v13+s25+$0x0] =	vst.idx.msk vm8, v30  }
0x7e: {  	v14 =	vsel vm2, $0x0, v14;
	v15 =	vld [tilespmem:s20+$0xFFFFFFE0]  }
0x7f: {  	v11 =	vadd.f32 v14, v11;
	_ =	sdelay $0x1  }
0x80: {  	v12 =	vperm.xlane v12, v6;
	v11 =	vtrunc.f32 v11  }
0x81: {  	v11 =	vcvt.f32.s32 v11  }
0x82: {  	v12 =	vadd.s32 s4, v12;
	[tilespmem:v13+s26+$0x0] =	vst.idx.msk vm8, v15  }
0x83: {  	v32 =	vadd.s32 v11, v12;
	v31 =	vld [tilespmem:s21+$0xFFFFFFE0]  }
0x84: {  	v15 =	vadd.s32 $0xFFFFFFFF, v32  }
0x85: {  	v33 =	vsel vm5, $0x3F800000, v1  }
0x86: {  	v17 =	vperm.xlane v33, v0;
	_ =	sdelay $0x1  }
0x87: {  	v34 =	vsel vm6, $0x0, v17;
	s4 =	sadd.s32 $0x10, s3;
	[tilespmem:v13+s28+$0x0] =	vst.idx.msk vm8, v31  }
0x88: {  	v36 =	vadd.f32 v34, v33;
	v35 =	vor.u32 s4, v4;
	[tilespmem:v15+s22+$0x0] =	vst.idx.msk vm7, v10  }
0x89: {  	[tilespmem:v15+s23+$0x0] =	vst.idx.msk vm7, v35  }
0x8a: {  	v38 =	vperm.xlane v36, v2;
	v37 =	vld [tilespmem:s18+$0xFFFFFFF0];
	_ =	sdelay $0x1  }
0x8b: {  	v14 =	vsel vm0, $0x0, v38  }
0x8c: {  	v10 =	vadd.f32 v14, v36;
	_ =	sdelay $0x1  }
0x8d: {  	v39 =	vperm.xlane v10, v3;
	[tilespmem:v15+s24+$0x0] =	vst.idx.msk vm7, v37  }
0x8e: {  	v40 =	vld [tilespmem:s19+$0xFFFFFFF0]  }
0x8f: {  	v13 =	vsel vm1, $0x0, v39  }
0x90: {  	v10 =	vadd.f32 v13, v10;
	_ =	sdelay $0x1  }
0x91: {  	v13 =	vperm.xlane v10, v5  }
0x92: {  	[tilespmem:v15+s25+$0x0] =	vst.idx.msk vm7, v40  }
0x93: {  	v13 =	vsel vm2, $0x0, v13;
	v14 =	vld [tilespmem:s20+$0xFFFFFFF0]  }
0x94: {  	v10 =	vadd.f32 v13, v10;
	_ =	sdelay $0x1  }
0x95: {  	v11 =	vperm.xlane v11, v6;
	v10 =	vtrunc.f32 v10  }
0x96: {  	v10 =	vcvt.f32.s32 v10  }
0x97: {  	v11 =	vadd.s32 v12, v11;
	[tilespmem:v15+s26+$0x0] =	vst.idx.msk vm7, v14  }
0x98: {  	v42 =	vadd.s32 v10, v11;
	v41 =	vld [tilespmem:s21+$0xFFFFFFF0]  }
0x99: {  	v13 =	vadd.s32 $0xFFFFFFFF, v42  }
0x9a: {  	v43 =	vsel vm4, $0x3F800000, v1  }
0x9b: {  	v44 =	vperm.xlane v43, v0;
	_ =	sdelay $0x1  }
0x9c: {  	v45 =	vsel vm6, $0x0, v44;
	s4 =	sadd.s32 $0x20, s3;
	[tilespmem:v15+s28+$0x0] =	vst.idx.msk vm7, v41  }
0x9d: {  	v47 =	vadd.f32 v45, v43;
	v46 =	vor.u32 s4, v4;
	[tilespmem:v13+s22+$0x0] =	vst.idx.msk vm5, v9  }
0x9e: {  	[tilespmem:v13+s23+$0x0] =	vst.idx.msk vm5, v46  }
0x9f: {  	v14 =	vperm.xlane v47, v2;
	v48 =	vld [tilespmem:s18+$0x0];
	_ =	sdelay $0x1  }
0xa0: {  	v14 =	vsel vm0, $0x0, v14  }
0xa1: {  	v9 =	vadd.f32 v14, v47;
	_ =	sdelay $0x1  }
0xa2: {  	v49 =	vperm.xlane v9, v3;
	[tilespmem:v13+s24+$0x0] =	vst.idx.msk vm5, v48  }
0xa3: {  	v50 =	vld [tilespmem:s19+$0x0]  }
0xa4: {  	v12 =	vsel vm1, $0x0, v49  }
0xa5: {  	v9 =	vadd.f32 v12, v9;
	_ =	sdelay $0x1  }
0xa6: {  	v12 =	vperm.xlane v9, v5  }
0xa7: {  	[tilespmem:v13+s25+$0x0] =	vst.idx.msk vm5, v50  }
0xa8: {  	v12 =	vsel vm2, $0x0, v12;
	v14 =	vld [tilespmem:s20+$0x0]  }
0xa9: {  	v9 =	vadd.f32 v12, v9;
	_ =	sdelay $0x1  }
0xaa: {  	v10 =	vperm.xlane v10, v6;
	v9 =	vtrunc.f32 v9  }
0xab: {  	v9 =	vcvt.f32.s32 v9  }
0xac: {  	v10 =	vadd.s32 v11, v10;
	[tilespmem:v13+s26+$0x0] =	vst.idx.msk vm5, v14  }
0xad: {  	v52 =	vadd.s32 v9, v10;
	v51 =	vld [tilespmem:s21+$0x0]  }
0xae: {  	v12 =	vadd.s32 $0xFFFFFFFF, v52  }
0xaf: {  	v53 =	vsel vm3, $0x3F800000, v1  }
0xb0: {  	v54 =	vperm.xlane v53, v0;
	_ =	sdelay $0x1  }
0xb1: {  	v55 =	vsel vm6, $0x0, v54;
	s4 =	sadd.s32 $0x30, s3;
	[tilespmem:v13+s28+$0x0] =	vst.idx.msk vm5, v51  }
0xb2: {  	v56 =	vor.u32 s4, v4;
	[tilespmem:v12+s22+$0x0] =	vst.idx.msk vm4, v8;
	v8 =	vadd.f32 v55, v53  }
0xb3: {  	[tilespmem:v12+s23+$0x0] =	vst.idx.msk vm4, v56  }
0xb4: {  	v57 =	vld [tilespmem:s18+$0x10];
	v58 =	vperm.xlane v8, v2;
	_ =	sdelay $0x1  }
0xb5: {  	v13 =	vsel vm0, $0x0, v58  }
0xb6: {  	v8 =	vadd.f32 v13, v8;
	_ =	sdelay $0x1  }
0xb7: {  	[tilespmem:v12+s24+$0x0] =	vst.idx.msk vm4, v57;
	v59 =	vperm.xlane v8, v3  }
0xb8: {  	v60 =	vld [tilespmem:s19+$0x10]  }
0xb9: {  	v11 =	vsel vm1, $0x0, v59  }
0xba: {  	v8 =	vadd.f32 v11, v8;
	_ =	sdelay $0x1  }
0xbb: {  	v11 =	vperm.xlane v8, v5  }
0xbc: {  	[tilespmem:v12+s25+$0x0] =	vst.idx.msk vm4, v60  }
0xbd: {  	v13 =	vld [tilespmem:s20+$0x10];
	v11 =	vsel vm2, $0x0, v11  }
0xbe: {  	v8 =	vadd.f32 v11, v8;
	_ =	sdelay $0x1  }
0xbf: {  	v9 =	vperm.xlane v9, v6;
	v8 =	vtrunc.f32 v8  }
0xc0: {  	v8 =	vcvt.f32.s32 v8  }
0xc1: {  	v9 =	vadd.s32 v10, v9;
	[tilespmem:v12+s26+$0x0] =	vst.idx.msk vm4, v13  }
0xc2: {  	v61 =	vld [tilespmem:s21+$0x10];
	v62 =	vadd.s32 v8, v9  }
0xc3: {  	v11 =	vadd.s32 $0xFFFFFFFF, v62;
	_ =	sdelay $0x3  }
0xc4: {  	s3 =	sadd.s32 $0x40, s3;
	[tilespmem:v12+s28+$0x0] =	vst.idx.msk vm4, v61  }
0xc5: {  	v63 =	vor.u32 s3, v4;
	[tilespmem:v11+s22+$0x0] =	vst.idx.msk vm3, v7  }
0xc6: {  	[tilespmem:v11+s23+$0x0] =	vst.idx.msk vm3, v63  }
0xc7: {  	v7 =	vld [tilespmem:s18+$0x20];
	_ =	sdelay $0x3  }
0xc8: {  	v8 =	vperm.xlane v8, v6  }
0xc9: {  	[tilespmem:v11+s24+$0x0] =	vst.idx.msk vm3, v7  }
0xca: {  	v8 =	vadd.s32 v9, v8;
	v7 =	vld [tilespmem:s19+$0x20]  }
0xcb: {  	(v2sf) =	vpush v8, $0x0;
	_ =	sdelay $0x3  }
0xcc: {  	[tilespmem:v11+s25+$0x0] =	vst.idx.msk vm3, v7  }
0xcd: {  	v7 =	vld [tilespmem:s20+$0x20];
	_ =	sdelay $0x4  }
0xce: {  	[tilespmem:v11+s26+$0x0] =	vst.idx.msk vm3, v7  }
0xcf: {  	v7 =	vld [tilespmem:s21+$0x20]  }
.Ltmp5:
0xd0: {  	_ = 	snop;
	(pc) =	sbr.rel .LBB2_4-.Ltmp5, $3  }
0xd1: {  	_ =	sdelay $0x1  }
0xd2: {  	s4 =	spop (v2sf)  }
0xd3: {  	[smem:$0x0] =	sst s4;
	[tilespmem:v11+s28+$0x0] =	vst.idx.msk vm3, v7  }
.LBB2_6:
0xd4: {  	_ =	sfence.sel $0x180000  }
0xd5: {  	[bflag:$0x0] =	sbarrier.arrive $0xFFFF  }
0xd6: {  	_ =	strace $0x90000047  }
0xd7: {  	s0 =	stileid.u32;
	[bflag:$0x2] =	sbarrier.arrive $0xFFFF  }
0xd8: {  	p0 =	sne.s32 s0, $0x0;
	s0 =	rddreg [dreg:$0x2]  }
0xd9: {  	s0 =	sadd.s32 @!p0 $0x100000, s0  }
0xda: {  	[sflag:s0] =	ssyncadd.tile.s32 @!p0 $0x1;
	_ =	shalt  }
.Lfunc_end2:
_tile_overlayer_lowered:
.L_overlay_start_2:
0xdb: {  	(tag) =	ssettag $0x2  }
0xdc: {  	s0 =	rddreg [dreg:$0x0];
	s2 =	stileid.u32  }
0xdd: {  	s1 =	rddreg [dreg:$0x1];
	p0 =	sne.s32 s2, $0x0  }
0xde: {  	s3 =	rddreg [dreg:$0x2];
	[bflag:$0x3] =	sbarrier.arrive $0xFFFF;
	s2 =	simm.s32 @!p0 $0x1C01  }
0xdf: {  	[timem:s3], [sflag:s2] =	dma.local @!p0 [hbm:s0], s1  }
0xe0: {  	s0 =	simm.s32 @!p0 $0x1  }
0xe1: {  	_ =	swait.ge @!p0 [sflag:s0], s1  }
0xe2: {  	s1 =	ssub.s32 @!p0 $0x0, s1;
	[sflag:s0] =	ssyncset.done @!p0 $0x0  }
0xe3: {  	[sflag:s0] =	ssyncadd.s32 @!p0 s1  }
0xe4: {  	[bflag:$0x3] =	sbarrier.arrive $0xFFFF  }
0xe5: {  	_ =	shalt  }

</sc_bundles>
